<compile_context>
chip_gen: v7x
topology: tpu7x:2x2x1
jax: 0.10.2.dev20260603
libtpu: 0.0.44.dev20260713+nightly
codegen_flags: <defaults>
</compile_context>

<pallas_src>
import functools

import jax
import jax.numpy as jnp
from jax import lax
from jax.experimental import pallas as pl
from jax.experimental.pallas import tpu as pltpu
from jax.experimental.pallas import tpu_sc as plsc

N_NODES = 10000
N_EDGES = 320000
NP = 10240

NC = 2
NS = 16
NW = NC * NS
PW = 128
T = 79
RPT = NP // NS
HPT = NP // NS

_SC_MESH = dict(core_axis_name="c", subcore_axis_name="s",
                num_cores=NC, num_subcores=NS)
_SC_PARAMS = pltpu.CompilerParams(use_tc_tiling_on_sc=False)


def _degree_kernel(srcx, dstx, degp, src_v, dst_v, ones_v, zb_v, hsrc, hdst):
    c = lax.axis_index("c")
    s = lax.axis_index("s")
    w = c * NS + s

    def _fill(i, _):
        zb_v[pl.ds(i * 16, 16)] = jnp.zeros((16,), jnp.float32)
        return 0
    lax.fori_loop(0, HPT // 16, _fill, 0)
    for i in range(PW // 16):
        ones_v[pl.ds(i * 16, 16)] = jnp.ones((16,), jnp.float32)

    pltpu.sync_copy(zb_v, hsrc.at[pl.ds(s * HPT, HPT)])
    pltpu.sync_copy(zb_v, hdst.at[pl.ds(s * HPT, HPT)])

    pltpu.sync_copy(srcx.at[w], src_v)
    pltpu.sync_copy(dstx.at[w], dst_v)
    plsc.subcore_barrier()

    def _body(j, _):
        pltpu.sync_copy(ones_v, hsrc.at[src_v.at[j]], add=True)
        pltpu.sync_copy(ones_v, hdst.at[dst_v.at[j]], add=True)
        return 0
    lax.fori_loop(0, T, _body, 0)

    plsc.subcore_barrier()
    pltpu.sync_copy(hsrc.at[pl.ds(s * HPT, HPT)],
                    degp.at[pl.ds((c * 2 + 0) * NP + s * HPT, HPT)])
    pltpu.sync_copy(hdst.at[pl.ds(s * HPT, HPT)],
                    degp.at[pl.ds((c * 2 + 1) * NP + s * HPT, HPT)])


_degree_call = functools.partial(
    pl.kernel,
    out_type=jax.ShapeDtypeStruct((NC * 2 * NP,), jnp.float32),
    mesh=plsc.VectorSubcoreMesh(**_SC_MESH),
    scratch_types=[
        pltpu.VMEM((T, PW), jnp.int32),
        pltpu.VMEM((T, PW), jnp.int32),
        pltpu.VMEM((PW,), jnp.float32),
        pltpu.VMEM((HPT,), jnp.float32),
        pltpu.VMEM_SHARED((NP,), jnp.float32),
        pltpu.VMEM_SHARED((NP,), jnp.float32),
    ],
    compiler_params=_SC_PARAMS,
)(_degree_kernel)


def _prop_kernel(feats, srcx, dstx, part, src_v, dst_v, rows0, rows1, acc,
                 sem0, sem1, *, col_split):
    c = lax.axis_index("c")
    s = lax.axis_index("s")

    def _fill(r, _):
        for i in range(4):
            rows0[r, pl.ds(i * 16, 16)] = jnp.zeros((16,), jnp.float32)
        return 0
    lax.fori_loop(0, PW, _fill, 0)
    base = s * RPT
    for k in range(RPT // PW):
        pltpu.sync_copy(rows0, acc.at[pl.ds(base + k * PW, PW)])

    def _wait(buf, sem):
        pltpu.make_async_copy(feats.at[pl.ds(0, PW)], buf, sem).wait()

    def _run(w, offset):
        pltpu.sync_copy(srcx.at[w], src_v)
        pltpu.sync_copy(dstx.at[w], dst_v)
        if offset:
            @pl.when(c == 1)
            def _():
                def _off(j, _):
                    for i in range(PW // 16):
                        src_v[j, pl.ds(i * 16, 16)] = (
                            src_v[j, pl.ds(i * 16, 16)] + NP)
                    return 0
                lax.fori_loop(0, T, _off, 0)
        plsc.subcore_barrier()
        pltpu.async_copy(feats.at[src_v.at[0]], rows0, sem0)

        def _body(i, _):
            j0 = 2 * i
            _wait(rows0, sem0)
            pltpu.async_copy(feats.at[src_v.at[j0 + 1]], rows1, sem1)
            pltpu.sync_copy(rows0, acc.at[dst_v.at[j0]], add=True)
            _wait(rows1, sem1)
            pltpu.async_copy(feats.at[src_v.at[j0 + 2]], rows0, sem0)
            pltpu.sync_copy(rows1, acc.at[dst_v.at[j0 + 1]], add=True)
            return 0
        lax.fori_loop(0, (T - 1) // 2 if T % 2 else T // 2 - 1, _body, 0)

        _wait(rows0, sem0)
        if T % 2:
            pltpu.sync_copy(rows0, acc.at[dst_v.at[T - 1]], add=True)
        else:
            pltpu.async_copy(feats.at[src_v.at[T - 1]], rows1, sem1)
            pltpu.sync_copy(rows0, acc.at[dst_v.at[T - 2]], add=True)
            _wait(rows1, sem1)
            pltpu.sync_copy(rows1, acc.at[dst_v.at[T - 1]], add=True)

    if col_split:
        _run(s, True)
        _run(s + NS, True)
    else:
        _run(c * NS + s, False)

    plsc.subcore_barrier()
    pltpu.sync_copy(acc.at[pl.ds(base, RPT)], part.at[c, pl.ds(base, RPT)])


def _make_prop(col_split):
    return functools.partial(
        pl.kernel,
        out_type=jax.ShapeDtypeStruct((NC, NP, 64), jnp.float32),
        mesh=plsc.VectorSubcoreMesh(**_SC_MESH),
        scratch_types=[
            pltpu.VMEM((T, PW), jnp.int32),
            pltpu.VMEM((T, PW), jnp.int32),
            pltpu.VMEM((PW, 64), jnp.float32),
            pltpu.VMEM((PW, 64), jnp.float32),
            pltpu.VMEM_SHARED((NP, 64), jnp.float32),
            pltpu.SemaphoreType.DMA,
            pltpu.SemaphoreType.DMA,
        ],
        compiler_params=_SC_PARAMS,
    )(functools.partial(_prop_kernel, col_split=col_split))


_prop1_call = _make_prop(True)
_prop2_call = _make_prop(False)


_R = 2048
_GRID = (NP // _R,)


def _norms(degp_ref):
    deg_out = degp_ref[0, 0, :] + degp_ref[1, 0, :]
    deg_in = degp_ref[0, 1, :] + degp_ref[1, 1, :]
    no = lax.rsqrt(jnp.maximum(deg_out, 1.0))
    ni = lax.rsqrt(jnp.maximum(deg_in, 1.0))
    return no, ni


def _scale_kernel(x_ref, degp_ref, out_ref):
    no, _ = _norms(degp_ref)
    xn = x_ref[...] * no[:, None]
    out_ref[0] = xn[:, :64]
    out_ref[1] = xn[:, 64:]


def _mid_kernel(p_ref, degp_ref, w1_ref, b1_ref, w2_ref, out_ref):
    no, ni = _norms(degp_ref)
    agg = jnp.concatenate([p_ref[0], p_ref[1]], axis=1) * ni[:, None]
    h = jnp.maximum(jnp.dot(agg, w1_ref[...], preferred_element_type=jnp.float32)
                    + b1_ref[...], 0.0)
    out_ref[...] = jnp.dot(h, w2_ref[...],
                           preferred_element_type=jnp.float32) * no[:, None]


def _final_kernel(q_ref, degp_ref, b2_ref, out_ref):
    _, ni = _norms(degp_ref)
    out_ref[...] = (q_ref[0] + q_ref[1]) * ni[:, None] + b2_ref[...]


_DEGP_SPEC = pl.BlockSpec((NC, 2, _R), lambda i: (0, 0, i))


def _tc_scale(x, degp):
    return pl.pallas_call(
        _scale_kernel,
        grid=_GRID,
        in_specs=[pl.BlockSpec((_R, 128), lambda i: (i, 0)), _DEGP_SPEC],
        out_specs=pl.BlockSpec((NC, _R, 64), lambda i: (0, i, 0)),
        out_shape=jax.ShapeDtypeStruct((NC, NP, 64), jnp.float32),
    )(x, degp)


def _tc_mid(p, degp, W1, b1, W2):
    return pl.pallas_call(
        _mid_kernel,
        grid=_GRID,
        in_specs=[
            pl.BlockSpec((NC, _R, 64), lambda i: (0, i, 0)),
            _DEGP_SPEC,
            pl.BlockSpec((128, 128), lambda i: (0, 0)),
            pl.BlockSpec((1, 128), lambda i: (0, 0)),
            pl.BlockSpec((128, 64), lambda i: (0, 0)),
        ],
        out_specs=pl.BlockSpec((_R, 64), lambda i: (i, 0)),
        out_shape=jax.ShapeDtypeStruct((NP, 64), jnp.float32),
    )(p, degp, W1, b1, W2)


def _tc_final(q, degp, b2):
    return pl.pallas_call(
        _final_kernel,
        grid=_GRID,
        in_specs=[
            pl.BlockSpec((NC, _R, 64), lambda i: (0, i, 0)),
            _DEGP_SPEC,
            pl.BlockSpec((1, 64), lambda i: (0, 0)),
        ],
        out_specs=pl.BlockSpec((_R, 64), lambda i: (i, 0)),
        out_shape=jax.ShapeDtypeStruct((N_NODES, 64), jnp.float32),
    )(q, degp, b2)


def kernel(in_feat, edge_index, W1, b1, W2, b2):
    er = edge_index.astype(jnp.int32).reshape(2 * NW, N_EDGES // NW)
    npad = T * PW - N_EDGES // NW
    padv = N_NODES + (jnp.arange(npad, dtype=jnp.int32) % (NP - N_NODES))
    pads = jnp.broadcast_to(padv, (2 * NW, npad))
    ep = jnp.concatenate([er, pads], axis=1).reshape(2, NW, T, PW)
    srcx = ep[0]
    dstx = ep[1]

    degp = _degree_call(srcx, dstx).reshape(NC, 2, NP)
    xn1 = _tc_scale(in_feat, degp).reshape(NC * NP, 64)
    p1 = _prop1_call(xn1, srcx, dstx)
    g = _tc_mid(p1, degp, W1.astype(jnp.float32), b1.reshape(1, 128),
                W2.astype(jnp.float32))
    p2 = _prop2_call(g, srcx, dstx)
    return _tc_final(p2, degp, b2.reshape(1, 64))

# --- scband reference (transcript-rebuilt; emitter-appended) ---
"""Pipeline reference for scband-gcn-42494406427535 (READ-ONLY COPY).

The authoritative reference and input builder live on the scoring server;
editing this copy changes nothing except your own understanding.
"""

import jax, jax.numpy as jnp
import numpy as np

N_NODES = 10000
N_EDGES = 320000
IN_FEATS = 128
HIDDEN_FEATS = 128
NUM_CLASSES = 64


def setup_inputs(seed: int = 0) -> dict:
    key = jax.random.key(seed)
    k1, k2, k3, k4, k5, k6 = jax.random.split(key, 6)
    in_feat = jax.random.normal(k1, (N_NODES, IN_FEATS), dtype=jnp.float32)
    edge_index = jax.random.randint(k2, (2, N_EDGES), 0, N_NODES, dtype=jnp.int64)
    # GraphConv parameters (Glorot-style scale)
    W1 = jax.random.normal(k3, (IN_FEATS, HIDDEN_FEATS), dtype=jnp.float32) * (1.0 / np.sqrt(IN_FEATS))
    b1 = jnp.zeros((HIDDEN_FEATS,), dtype=jnp.float32)
    W2 = jax.random.normal(k4, (HIDDEN_FEATS, NUM_CLASSES), dtype=jnp.float32) * (1.0 / np.sqrt(HIDDEN_FEATS))
    b2 = jnp.zeros((NUM_CLASSES,), dtype=jnp.float32)
    return {"in_feat": in_feat, "edge_index": edge_index, "W1": W1, "b1": b1, "W2": W2, "b2": b2}


def _graph_conv(x, edge_index, W, b):
    # DGL GraphConv with norm='both': D_out^{-1/2} A D_in^{-1/2} X W + b
    n = x.shape[0]
    src = edge_index[0]
    dst = edge_index[1]
    ones = jnp.ones((edge_index.shape[1],), dtype=jnp.float32)
    deg_out = jnp.zeros((n,), dtype=jnp.float32).at[src].add(ones)
    deg_in = jnp.zeros((n,), dtype=jnp.float32).at[dst].add(ones)
    norm_out = jnp.power(jnp.maximum(deg_out, 1.0), -0.5)
    norm_in = jnp.power(jnp.maximum(deg_in, 1.0), -0.5)
    h = x * norm_out[:, None]
    msgs = jnp.take(h, src, axis=0)              # gather source features
    agg = jnp.zeros((n, x.shape[1]), dtype=x.dtype).at[dst].add(msgs)  # scatter-add
    agg = agg * norm_in[:, None]
    return agg @ W + b


def reference(in_feat, edge_index, W1, b1, W2, b2):
    h = _graph_conv(in_feat, edge_index, W1, b1)
    h = jax.nn.relu(h)
    # Dropout is identity at inference (eval mode)
    out = _graph_conv(h, edge_index, W2, b2)
    return out

if __name__ == "__main__":
    import jax
    _d = setup_inputs()
    print(jax.jit(kernel)(*tuple(_d.values())))

</pallas_src>

<mosaic_0001>
#map = affine_map<(d0, d1) -> (0, 0)>
#map1 = affine_map<(d0, d1) -> (0, 0, 0)>
module attributes {stable_mosaic.version = 14 : i64} {
  func.func @_prop_kernel(%arg0: i32, %arg1: i32, %arg2: memref<10240x64xf32, #tpu.memory_space<hbm>>, %arg3: memref<32x79x128xi32, #tpu.memory_space<hbm>>, %arg4: memref<32x79x128xi32, #tpu.memory_space<hbm>>, %arg5: memref<2x10240x64xf32, #tpu.memory_space<hbm>>, %arg6: memref<79x128xi32, #tpu.memory_space<vmem>>, %arg7: memref<79x128xi32, #tpu.memory_space<vmem>>, %arg8: memref<128x64xf32, #tpu.memory_space<vmem>>, %arg9: memref<128x64xf32, #tpu.memory_space<vmem>>, %arg10: memref<10240x64xf32, #tpu.memory_space<vmem_shared>>, %arg11: memref<!tpu.dma_semaphore, #tpu.memory_space<semaphore_mem>>, %arg12: memref<!tpu.dma_semaphore, #tpu.memory_space<semaphore_mem>>) attributes {dimension_semantics = [#tpu.dimension_semantics<core_parallel>, #tpu.dimension_semantics<subcore_parallel>], iteration_bounds = array<i64: 2, 16>, scalar_prefetch = 0 : i64, scratch_operands = 7 : i64, tpu.core_type = #tpu.core_type<sc_vector_subcore>, window_params = [{transform_indices = #map}, {transform_indices = #map1}, {transform_indices = #map1}, {transform_indices = #map1}]} {
    %scan3A = arith.constant 0 : i32
    %scan3A_0 = arith.constant 0 : i32
    %scan3A_1 = arith.constant 128 : i32
    %scan3A_2 = arith.addi %scan3A_0, %scan3A_1 : i32
    %scan3A_3 = arith.constant 1 : i32
    %scan3A_4 = scf.for %scan3A_38 = %scan3A_0 to %scan3A_2 step %scan3A_3 iter_args(%scan3A_39 = %scan3A) -> (i32)  : i32 {
      %broadcast_in_dim3A = arith.constant 0.000000e+00 : f32
      %broadcast_in_dim3A_40 = vector.broadcast %broadcast_in_dim3A : f32 to vector<16xf32>
      %swap3A = arith.index_cast %scan3A_38 : i32 to index
      %swap3A_41 = arith.constant 0 : index
      %swap3A_42 = tpu.vector_load %arg8[%swap3A, %swap3A_41] {strides = array<i32>} : memref<128x64xf32, #tpu.memory_space<vmem>>, vector<1x16xf32>,
      %swap3A_43 = vector.shape_cast %swap3A_42 : vector<1x16xf32> to vector<16xf32>
      %swap3A_44 = vector.shape_cast %broadcast_in_dim3A_40 : vector<16xf32> to vector<1x16xf32>
      tpu.vector_store %arg8[%swap3A, %swap3A_41], %swap3A_44 {strides = array<i32>} : memref<128x64xf32, #tpu.memory_space<vmem>>, vector<1x16xf32>,
      %broadcast_in_dim3A_45 = arith.constant 0.000000e+00 : f32
      %broadcast_in_dim3A_46 = vector.broadcast %broadcast_in_dim3A_45 : f32 to vector<16xf32>
      %swap3A_47 = arith.index_cast %scan3A_38 : i32 to index
      %swap3A_48 = arith.constant 16 : index
      %swap3A_49 = tpu.vector_load %arg8[%swap3A_47, %swap3A_48] {strides = array<i32>} : memref<128x64xf32, #tpu.memory_space<vmem>>, vector<1x16xf32>,
      %swap3A_50 = vector.shape_cast %swap3A_49 : vector<1x16xf32> to vector<16xf32>
      %swap3A_51 = vector.shape_cast %broadcast_in_dim3A_46 : vector<16xf32> to vector<1x16xf32>
      tpu.vector_store %arg8[%swap3A_47, %swap3A_48], %swap3A_51 {strides = array<i32>} : memref<128x64xf32, #tpu.memory_space<vmem>>, vector<1x16xf32>,
      %broadcast_in_dim3A_52 = arith.constant 0.000000e+00 : f32
      %broadcast_in_dim3A_53 = vector.broadcast %broadcast_in_dim3A_52 : f32 to vector<16xf32>
      %swap3A_54 = arith.index_cast %scan3A_38 : i32 to index
      %swap3A_55 = arith.constant 32 : index
      %swap3A_56 = tpu.vector_load %arg8[%swap3A_54, %swap3A_55] {strides = array<i32>} : memref<128x64xf32, #tpu.memory_space<vmem>>, vector<1x16xf32>,
      %swap3A_57 = vector.shape_cast %swap3A_56 : vector<1x16xf32> to vector<16xf32>
      %swap3A_58 = vector.shape_cast %broadcast_in_dim3A_53 : vector<16xf32> to vector<1x16xf32>
      tpu.vector_store %arg8[%swap3A_54, %swap3A_55], %swap3A_58 {strides = array<i32>} : memref<128x64xf32, #tpu.memory_space<vmem>>, vector<1x16xf32>,
      %broadcast_in_dim3A_59 = arith.constant 0.000000e+00 : f32
      %broadcast_in_dim3A_60 = vector.broadcast %broadcast_in_dim3A_59 : f32 to vector<16xf32>
      %swap3A_61 = arith.index_cast %scan3A_38 : i32 to index
      %swap3A_62 = arith.constant 48 : index
      %swap3A_63 = tpu.vector_load %arg8[%swap3A_61, %swap3A_62] {strides = array<i32>} : memref<128x64xf32, #tpu.memory_space<vmem>>, vector<1x16xf32>,
      %swap3A_64 = vector.shape_cast %swap3A_63 : vector<1x16xf32> to vector<16xf32>
      %swap3A_65 = vector.shape_cast %broadcast_in_dim3A_60 : vector<16xf32> to vector<1x16xf32>
      tpu.vector_store %arg8[%swap3A_61, %swap3A_62], %swap3A_65 {strides = array<i32>} : memref<128x64xf32, #tpu.memory_space<vmem>>, vector<1x16xf32>,
      %scan3A_66 = arith.constant 0 : i32
      scf.yield %scan3A_66 : i32
    }
    %scan3A_5 = arith.constant 128 : i32
    %mul3A = arith.constant 640 : i32
    %mul3A_6 = arith.muli %arg1, %mul3A : i32
    %add3A = arith.constant 0 : i32
    %add3A_7 = arith.addi %mul3A_6, %add3A : i32
    "tpu.region"() ({
      %run_scoped3A_38 = tpu.sem_alloc : memref<!tpu.dma_semaphore, #tpu.memory_space<semaphore_mem>>
      %dma_start3A_39 = arith.constant 0 : i32
      %dma_start3A_40 = tpu.memref_slice %arg10[%add3A_7, %dma_start3A_39] : memref<10240x64xf32, #tpu.memory_space<vmem_shared>> -> memref<128x64xf32, #tpu.memory_space<vmem_shared>>
      %dma_start3A_41 = arith.constant 0 : i32
      %dma_start3A_42 = tpu.memref_slice %arg10[%add3A_7, %dma_start3A_41] : memref<10240x64xf32, #tpu.memory_space<vmem_shared>> -> memref<128x64xf32, #tpu.memory_space<vmem_shared>>
      tpu.enqueue_dma source(%arg8 : memref<128x64xf32, #tpu.memory_space<vmem>>) target(%dma_start3A_42 : memref<128x64xf32, #tpu.memory_space<vmem_shared>>) target_semaphore(%run_scoped3A_38 : memref<!tpu.dma_semaphore, #tpu.memory_space<semaphore_mem>>)
      %dma_wait3A_43 = arith.constant 0 : i32
      %dma_wait3A_44 = tpu.memref_slice %arg10[%add3A_7, %dma_wait3A_43] : memref<10240x64xf32, #tpu.memory_space<vmem_shared>> -> memref<128x64xf32, #tpu.memory_space<vmem_shared>>
      %dma_wait3A_45 = arith.constant 0 : i32
      %dma_wait3A_46 = tpu.memref_slice %arg10[%add3A_7, %dma_wait3A_45] : memref<10240x64xf32, #tpu.memory_space<vmem_shared>> -> memref<128x64xf32, #tpu.memory_space<vmem_shared>>
      tpu.wait_dma2 semaphore(%run_scoped3A_38 : memref<!tpu.dma_semaphore, #tpu.memory_space<semaphore_mem>>) src(%arg8 : memref<128x64xf32, #tpu.memory_space<vmem>>) dst(%dma_wait3A_46 : memref<128x64xf32, #tpu.memory_space<vmem_shared>>)
      tpu.yield
    }) : () -> ()
    %add3A_8 = arith.constant 128 : i32
    %add3A_9 = arith.addi %mul3A_6, %add3A_8 : i32
    "tpu.region"() ({
      %run_scoped3A_38 = tpu.sem_alloc : memref<!tpu.dma_semaphore, #tpu.memory_space<semaphore_mem>>
      %dma_start3A_39 = arith.constant 0 : i32
      %dma_start3A_40 = tpu.memref_slice %arg10[%add3A_9, %dma_start3A_39] : memref<10240x64xf32, #tpu.memory_space<vmem_shared>> -> memref<128x64xf32, #tpu.memory_space<vmem_shared>>
      %dma_start3A_41 = arith.constant 0 : i32
      %dma_start3A_42 = tpu.memref_slice %arg10[%add3A_9, %dma_start3A_41] : memref<10240x64xf32, #tpu.memory_space<vmem_shared>> -> memref<128x64xf32, #tpu.memory_space<vmem_shared>>
      tpu.enqueue_dma source(%arg8 : memref<128x64xf32, #tpu.memory_space<vmem>>) target(%dma_start3A_42 : memref<128x64xf32, #tpu.memory_space<vmem_shared>>) target_semaphore(%run_scoped3A_38 : memref<!tpu.dma_semaphore, #tpu.memory_space<semaphore_mem>>)
      %dma_wait3A_43 = arith.constant 0 : i32
      %dma_wait3A_44 = tpu.memref_slice %arg10[%add3A_9, %dma_wait3A_43] : memref<10240x64xf32, #tpu.memory_space<vmem_shared>> -> memref<128x64xf32, #tpu.memory_space<vmem_shared>>
      %dma_wait3A_45 = arith.constant 0 : i32
      %dma_wait3A_46 = tpu.memref_slice %arg10[%add3A_9, %dma_wait3A_45] : memref<10240x64xf32, #tpu.memory_space<vmem_shared>> -> memref<128x64xf32, #tpu.memory_space<vmem_shared>>
      tpu.wait_dma2 semaphore(%run_scoped3A_38 : memref<!tpu.dma_semaphore, #tpu.memory_space<semaphore_mem>>) src(%arg8 : memref<128x64xf32, #tpu.memory_space<vmem>>) dst(%dma_wait3A_46 : memref<128x64xf32, #tpu.memory_space<vmem_shared>>)
      tpu.yield
    }) : () -> ()
    %add3A_10 = arith.constant 256 : i32
    %add3A_11 = arith.addi %mul3A_6, %add3A_10 : i32
    "tpu.region"() ({
      %run_scoped3A_38 = tpu.sem_alloc : memref<!tpu.dma_semaphore, #tpu.memory_space<semaphore_mem>>
      %dma_start3A_39 = arith.constant 0 : i32
      %dma_start3A_40 = tpu.memref_slice %arg10[%add3A_11, %dma_start3A_39] : memref<10240x64xf32, #tpu.memory_space<vmem_shared>> -> memref<128x64xf32, #tpu.memory_space<vmem_shared>>
      %dma_start3A_41 = arith.constant 0 : i32
      %dma_start3A_42 = tpu.memref_slice %arg10[%add3A_11, %dma_start3A_41] : memref<10240x64xf32, #tpu.memory_space<vmem_shared>> -> memref<128x64xf32, #tpu.memory_space<vmem_shared>>
      tpu.enqueue_dma source(%arg8 : memref<128x64xf32, #tpu.memory_space<vmem>>) target(%dma_start3A_42 : memref<128x64xf32, #tpu.memory_space<vmem_shared>>) target_semaphore(%run_scoped3A_38 : memref<!tpu.dma_semaphore, #tpu.memory_space<semaphore_mem>>)
      %dma_wait3A_43 = arith.constant 0 : i32
      %dma_wait3A_44 = tpu.memref_slice %arg10[%add3A_11, %dma_wait3A_43] : memref<10240x64xf32, #tpu.memory_space<vmem_shared>> -> memref<128x64xf32, #tpu.memory_space<vmem_shared>>
      %dma_wait3A_45 = arith.constant 0 : i32
      %dma_wait3A_46 = tpu.memref_slice %arg10[%add3A_11, %dma_wait3A_45] : memref<10240x64xf32, #tpu.memory_space<vmem_shared>> -> memref<128x64xf32, #tpu.memory_space<vmem_shared>>
      tpu.wait_dma2 semaphore(%run_scoped3A_38 : memref<!tpu.dma_semaphore, #tpu.memory_space<semaphore_mem>>) src(%arg8 : memref<128x64xf32, #tpu.memory_space<vmem>>) dst(%dma_wait3A_46 : memref<128x64xf32, #tpu.memory_space<vmem_shared>>)
      tpu.yield
    }) : () -> ()
    %add3A_12 = arith.constant 384 : i32
    %add3A_13 = arith.addi %mul3A_6, %add3A_12 : i32
    "tpu.region"() ({
      %run_scoped3A_38 = tpu.sem_alloc : memref<!tpu.dma_semaphore, #tpu.memory_space<semaphore_mem>>
      %dma_start3A_39 = arith.constant 0 : i32
      %dma_start3A_40 = tpu.memref_slice %arg10[%add3A_13, %dma_start3A_39] : memref<10240x64xf32, #tpu.memory_space<vmem_shared>> -> memref<128x64xf32, #tpu.memory_space<vmem_shared>>
      %dma_start3A_41 = arith.constant 0 : i32
      %dma_start3A_42 = tpu.memref_slice %arg10[%add3A_13, %dma_start3A_41] : memref<10240x64xf32, #tpu.memory_space<vmem_shared>> -> memref<128x64xf32, #tpu.memory_space<vmem_shared>>
      tpu.enqueue_dma source(%arg8 : memref<128x64xf32, #tpu.memory_space<vmem>>) target(%dma_start3A_42 : memref<128x64xf32, #tpu.memory_space<vmem_shared>>) target_semaphore(%run_scoped3A_38 : memref<!tpu.dma_semaphore, #tpu.memory_space<semaphore_mem>>)
      %dma_wait3A_43 = arith.constant 0 : i32
      %dma_wait3A_44 = tpu.memref_slice %arg10[%add3A_13, %dma_wait3A_43] : memref<10240x64xf32, #tpu.memory_space<vmem_shared>> -> memref<128x64xf32, #tpu.memory_space<vmem_shared>>
      %dma_wait3A_45 = arith.constant 0 : i32
      %dma_wait3A_46 = tpu.memref_slice %arg10[%add3A_13, %dma_wait3A_45] : memref<10240x64xf32, #tpu.memory_space<vmem_shared>> -> memref<128x64xf32, #tpu.memory_space<vmem_shared>>
      tpu.wait_dma2 semaphore(%run_scoped3A_38 : memref<!tpu.dma_semaphore, #tpu.memory_space<semaphore_mem>>) src(%arg8 : memref<128x64xf32, #tpu.memory_space<vmem>>) dst(%dma_wait3A_46 : memref<128x64xf32, #tpu.memory_space<vmem_shared>>)
      tpu.yield
    }) : () -> ()
    %add3A_14 = arith.constant 512 : i32
    %add3A_15 = arith.addi %mul3A_6, %add3A_14 : i32
    "tpu.region"() ({
      %run_scoped3A_38 = tpu.sem_alloc : memref<!tpu.dma_semaphore, #tpu.memory_space<semaphore_mem>>
      %dma_start3A_39 = arith.constant 0 : i32
      %dma_start3A_40 = tpu.memref_slice %arg10[%add3A_15, %dma_start3A_39] : memref<10240x64xf32, #tpu.memory_space<vmem_shared>> -> memref<128x64xf32, #tpu.memory_space<vmem_shared>>
      %dma_start3A_41 = arith.constant 0 : i32
      %dma_start3A_42 = tpu.memref_slice %arg10[%add3A_15, %dma_start3A_41] : memref<10240x64xf32, #tpu.memory_space<vmem_shared>> -> memref<128x64xf32, #tpu.memory_space<vmem_shared>>
      tpu.enqueue_dma source(%arg8 : memref<128x64xf32, #tpu.memory_space<vmem>>) target(%dma_start3A_42 : memref<128x64xf32, #tpu.memory_space<vmem_shared>>) target_semaphore(%run_scoped3A_38 : memref<!tpu.dma_semaphore, #tpu.memory_space<semaphore_mem>>)
      %dma_wait3A_43 = arith.constant 0 : i32
      %dma_wait3A_44 = tpu.memref_slice %arg10[%add3A_15, %dma_wait3A_43] : memref<10240x64xf32, #tpu.memory_space<vmem_shared>> -> memref<128x64xf32, #tpu.memory_space<vmem_shared>>
      %dma_wait3A_45 = arith.constant 0 : i32
      %dma_wait3A_46 = tpu.memref_slice %arg10[%add3A_15, %dma_wait3A_45] : memref<10240x64xf32, #tpu.memory_space<vmem_shared>> -> memref<128x64xf32, #tpu.memory_space<vmem_shared>>
      tpu.wait_dma2 semaphore(%run_scoped3A_38 : memref<!tpu.dma_semaphore, #tpu.memory_space<semaphore_mem>>) src(%arg8 : memref<128x64xf32, #tpu.memory_space<vmem>>) dst(%dma_wait3A_46 : memref<128x64xf32, #tpu.memory_space<vmem_shared>>)
      tpu.yield
    }) : () -> ()
    %mul3A_16 = arith.constant 16 : i32
    %mul3A_17 = arith.muli %arg0, %mul3A_16 : i32
    %add3A_18 = arith.addi %mul3A_17, %arg1 : i32
    "tpu.region"() ({
      %run_scoped3A_38 = tpu.sem_alloc : memref<!tpu.dma_semaphore, #tpu.memory_space<semaphore_mem>>
      %dma_start3A_39 = arith.constant 0 : i32
      %dma_start3A_40 = arith.constant 0 : i32
      %dma_start3A_41 = tpu.memref_slice %arg3[%add3A_18, %dma_start3A_39, %dma_start3A_40] : memref<32x79x128xi32, #tpu.memory_space<hbm>> -> memref<1x79x128xi32, #tpu.memory_space<hbm>>
      %dma_start3A_42 = tpu.memref_squeeze %dma_start3A_41 : memref<1x79x128xi32, #tpu.memory_space<hbm>> -> memref<79x128xi32, #tpu.memory_space<hbm>>
      %dma_start3A_43 = arith.constant 0 : i32
      %dma_start3A_44 = arith.constant 0 : i32
      %dma_start3A_45 = tpu.memref_slice %arg3[%add3A_18, %dma_start3A_43, %dma_start3A_44] : memref<32x79x128xi32, #tpu.memory_space<hbm>> -> memref<1x79x128xi32, #tpu.memory_space<hbm>>
      %dma_start3A_46 = tpu.memref_squeeze %dma_start3A_45 : memref<1x79x128xi32, #tpu.memory_space<hbm>> -> memref<79x128xi32, #tpu.memory_space<hbm>>
      tpu.enqueue_dma source(%dma_start3A_46 : memref<79x128xi32, #tpu.memory_space<hbm>>) target(%arg6 : memref<79x128xi32, #tpu.memory_space<vmem>>) target_semaphore(%run_scoped3A_38 : memref<!tpu.dma_semaphore, #tpu.memory_space<semaphore_mem>>)
      %dma_wait3A_47 = arith.constant 0 : i32
      %dma_wait3A_48 = arith.constant 0 : i32
      %dma_wait3A_49 = tpu.memref_slice %arg3[%add3A_18, %dma_wait3A_47, %dma_wait3A_48] : memref<32x79x128xi32, #tpu.memory_space<hbm>> -> memref<1x79x128xi32, #tpu.memory_space<hbm>>
      %dma_wait3A_50 = tpu.memref_squeeze %dma_wait3A_49 : memref<1x79x128xi32, #tpu.memory_space<hbm>> -> memref<79x128xi32, #tpu.memory_space<hbm>>
      %dma_wait3A_51 = arith.constant 0 : i32
      %dma_wait3A_52 = arith.constant 0 : i32
      %dma_wait3A_53 = tpu.memref_slice %arg3[%add3A_18, %dma_wait3A_51, %dma_wait3A_52] : memref<32x79x128xi32, #tpu.memory_space<hbm>> -> memref<1x79x128xi32, #tpu.memory_space<hbm>>
      %dma_wait3A_54 = tpu.memref_squeeze %dma_wait3A_53 : memref<1x79x128xi32, #tpu.memory_space<hbm>> -> memref<79x128xi32, #tpu.memory_space<hbm>>
      tpu.wait_dma2 semaphore(%run_scoped3A_38 : memref<!tpu.dma_semaphore, #tpu.memory_space<semaphore_mem>>) src(%dma_wait3A_54 : memref<79x128xi32, #tpu.memory_space<hbm>>) dst(%arg6 : memref<79x128xi32, #tpu.memory_space<vmem>>)
      tpu.yield
    }) : () -> ()
    "tpu.region"() ({
      %run_scoped3A_38 = tpu.sem_alloc : memref<!tpu.dma_semaphore, #tpu.memory_space<semaphore_mem>>
      %dma_start3A_39 = arith.constant 0 : i32
      %dma_start3A_40 = arith.constant 0 : i32
      %dma_start3A_41 = tpu.memref_slice %arg4[%add3A_18, %dma_start3A_39, %dma_start3A_40] : memref<32x79x128xi32, #tpu.memory_space<hbm>> -> memref<1x79x128xi32, #tpu.memory_space<hbm>>
      %dma_start3A_42 = tpu.memref_squeeze %dma_start3A_41 : memref<1x79x128xi32, #tpu.memory_space<hbm>> -> memref<79x128xi32, #tpu.memory_space<hbm>>
      %dma_start3A_43 = arith.constant 0 : i32
      %dma_start3A_44 = arith.constant 0 : i32
      %dma_start3A_45 = tpu.memref_slice %arg4[%add3A_18, %dma_start3A_43, %dma_start3A_44] : memref<32x79x128xi32, #tpu.memory_space<hbm>> -> memref<1x79x128xi32, #tpu.memory_space<hbm>>
      %dma_start3A_46 = tpu.memref_squeeze %dma_start3A_45 : memref<1x79x128xi32, #tpu.memory_space<hbm>> -> memref<79x128xi32, #tpu.memory_space<hbm>>
      tpu.enqueue_dma source(%dma_start3A_46 : memref<79x128xi32, #tpu.memory_space<hbm>>) target(%arg7 : memref<79x128xi32, #tpu.memory_space<vmem>>) target_semaphore(%run_scoped3A_38 : memref<!tpu.dma_semaphore, #tpu.memory_space<semaphore_mem>>)
      %dma_wait3A_47 = arith.constant 0 : i32
      %dma_wait3A_48 = arith.constant 0 : i32
      %dma_wait3A_49 = tpu.memref_slice %arg4[%add3A_18, %dma_wait3A_47, %dma_wait3A_48] : memref<32x79x128xi32, #tpu.memory_space<hbm>> -> memref<1x79x128xi32, #tpu.memory_space<hbm>>
      %dma_wait3A_50 = tpu.memref_squeeze %dma_wait3A_49 : memref<1x79x128xi32, #tpu.memory_space<hbm>> -> memref<79x128xi32, #tpu.memory_space<hbm>>
      %dma_wait3A_51 = arith.constant 0 : i32
      %dma_wait3A_52 = arith.constant 0 : i32
      %dma_wait3A_53 = tpu.memref_slice %arg4[%add3A_18, %dma_wait3A_51, %dma_wait3A_52] : memref<32x79x128xi32, #tpu.memory_space<hbm>> -> memref<1x79x128xi32, #tpu.memory_space<hbm>>
      %dma_wait3A_54 = tpu.memref_squeeze %dma_wait3A_53 : memref<1x79x128xi32, #tpu.memory_space<hbm>> -> memref<79x128xi32, #tpu.memory_space<hbm>>
      tpu.wait_dma2 semaphore(%run_scoped3A_38 : memref<!tpu.dma_semaphore, #tpu.memory_space<semaphore_mem>>) src(%dma_wait3A_54 : memref<79x128xi32, #tpu.memory_space<hbm>>) dst(%arg7 : memref<79x128xi32, #tpu.memory_space<vmem>>)
      tpu.yield
    }) : () -> ()
    %barrier3A = arith.constant 0 : index
    tpu.barrier barrier_id(%barrier3A)
    %dma_start3A = arith.constant 0 : i32
    %dma_start3A_19 = arith.constant 0 : i32
    %dma_start3A_20 = tpu.memref_slice %arg6[%dma_start3A, %dma_start3A_19] : memref<79x128xi32, #tpu.memory_space<vmem>> -> memref<1x128xi32, #tpu.memory_space<vmem>>
    %dma_start3A_21 = tpu.memref_squeeze %dma_start3A_20 : memref<1x128xi32, #tpu.memory_space<vmem>> -> memref<128xi32, #tpu.memory_space<vmem>>
    %dma_start3A_22 = arith.constant 0 : i32
    %dma_start3A_23 = arith.constant 0 : i32
    %dma_start3A_24 = tpu.memref_slice %arg2[%dma_start3A_22, %dma_start3A_23] : memref<10240x64xf32, #tpu.memory_space<hbm>> -> memref<10240x64xf32, #tpu.memory_space<hbm>>
    tpu.enqueue_indirect_dma source(%dma_start3A_24 : memref<10240x64xf32, #tpu.memory_space<hbm>>) target(%arg8 : memref<128x64xf32, #tpu.memory_space<vmem>>) offsets(%dma_start3A_21 : memref<128xi32, #tpu.memory_space<vmem>>) semaphore(%arg11 : memref<!tpu.dma_semaphore, #tpu.memory_space<semaphore_mem>>)
    %scan3A_25 = arith.constant 0 : i32
    %scan3A_26 = arith.constant 0 : i32
    %scan3A_27 = arith.constant 39 : i32
    %scan3A_28 = arith.addi %scan3A_26, %scan3A_27 : i32
    %scan3A_29 = arith.constant 1 : i32
    %scan3A_30 = scf.for %scan3A_38 = %scan3A_26 to %scan3A_28 step %scan3A_29 iter_args(%scan3A_39 = %scan3A_25) -> (i32)  : i32 {
      %mul3A_40 = arith.constant 2 : i32
      %mul3A_41 = arith.muli %mul3A_40, %scan3A_38 : i32
      %dma_wait3A_42 = arith.constant 0 : i32
      %dma_wait3A_43 = arith.constant 0 : i32
      %dma_wait3A_44 = tpu.memref_slice %arg2[%dma_wait3A_42, %dma_wait3A_43] : memref<10240x64xf32, #tpu.memory_space<hbm>> -> memref<128x64xf32, #tpu.memory_space<hbm>>
      %dma_wait3A_45 = arith.constant 0 : i32
      %dma_wait3A_46 = arith.constant 0 : i32
      %dma_wait3A_47 = tpu.memref_slice %arg2[%dma_wait3A_45, %dma_wait3A_46] : memref<10240x64xf32, #tpu.memory_space<hbm>> -> memref<128x64xf32, #tpu.memory_space<hbm>>
      tpu.wait_dma2 semaphore(%arg11 : memref<!tpu.dma_semaphore, #tpu.memory_space<semaphore_mem>>) src(%dma_wait3A_47 : memref<128x64xf32, #tpu.memory_space<hbm>>) dst(%arg8 : memref<128x64xf32, #tpu.memory_space<vmem>>)
      %add3A_48 = arith.constant 1 : i32
      %add3A_49 = arith.addi %mul3A_41, %add3A_48 : i32
      %dma_start3A_50 = arith.constant 0 : i32
      %dma_start3A_51 = tpu.memref_slice %arg6[%add3A_49, %dma_start3A_50] : memref<79x128xi32, #tpu.memory_space<vmem>> -> memref<1x128xi32, #tpu.memory_space<vmem>>
      %dma_start3A_52 = tpu.memref_squeeze %dma_start3A_51 : memref<1x128xi32, #tpu.memory_space<vmem>> -> memref<128xi32, #tpu.memory_space<vmem>>
      %dma_start3A_53 = arith.constant 0 : i32
      %dma_start3A_54 = arith.constant 0 : i32
      %dma_start3A_55 = tpu.memref_slice %arg2[%dma_start3A_53, %dma_start3A_54] : memref<10240x64xf32, #tpu.memory_space<hbm>> -> memref<10240x64xf32, #tpu.memory_space<hbm>>
      tpu.enqueue_indirect_dma source(%dma_start3A_55 : memref<10240x64xf32, #tpu.memory_space<hbm>>) target(%arg9 : memref<128x64xf32, #tpu.memory_space<vmem>>) offsets(%dma_start3A_52 : memref<128xi32, #tpu.memory_space<vmem>>) semaphore(%arg12 : memref<!tpu.dma_semaphore, #tpu.memory_space<semaphore_mem>>)
      "tpu.region"() ({
        %run_scoped3A_73 = tpu.sem_alloc : memref<!tpu.dma_semaphore, #tpu.memory_space<semaphore_mem>>
        %dma_start3A_74 = arith.constant 0 : i32
        %dma_start3A_75 = tpu.memref_slice %arg7[%mul3A_41, %dma_start3A_74] : memref<79x128xi32, #tpu.memory_space<vmem>> -> memref<1x128xi32, #tpu.memory_space<vmem>>
        %dma_start3A_76 = tpu.memref_squeeze %dma_start3A_75 : memref<1x128xi32, #tpu.memory_space<vmem>> -> memref<128xi32, #tpu.memory_space<vmem>>
        %dma_start3A_77 = arith.constant 0 : i32
        %dma_start3A_78 = arith.constant 0 : i32
        %dma_start3A_79 = tpu.memref_slice %arg10[%dma_start3A_77, %dma_start3A_78] : memref<10240x64xf32, #tpu.memory_space<vmem_shared>> -> memref<10240x64xf32, #tpu.memory_space<vmem_shared>>
        tpu.enqueue_indirect_dma source(%arg8 : memref<128x64xf32, #tpu.memory_space<vmem>>) target(%dma_start3A_79 : memref<10240x64xf32, #tpu.memory_space<vmem_shared>>) offsets(%dma_start3A_76 : memref<128xi32, #tpu.memory_space<vmem>>) semaphore(%run_scoped3A_73 : memref<!tpu.dma_semaphore, #tpu.memory_space<semaphore_mem>>) {add = true}
        %dma_wait3A_80 = arith.constant 0 : i32
        %dma_wait3A_81 = tpu.memref_slice %arg7[%mul3A_41, %dma_wait3A_80] : memref<79x128xi32, #tpu.memory_space<vmem>> -> memref<1x128xi32, #tpu.memory_space<vmem>>
        %dma_wait3A_82 = tpu.memref_squeeze %dma_wait3A_81 : memref<1x128xi32, #tpu.memory_space<vmem>> -> memref<128xi32, #tpu.memory_space<vmem>>
        %dma_wait3A_83 = arith.constant 0 : i32
        %dma_wait3A_84 = arith.constant 0 : i32
        %dma_wait3A_85 = tpu.memref_slice %arg10[%dma_wait3A_83, %dma_wait3A_84] : memref<10240x64xf32, #tpu.memory_space<vmem_shared>> -> memref<10240x64xf32, #tpu.memory_space<vmem_shared>>
        tpu.wait_indirect_dma semaphore(%run_scoped3A_73 : memref<!tpu.dma_semaphore, #tpu.memory_space<semaphore_mem>>) src(%arg8 : memref<128x64xf32, #tpu.memory_space<vmem>>) dst(%dma_wait3A_85 : memref<10240x64xf32, #tpu.memory_space<vmem_shared>>)
        tpu.yield
      }) : () -> ()
      %dma_wait3A_56 = arith.constant 0 : i32
      %dma_wait3A_57 = arith.constant 0 : i32
      %dma_wait3A_58 = tpu.memref_slice %arg2[%dma_wait3A_56, %dma_wait3A_57] : memref<10240x64xf32, #tpu.memory_space<hbm>> -> memref<128x64xf32, #tpu.memory_space<hbm>>
      %dma_wait3A_59 = arith.constant 0 : i32
      %dma_wait3A_60 = arith.constant 0 : i32
      %dma_wait3A_61 = tpu.memref_slice %arg2[%dma_wait3A_59, %dma_wait3A_60] : memref<10240x64xf32, #tpu.memory_space<hbm>> -> memref<128x64xf32, #tpu.memory_space<hbm>>
      tpu.wait_dma2 semaphore(%arg12 : memref<!tpu.dma_semaphore, #tpu.memory_space<semaphore_mem>>) src(%dma_wait3A_61 : memref<128x64xf32, #tpu.memory_space<hbm>>) dst(%arg9 : memref<128x64xf32, #tpu.memory_space<vmem>>)
      %add3A_62 = arith.constant 2 : i32
      %add3A_63 = arith.addi %mul3A_41, %add3A_62 : i32
      %dma_start3A_64 = arith.constant 0 : i32
      %dma_start3A_65 = tpu.memref_slice %arg6[%add3A_63, %dma_start3A_64] : memref<79x128xi32, #tpu.memory_space<vmem>> -> memref<1x128xi32, #tpu.memory_space<vmem>>
      %dma_start3A_66 = tpu.memref_squeeze %dma_start3A_65 : memref<1x128xi32, #tpu.memory_space<vmem>> -> memref<128xi32, #tpu.memory_space<vmem>>
      %dma_start3A_67 = arith.constant 0 : i32
      %dma_start3A_68 = arith.constant 0 : i32
      %dma_start3A_69 = tpu.memref_slice %arg2[%dma_start3A_67, %dma_start3A_68] : memref<10240x64xf32, #tpu.memory_space<hbm>> -> memref<10240x64xf32, #tpu.memory_space<hbm>>
      tpu.enqueue_indirect_dma source(%dma_start3A_69 : memref<10240x64xf32, #tpu.memory_space<hbm>>) target(%arg8 : memref<128x64xf32, #tpu.memory_space<vmem>>) offsets(%dma_start3A_66 : memref<128xi32, #tpu.memory_space<vmem>>) semaphore(%arg11 : memref<!tpu.dma_semaphore, #tpu.memory_space<semaphore_mem>>)
      %add3A_70 = arith.constant 1 : i32
      %add3A_71 = arith.addi %mul3A_41, %add3A_70 : i32
      "tpu.region"() ({
        %run_scoped3A_73 = tpu.sem_alloc : memref<!tpu.dma_semaphore, #tpu.memory_space<semaphore_mem>>
        %dma_start3A_74 = arith.constant 0 : i32
        %dma_start3A_75 = tpu.memref_slice %arg7[%add3A_71, %dma_start3A_74] : memref<79x128xi32, #tpu.memory_space<vmem>> -> memref<1x128xi32, #tpu.memory_space<vmem>>
        %dma_start3A_76 = tpu.memref_squeeze %dma_start3A_75 : memref<1x128xi32, #tpu.memory_space<vmem>> -> memref<128xi32, #tpu.memory_space<vmem>>
        %dma_start3A_77 = arith.constant 0 : i32
        %dma_start3A_78 = arith.constant 0 : i32
        %dma_start3A_79 = tpu.memref_slice %arg10[%dma_start3A_77, %dma_start3A_78] : memref<10240x64xf32, #tpu.memory_space<vmem_shared>> -> memref<10240x64xf32, #tpu.memory_space<vmem_shared>>
        tpu.enqueue_indirect_dma source(%arg9 : memref<128x64xf32, #tpu.memory_space<vmem>>) target(%dma_start3A_79 : memref<10240x64xf32, #tpu.memory_space<vmem_shared>>) offsets(%dma_start3A_76 : memref<128xi32, #tpu.memory_space<vmem>>) semaphore(%run_scoped3A_73 : memref<!tpu.dma_semaphore, #tpu.memory_space<semaphore_mem>>) {add = true}
        %dma_wait3A_80 = arith.constant 0 : i32
        %dma_wait3A_81 = tpu.memref_slice %arg7[%add3A_71, %dma_wait3A_80] : memref<79x128xi32, #tpu.memory_space<vmem>> -> memref<1x128xi32, #tpu.memory_space<vmem>>
        %dma_wait3A_82 = tpu.memref_squeeze %dma_wait3A_81 : memref<1x128xi32, #tpu.memory_space<vmem>> -> memref<128xi32, #tpu.memory_space<vmem>>
        %dma_wait3A_83 = arith.constant 0 : i32
        %dma_wait3A_84 = arith.constant 0 : i32
        %dma_wait3A_85 = tpu.memref_slice %arg10[%dma_wait3A_83, %dma_wait3A_84] : memref<10240x64xf32, #tpu.memory_space<vmem_shared>> -> memref<10240x64xf32, #tpu.memory_space<vmem_shared>>
        tpu.wait_indirect_dma semaphore(%run_scoped3A_73 : memref<!tpu.dma_semaphore, #tpu.memory_space<semaphore_mem>>) src(%arg9 : memref<128x64xf32, #tpu.memory_space<vmem>>) dst(%dma_wait3A_85 : memref<10240x64xf32, #tpu.memory_space<vmem_shared>>)
        tpu.yield
      }) : () -> ()
      %scan3A_72 = arith.constant 0 : i32
      scf.yield %scan3A_72 : i32
    }
    %scan3A_31 = arith.constant 39 : i32
    %dma_wait3A = arith.constant 0 : i32
    %dma_wait3A_32 = arith.constant 0 : i32
    %dma_wait3A_33 = tpu.memref_slice %arg2[%dma_wait3A, %dma_wait3A_32] : memref<10240x64xf32, #tpu.memory_space<hbm>> -> memref<128x64xf32, #tpu.memory_space<hbm>>
    %dma_wait3A_34 = arith.constant 0 : i32
    %dma_wait3A_35 = arith.constant 0 : i32
    %dma_wait3A_36 = tpu.memref_slice %arg2[%dma_wait3A_34, %dma_wait3A_35] : memref<10240x64xf32, #tpu.memory_space<hbm>> -> memref<128x64xf32, #tpu.memory_space<hbm>>
    tpu.wait_dma2 semaphore(%arg11 : memref<!tpu.dma_semaphore, #tpu.memory_space<semaphore_mem>>) src(%dma_wait3A_36 : memref<128x64xf32, #tpu.memory_space<hbm>>) dst(%arg8 : memref<128x64xf32, #tpu.memory_space<vmem>>)
    %run_scoped3A = arith.constant 78 : i32
    "tpu.region"() ({
      %run_scoped3A_38 = tpu.sem_alloc : memref<!tpu.dma_semaphore, #tpu.memory_space<semaphore_mem>>
      %dma_start3A_39 = arith.constant 0 : i32
      %dma_start3A_40 = tpu.memref_slice %arg7[%run_scoped3A, %dma_start3A_39] : memref<79x128xi32, #tpu.memory_space<vmem>> -> memref<1x128xi32, #tpu.memory_space<vmem>>
      %dma_start3A_41 = tpu.memref_squeeze %dma_start3A_40 : memref<1x128xi32, #tpu.memory_space<vmem>> -> memref<128xi32, #tpu.memory_space<vmem>>
      %dma_start3A_42 = arith.constant 0 : i32
      %dma_start3A_43 = arith.constant 0 : i32
      %dma_start3A_44 = tpu.memref_slice %arg10[%dma_start3A_42, %dma_start3A_43] : memref<10240x64xf32, #tpu.memory_space<vmem_shared>> -> memref<10240x64xf32, #tpu.memory_space<vmem_shared>>
      tpu.enqueue_indirect_dma source(%arg8 : memref<128x64xf32, #tpu.memory_space<vmem>>) target(%dma_start3A_44 : memref<10240x64xf32, #tpu.memory_space<vmem_shared>>) offsets(%dma_start3A_41 : memref<128xi32, #tpu.memory_space<vmem>>) semaphore(%run_scoped3A_38 : memref<!tpu.dma_semaphore, #tpu.memory_space<semaphore_mem>>) {add = true}
      %dma_wait3A_45 = arith.constant 0 : i32
      %dma_wait3A_46 = tpu.memref_slice %arg7[%run_scoped3A, %dma_wait3A_45] : memref<79x128xi32, #tpu.memory_space<vmem>> -> memref<1x128xi32, #tpu.memory_space<vmem>>
      %dma_wait3A_47 = tpu.memref_squeeze %dma_wait3A_46 : memref<1x128xi32, #tpu.memory_space<vmem>> -> memref<128xi32, #tpu.memory_space<vmem>>
      %dma_wait3A_48 = arith.constant 0 : i32
      %dma_wait3A_49 = arith.constant 0 : i32
      %dma_wait3A_50 = tpu.memref_slice %arg10[%dma_wait3A_48, %dma_wait3A_49] : memref<10240x64xf32, #tpu.memory_space<vmem_shared>> -> memref<10240x64xf32, #tpu.memory_space<vmem_shared>>
      tpu.wait_indirect_dma semaphore(%run_scoped3A_38 : memref<!tpu.dma_semaphore, #tpu.memory_space<semaphore_mem>>) src(%arg8 : memref<128x64xf32, #tpu.memory_space<vmem>>) dst(%dma_wait3A_50 : memref<10240x64xf32, #tpu.memory_space<vmem_shared>>)
      tpu.yield
    }) : () -> ()
    %barrier3A_37 = arith.constant 0 : index
    tpu.barrier barrier_id(%barrier3A_37)
    "tpu.region"() ({
      %run_scoped3A_38 = tpu.sem_alloc : memref<!tpu.dma_semaphore, #tpu.memory_space<semaphore_mem>>
      %dma_start3A_39 = arith.constant 0 : i32
      %dma_start3A_40 = tpu.memref_slice %arg5[%arg0, %mul3A_6, %dma_start3A_39] : memref<2x10240x64xf32, #tpu.memory_space<hbm>> -> memref<1x640x64xf32, #tpu.memory_space<hbm>>
      %dma_start3A_41 = tpu.memref_squeeze %dma_start3A_40 : memref<1x640x64xf32, #tpu.memory_space<hbm>> -> memref<640x64xf32, #tpu.memory_space<hbm>>
      %dma_start3A_42 = arith.constant 0 : i32
      %dma_start3A_43 = tpu.memref_slice %arg10[%mul3A_6, %dma_start3A_42] : memref<10240x64xf32, #tpu.memory_space<vmem_shared>> -> memref<640x64xf32, #tpu.memory_space<vmem_shared>>
      tpu.enqueue_dma source(%dma_start3A_43 : memref<640x64xf32, #tpu.memory_space<vmem_shared>>) target(%dma_start3A_41 : memref<640x64xf32, #tpu.memory_space<hbm>>) target_semaphore(%run_scoped3A_38 : memref<!tpu.dma_semaphore, #tpu.memory_space<semaphore_mem>>)
      %dma_wait3A_44 = arith.constant 0 : i32
      %dma_wait3A_45 = tpu.memref_slice %arg5[%arg0, %mul3A_6, %dma_wait3A_44] : memref<2x10240x64xf32, #tpu.memory_space<hbm>> -> memref<1x640x64xf32, #tpu.memory_space<hbm>>
      %dma_wait3A_46 = tpu.memref_squeeze %dma_wait3A_45 : memref<1x640x64xf32, #tpu.memory_space<hbm>> -> memref<640x64xf32, #tpu.memory_space<hbm>>
      %dma_wait3A_47 = arith.constant 0 : i32
      %dma_wait3A_48 = tpu.memref_slice %arg10[%mul3A_6, %dma_wait3A_47] : memref<10240x64xf32, #tpu.memory_space<vmem_shared>> -> memref<640x64xf32, #tpu.memory_space<vmem_shared>>
      tpu.wait_dma2 semaphore(%run_scoped3A_38 : memref<!tpu.dma_semaphore, #tpu.memory_space<semaphore_mem>>) src(%dma_wait3A_48 : memref<640x64xf32, #tpu.memory_space<vmem_shared>>) dst(%dma_wait3A_46 : memref<640x64xf32, #tpu.memory_space<hbm>>)
      tpu.yield
    }) : () -> ()
    return
  }
}

#map = affine_map<(d0, d1) -> (0, 0, 0)>
#map1 = affine_map<(d0, d1) -> (0)>
module attributes {stable_mosaic.version = 14 : i64} {
  func.func @_degree_kernel(%arg0: i32, %arg1: i32, %arg2: memref<32x79x128xi32, #tpu.memory_space<hbm>>, %arg3: memref<32x79x128xi32, #tpu.memory_space<hbm>>, %arg4: memref<40960xf32, #tpu.memory_space<hbm>>, %arg5: memref<79x128xi32, #tpu.memory_space<vmem>>, %arg6: memref<79x128xi32, #tpu.memory_space<vmem>>, %arg7: memref<128xf32, #tpu.memory_space<vmem>>, %arg8: memref<640xf32, #tpu.memory_space<vmem>>, %arg9: memref<10240xf32, #tpu.memory_space<vmem_shared>>, %arg10: memref<10240xf32, #tpu.memory_space<vmem_shared>>) attributes {dimension_semantics = [#tpu.dimension_semantics<core_parallel>, #tpu.dimension_semantics<subcore_parallel>], iteration_bounds = array<i64: 2, 16>, scalar_prefetch = 0 : i64, scratch_operands = 6 : i64, tpu.core_type = #tpu.core_type<sc_vector_subcore>, window_params = [{transform_indices = #map}, {transform_indices = #map}, {transform_indices = #map1}]} {
    %mul3A = arith.constant 16 : i32
    %mul3A_0 = arith.muli %arg0, %mul3A : i32
    %add3A = arith.addi %mul3A_0, %arg1 : i32
    %scan3A = arith.constant 0 : i32
    %scan3A_1 = arith.constant 0 : i32
    %scan3A_2 = arith.constant 40 : i32
    %scan3A_3 = arith.addi %scan3A_1, %scan3A_2 : i32
    %scan3A_4 = arith.constant 1 : i32
    %scan3A_5 = scf.for %scan3A_87 = %scan3A_1 to %scan3A_3 step %scan3A_4 iter_args(%scan3A_88 = %scan3A) -> (i32)  : i32 {
      %broadcast_in_dim3A_89 = arith.constant 0.000000e+00 : f32
      %broadcast_in_dim3A_90 = vector.broadcast %broadcast_in_dim3A_89 : f32 to vector<16xf32>
      %mul3A_91 = arith.constant 16 : i32
      %mul3A_92 = arith.muli %scan3A_87, %mul3A_91 : i32
      %swap3A_93 = arith.index_cast %mul3A_92 : i32 to index
      %swap3A_94 = tpu.vector_load %arg8[%swap3A_93] {strides = array<i32>} : memref<640xf32, #tpu.memory_space<vmem>>, vector<16xf32>,
      %swap3A_95 = vector.shape_cast %swap3A_94 : vector<16xf32> to vector<16xf32>
      %swap3A_96 = vector.shape_cast %broadcast_in_dim3A_90 : vector<16xf32> to vector<16xf32>
      tpu.vector_store %arg8[%swap3A_93], %swap3A_96 {strides = array<i32>} : memref<640xf32, #tpu.memory_space<vmem>>, vector<16xf32>,
      %scan3A_97 = arith.constant 0 : i32
      scf.yield %scan3A_97 : i32
    }
    %scan3A_6 = arith.constant 40 : i32
    %broadcast_in_dim3A = arith.constant 1.000000e+00 : f32
    %broadcast_in_dim3A_7 = vector.broadcast %broadcast_in_dim3A : f32 to vector<16xf32>
    %swap3A = arith.constant 0 : index
    %swap3A_8 = tpu.vector_load %arg7[%swap3A] {strides = array<i32>} : memref<128xf32, #tpu.memory_space<vmem>>, vector<16xf32>,
    %swap3A_9 = vector.shape_cast %swap3A_8 : vector<16xf32> to vector<16xf32>
    %swap3A_10 = vector.shape_cast %broadcast_in_dim3A_7 : vector<16xf32> to vector<16xf32>
    tpu.vector_store %arg7[%swap3A], %swap3A_10 {strides = array<i32>} : memref<128xf32, #tpu.memory_space<vmem>>, vector<16xf32>,
    %broadcast_in_dim3A_11 = arith.constant 1.000000e+00 : f32
    %broadcast_in_dim3A_12 = vector.broadcast %broadcast_in_dim3A_11 : f32 to vector<16xf32>
    %swap3A_13 = arith.constant 16 : index
    %swap3A_14 = tpu.vector_load %arg7[%swap3A_13] {strides = array<i32>} : memref<128xf32, #tpu.memory_space<vmem>>, vector<16xf32>,
    %swap3A_15 = vector.shape_cast %swap3A_14 : vector<16xf32> to vector<16xf32>
    %swap3A_16 = vector.shape_cast %broadcast_in_dim3A_12 : vector<16xf32> to vector<16xf32>
    tpu.vector_store %arg7[%swap3A_13], %swap3A_16 {strides = array<i32>} : memref<128xf32, #tpu.memory_space<vmem>>, vector<16xf32>,
    %broadcast_in_dim3A_17 = arith.constant 1.000000e+00 : f32
    %broadcast_in_dim3A_18 = vector.broadcast %broadcast_in_dim3A_17 : f32 to vector<16xf32>
    %swap3A_19 = arith.constant 32 : index
    %swap3A_20 = tpu.vector_load %arg7[%swap3A_19] {strides = array<i32>} : memref<128xf32, #tpu.memory_space<vmem>>, vector<16xf32>,
    %swap3A_21 = vector.shape_cast %swap3A_20 : vector<16xf32> to vector<16xf32>
    %swap3A_22 = vector.shape_cast %broadcast_in_dim3A_18 : vector<16xf32> to vector<16xf32>
    tpu.vector_store %arg7[%swap3A_19], %swap3A_22 {strides = array<i32>} : memref<128xf32, #tpu.memory_space<vmem>>, vector<16xf32>,
    %broadcast_in_dim3A_23 = arith.constant 1.000000e+00 : f32
    %broadcast_in_dim3A_24 = vector.broadcast %broadcast_in_dim3A_23 : f32 to vector<16xf32>
    %swap3A_25 = arith.constant 48 : index
    %swap3A_26 = tpu.vector_load %arg7[%swap3A_25] {strides = array<i32>} : memref<128xf32, #tpu.memory_space<vmem>>, vector<16xf32>,
    %swap3A_27 = vector.shape_cast %swap3A_26 : vector<16xf32> to vector<16xf32>
    %swap3A_28 = vector.shape_cast %broadcast_in_dim3A_24 : vector<16xf32> to vector<16xf32>
    tpu.vector_store %arg7[%swap3A_25], %swap3A_28 {strides = array<i32>} : memref<128xf32, #tpu.memory_space<vmem>>, vector<16xf32>,
    %broadcast_in_dim3A_29 = arith.constant 1.000000e+00 : f32
    %broadcast_in_dim3A_30 = vector.broadcast %broadcast_in_dim3A_29 : f32 to vector<16xf32>
    %swap3A_31 = arith.constant 64 : index
    %swap3A_32 = tpu.vector_load %arg7[%swap3A_31] {strides = array<i32>} : memref<128xf32, #tpu.memory_space<vmem>>, vector<16xf32>,
    %swap3A_33 = vector.shape_cast %swap3A_32 : vector<16xf32> to vector<16xf32>
    %swap3A_34 = vector.shape_cast %broadcast_in_dim3A_30 : vector<16xf32> to vector<16xf32>
    tpu.vector_store %arg7[%swap3A_31], %swap3A_34 {strides = array<i32>} : memref<128xf32, #tpu.memory_space<vmem>>, vector<16xf32>,
    %broadcast_in_dim3A_35 = arith.constant 1.000000e+00 : f32
    %broadcast_in_dim3A_36 = vector.broadcast %broadcast_in_dim3A_35 : f32 to vector<16xf32>
    %swap3A_37 = arith.constant 80 : index
    %swap3A_38 = tpu.vector_load %arg7[%swap3A_37] {strides = array<i32>} : memref<128xf32, #tpu.memory_space<vmem>>, vector<16xf32>,
    %swap3A_39 = vector.shape_cast %swap3A_38 : vector<16xf32> to vector<16xf32>
    %swap3A_40 = vector.shape_cast %broadcast_in_dim3A_36 : vector<16xf32> to vector<16xf32>
    tpu.vector_store %arg7[%swap3A_37], %swap3A_40 {strides = array<i32>} : memref<128xf32, #tpu.memory_space<vmem>>, vector<16xf32>,
    %broadcast_in_dim3A_41 = arith.constant 1.000000e+00 : f32
    %broadcast_in_dim3A_42 = vector.broadcast %broadcast_in_dim3A_41 : f32 to vector<16xf32>
    %swap3A_43 = arith.constant 96 : index
    %swap3A_44 = tpu.vector_load %arg7[%swap3A_43] {strides = array<i32>} : memref<128xf32, #tpu.memory_space<vmem>>, vector<16xf32>,
    %swap3A_45 = vector.shape_cast %swap3A_44 : vector<16xf32> to vector<16xf32>
    %swap3A_46 = vector.shape_cast %broadcast_in_dim3A_42 : vector<16xf32> to vector<16xf32>
    tpu.vector_store %arg7[%swap3A_43], %swap3A_46 {strides = array<i32>} : memref<128xf32, #tpu.memory_space<vmem>>, vector<16xf32>,
    %broadcast_in_dim3A_47 = arith.constant 1.000000e+00 : f32
    %broadcast_in_dim3A_48 = vector.broadcast %broadcast_in_dim3A_47 : f32 to vector<16xf32>
    %swap3A_49 = arith.constant 112 : index
    %swap3A_50 = tpu.vector_load %arg7[%swap3A_49] {strides = array<i32>} : memref<128xf32, #tpu.memory_space<vmem>>, vector<16xf32>,
    %swap3A_51 = vector.shape_cast %swap3A_50 : vector<16xf32> to vector<16xf32>
    %swap3A_52 = vector.shape_cast %broadcast_in_dim3A_48 : vector<16xf32> to vector<16xf32>
    tpu.vector_store %arg7[%swap3A_49], %swap3A_52 {strides = array<i32>} : memref<128xf32, #tpu.memory_space<vmem>>, vector<16xf32>,
    %mul3A_53 = arith.constant 640 : i32
    %mul3A_54 = arith.muli %arg1, %mul3A_53 : i32
    "tpu.region"() ({
      %run_scoped3A = tpu.sem_alloc : memref<!tpu.dma_semaphore, #tpu.memory_space<semaphore_mem>>
      %dma_start3A = tpu.memref_slice %arg9[%mul3A_54] : memref<10240xf32, #tpu.memory_space<vmem_shared>> -> memref<640xf32, #tpu.memory_space<vmem_shared>>
      %dma_start3A_87 = tpu.memref_slice %arg9[%mul3A_54] : memref<10240xf32, #tpu.memory_space<vmem_shared>> -> memref<640xf32, #tpu.memory_space<vmem_shared>>
      tpu.enqueue_dma source(%arg8 : memref<640xf32, #tpu.memory_space<vmem>>) target(%dma_start3A_87 : memref<640xf32, #tpu.memory_space<vmem_shared>>) target_semaphore(%run_scoped3A : memref<!tpu.dma_semaphore, #tpu.memory_space<semaphore_mem>>)
      %dma_wait3A = tpu.memref_slice %arg9[%mul3A_54] : memref<10240xf32, #tpu.memory_space<vmem_shared>> -> memref<640xf32, #tpu.memory_space<vmem_shared>>
      %dma_wait3A_88 = tpu.memref_slice %arg9[%mul3A_54] : memref<10240xf32, #tpu.memory_space<vmem_shared>> -> memref<640xf32, #tpu.memory_space<vmem_shared>>
      tpu.wait_dma2 semaphore(%run_scoped3A : memref<!tpu.dma_semaphore, #tpu.memory_space<semaphore_mem>>) src(%arg8 : memref<640xf32, #tpu.memory_space<vmem>>) dst(%dma_wait3A_88 : memref<640xf32, #tpu.memory_space<vmem_shared>>)
      tpu.yield
    }) : () -> ()
    %mul3A_55 = arith.constant 640 : i32
    %mul3A_56 = arith.muli %arg1, %mul3A_55 : i32
    "tpu.region"() ({
      %run_scoped3A = tpu.sem_alloc : memref<!tpu.dma_semaphore, #tpu.memory_space<semaphore_mem>>
      %dma_start3A = tpu.memref_slice %arg10[%mul3A_56] : memref<10240xf32, #tpu.memory_space<vmem_shared>> -> memref<640xf32, #tpu.memory_space<vmem_shared>>
      %dma_start3A_87 = tpu.memref_slice %arg10[%mul3A_56] : memref<10240xf32, #tpu.memory_space<vmem_shared>> -> memref<640xf32, #tpu.memory_space<vmem_shared>>
      tpu.enqueue_dma source(%arg8 : memref<640xf32, #tpu.memory_space<vmem>>) target(%dma_start3A_87 : memref<640xf32, #tpu.memory_space<vmem_shared>>) target_semaphore(%run_scoped3A : memref<!tpu.dma_semaphore, #tpu.memory_space<semaphore_mem>>)
      %dma_wait3A = tpu.memref_slice %arg10[%mul3A_56] : memref<10240xf32, #tpu.memory_space<vmem_shared>> -> memref<640xf32, #tpu.memory_space<vmem_shared>>
      %dma_wait3A_88 = tpu.memref_slice %arg10[%mul3A_56] : memref<10240xf32, #tpu.memory_space<vmem_shared>> -> memref<640xf32, #tpu.memory_space<vmem_shared>>
      tpu.wait_dma2 semaphore(%run_scoped3A : memref<!tpu.dma_semaphore, #tpu.memory_space<semaphore_mem>>) src(%arg8 : memref<640xf32, #tpu.memory_space<vmem>>) dst(%dma_wait3A_88 : memref<640xf32, #tpu.memory_space<vmem_shared>>)
      tpu.yield
    }) : () -> ()
    "tpu.region"() ({
      %run_scoped3A = tpu.sem_alloc : memref<!tpu.dma_semaphore, #tpu.memory_space<semaphore_mem>>
      %dma_start3A = arith.constant 0 : i32
      %dma_start3A_87 = arith.constant 0 : i32
      %dma_start3A_88 = tpu.memref_slice %arg2[%add3A, %dma_start3A, %dma_start3A_87] : memref<32x79x128xi32, #tpu.memory_space<hbm>> -> memref<1x79x128xi32, #tpu.memory_space<hbm>>
      %dma_start3A_89 = tpu.memref_squeeze %dma_start3A_88 : memref<1x79x128xi32, #tpu.memory_space<hbm>> -> memref<79x128xi32, #tpu.memory_space<hbm>>
      %dma_start3A_90 = arith.constant 0 : i32
      %dma_start3A_91 = arith.constant 0 : i32
      %dma_start3A_92 = tpu.memref_slice %arg2[%add3A, %dma_start3A_90, %dma_start3A_91] : memref<32x79x128xi32, #tpu.memory_space<hbm>> -> memref<1x79x128xi32, #tpu.memory_space<hbm>>
      %dma_start3A_93 = tpu.memref_squeeze %dma_start3A_92 : memref<1x79x128xi32, #tpu.memory_space<hbm>> -> memref<79x128xi32, #tpu.memory_space<hbm>>
      tpu.enqueue_dma source(%dma_start3A_93 : memref<79x128xi32, #tpu.memory_space<hbm>>) target(%arg5 : memref<79x128xi32, #tpu.memory_space<vmem>>) target_semaphore(%run_scoped3A : memref<!tpu.dma_semaphore, #tpu.memory_space<semaphore_mem>>)
      %dma_wait3A = arith.constant 0 : i32
      %dma_wait3A_94 = arith.constant 0 : i32
      %dma_wait3A_95 = tpu.memref_slice %arg2[%add3A, %dma_wait3A, %dma_wait3A_94] : memref<32x79x128xi32, #tpu.memory_space<hbm>> -> memref<1x79x128xi32, #tpu.memory_space<hbm>>
      %dma_wait3A_96 = tpu.memref_squeeze %dma_wait3A_95 : memref<1x79x128xi32, #tpu.memory_space<hbm>> -> memref<79x128xi32, #tpu.memory_space<hbm>>
      %dma_wait3A_97 = arith.constant 0 : i32
      %dma_wait3A_98 = arith.constant 0 : i32
      %dma_wait3A_99 = tpu.memref_slice %arg2[%add3A, %dma_wait3A_97, %dma_wait3A_98] : memref<32x79x128xi32, #tpu.memory_space<hbm>> -> memref<1x79x128xi32, #tpu.memory_space<hbm>>
      %dma_wait3A_100 = tpu.memref_squeeze %dma_wait3A_99 : memref<1x79x128xi32, #tpu.memory_space<hbm>> -> memref<79x128xi32, #tpu.memory_space<hbm>>
      tpu.wait_dma2 semaphore(%run_scoped3A : memref<!tpu.dma_semaphore, #tpu.memory_space<semaphore_mem>>) src(%dma_wait3A_100 : memref<79x128xi32, #tpu.memory_space<hbm>>) dst(%arg5 : memref<79x128xi32, #tpu.memory_space<vmem>>)
      tpu.yield
    }) : () -> ()
    "tpu.region"() ({
      %run_scoped3A = tpu.sem_alloc : memref<!tpu.dma_semaphore, #tpu.memory_space<semaphore_mem>>
      %dma_start3A = arith.constant 0 : i32
      %dma_start3A_87 = arith.constant 0 : i32
      %dma_start3A_88 = tpu.memref_slice %arg3[%add3A, %dma_start3A, %dma_start3A_87] : memref<32x79x128xi32, #tpu.memory_space<hbm>> -> memref<1x79x128xi32, #tpu.memory_space<hbm>>
      %dma_start3A_89 = tpu.memref_squeeze %dma_start3A_88 : memref<1x79x128xi32, #tpu.memory_space<hbm>> -> memref<79x128xi32, #tpu.memory_space<hbm>>
      %dma_start3A_90 = arith.constant 0 : i32
      %dma_start3A_91 = arith.constant 0 : i32
      %dma_start3A_92 = tpu.memref_slice %arg3[%add3A, %dma_start3A_90, %dma_start3A_91] : memref<32x79x128xi32, #tpu.memory_space<hbm>> -> memref<1x79x128xi32, #tpu.memory_space<hbm>>
      %dma_start3A_93 = tpu.memref_squeeze %dma_start3A_92 : memref<1x79x128xi32, #tpu.memory_space<hbm>> -> memref<79x128xi32, #tpu.memory_space<hbm>>
      tpu.enqueue_dma source(%dma_start3A_93 : memref<79x128xi32, #tpu.memory_space<hbm>>) target(%arg6 : memref<79x128xi32, #tpu.memory_space<vmem>>) target_semaphore(%run_scoped3A : memref<!tpu.dma_semaphore, #tpu.memory_space<semaphore_mem>>)
      %dma_wait3A = arith.constant 0 : i32
      %dma_wait3A_94 = arith.constant 0 : i32
      %dma_wait3A_95 = tpu.memref_slice %arg3[%add3A, %dma_wait3A, %dma_wait3A_94] : memref<32x79x128xi32, #tpu.memory_space<hbm>> -> memref<1x79x128xi32, #tpu.memory_space<hbm>>
      %dma_wait3A_96 = tpu.memref_squeeze %dma_wait3A_95 : memref<1x79x128xi32, #tpu.memory_space<hbm>> -> memref<79x128xi32, #tpu.memory_space<hbm>>
      %dma_wait3A_97 = arith.constant 0 : i32
      %dma_wait3A_98 = arith.constant 0 : i32
      %dma_wait3A_99 = tpu.memref_slice %arg3[%add3A, %dma_wait3A_97, %dma_wait3A_98] : memref<32x79x128xi32, #tpu.memory_space<hbm>> -> memref<1x79x128xi32, #tpu.memory_space<hbm>>
      %dma_wait3A_100 = tpu.memref_squeeze %dma_wait3A_99 : memref<1x79x128xi32, #tpu.memory_space<hbm>> -> memref<79x128xi32, #tpu.memory_space<hbm>>
      tpu.wait_dma2 semaphore(%run_scoped3A : memref<!tpu.dma_semaphore, #tpu.memory_space<semaphore_mem>>) src(%dma_wait3A_100 : memref<79x128xi32, #tpu.memory_space<hbm>>) dst(%arg6 : memref<79x128xi32, #tpu.memory_space<vmem>>)
      tpu.yield
    }) : () -> ()
    %barrier3A = arith.constant 0 : index
    tpu.barrier barrier_id(%barrier3A)
    %scan3A_57 = arith.constant 0 : i32
    %scan3A_58 = arith.constant 0 : i32
    %scan3A_59 = arith.constant 79 : i32
    %scan3A_60 = arith.addi %scan3A_58, %scan3A_59 : i32
    %scan3A_61 = arith.constant 1 : i32
    %scan3A_62 = scf.for %scan3A_87 = %scan3A_58 to %scan3A_60 step %scan3A_61 iter_args(%scan3A_88 = %scan3A_57) -> (i32)  : i32 {
      "tpu.region"() ({
        %run_scoped3A = tpu.sem_alloc : memref<!tpu.dma_semaphore, #tpu.memory_space<semaphore_mem>>
        %dma_start3A = arith.constant 0 : i32
        %dma_start3A_90 = tpu.memref_slice %arg5[%scan3A_87, %dma_start3A] : memref<79x128xi32, #tpu.memory_space<vmem>> -> memref<1x128xi32, #tpu.memory_space<vmem>>
        %dma_start3A_91 = tpu.memref_squeeze %dma_start3A_90 : memref<1x128xi32, #tpu.memory_space<vmem>> -> memref<128xi32, #tpu.memory_space<vmem>>
        %dma_start3A_92 = arith.constant 0 : i32
        %dma_start3A_93 = tpu.memref_slice %arg9[%dma_start3A_92] : memref<10240xf32, #tpu.memory_space<vmem_shared>> -> memref<10240xf32, #tpu.memory_space<vmem_shared>>
        tpu.enqueue_indirect_dma source(%arg7 : memref<128xf32, #tpu.memory_space<vmem>>) target(%dma_start3A_93 : memref<10240xf32, #tpu.memory_space<vmem_shared>>) offsets(%dma_start3A_91 : memref<128xi32, #tpu.memory_space<vmem>>) semaphore(%run_scoped3A : memref<!tpu.dma_semaphore, #tpu.memory_space<semaphore_mem>>) {add = true}
        %dma_wait3A = arith.constant 0 : i32
        %dma_wait3A_94 = tpu.memref_slice %arg5[%scan3A_87, %dma_wait3A] : memref<79x128xi32, #tpu.memory_space<vmem>> -> memref<1x128xi32, #tpu.memory_space<vmem>>
        %dma_wait3A_95 = tpu.memref_squeeze %dma_wait3A_94 : memref<1x128xi32, #tpu.memory_space<vmem>> -> memref<128xi32, #tpu.memory_space<vmem>>
        %dma_wait3A_96 = arith.constant 0 : i32
        %dma_wait3A_97 = tpu.memref_slice %arg9[%dma_wait3A_96] : memref<10240xf32, #tpu.memory_space<vmem_shared>> -> memref<10240xf32, #tpu.memory_space<vmem_shared>>
        tpu.wait_indirect_dma semaphore(%run_scoped3A : memref<!tpu.dma_semaphore, #tpu.memory_space<semaphore_mem>>) src(%arg7 : memref<128xf32, #tpu.memory_space<vmem>>) dst(%dma_wait3A_97 : memref<10240xf32, #tpu.memory_space<vmem_shared>>)
        tpu.yield
      }) : () -> ()
      "tpu.region"() ({
        %run_scoped3A = tpu.sem_alloc : memref<!tpu.dma_semaphore, #tpu.memory_space<semaphore_mem>>
        %dma_start3A = arith.constant 0 : i32
        %dma_start3A_90 = tpu.memref_slice %arg6[%scan3A_87, %dma_start3A] : memref<79x128xi32, #tpu.memory_space<vmem>> -> memref<1x128xi32, #tpu.memory_space<vmem>>
        %dma_start3A_91 = tpu.memref_squeeze %dma_start3A_90 : memref<1x128xi32, #tpu.memory_space<vmem>> -> memref<128xi32, #tpu.memory_space<vmem>>
        %dma_start3A_92 = arith.constant 0 : i32
        %dma_start3A_93 = tpu.memref_slice %arg10[%dma_start3A_92] : memref<10240xf32, #tpu.memory_space<vmem_shared>> -> memref<10240xf32, #tpu.memory_space<vmem_shared>>
        tpu.enqueue_indirect_dma source(%arg7 : memref<128xf32, #tpu.memory_space<vmem>>) target(%dma_start3A_93 : memref<10240xf32, #tpu.memory_space<vmem_shared>>) offsets(%dma_start3A_91 : memref<128xi32, #tpu.memory_space<vmem>>) semaphore(%run_scoped3A : memref<!tpu.dma_semaphore, #tpu.memory_space<semaphore_mem>>) {add = true}
        %dma_wait3A = arith.constant 0 : i32
        %dma_wait3A_94 = tpu.memref_slice %arg6[%scan3A_87, %dma_wait3A] : memref<79x128xi32, #tpu.memory_space<vmem>> -> memref<1x128xi32, #tpu.memory_space<vmem>>
        %dma_wait3A_95 = tpu.memref_squeeze %dma_wait3A_94 : memref<1x128xi32, #tpu.memory_space<vmem>> -> memref<128xi32, #tpu.memory_space<vmem>>
        %dma_wait3A_96 = arith.constant 0 : i32
        %dma_wait3A_97 = tpu.memref_slice %arg10[%dma_wait3A_96] : memref<10240xf32, #tpu.memory_space<vmem_shared>> -> memref<10240xf32, #tpu.memory_space<vmem_shared>>
        tpu.wait_indirect_dma semaphore(%run_scoped3A : memref<!tpu.dma_semaphore, #tpu.memory_space<semaphore_mem>>) src(%arg7 : memref<128xf32, #tpu.memory_space<vmem>>) dst(%dma_wait3A_97 : memref<10240xf32, #tpu.memory_space<vmem_shared>>)
        tpu.yield
      }) : () -> ()
      %scan3A_89 = arith.constant 0 : i32
      scf.yield %scan3A_89 : i32
    }
    %scan3A_63 = arith.constant 79 : i32
    %barrier3A_64 = arith.constant 0 : index
    tpu.barrier barrier_id(%barrier3A_64)
    %mul3A_65 = arith.constant 640 : i32
    %mul3A_66 = arith.muli %arg1, %mul3A_65 : i32
    %mul3A_67 = arith.constant 2 : i32
    %mul3A_68 = arith.muli %arg0, %mul3A_67 : i32
    %add3A_69 = arith.constant 0 : i32
    %add3A_70 = arith.addi %mul3A_68, %add3A_69 : i32
    %mul3A_71 = arith.constant 10240 : i32
    %mul3A_72 = arith.muli %add3A_70, %mul3A_71 : i32
    %mul3A_73 = arith.constant 640 : i32
    %mul3A_74 = arith.muli %arg1, %mul3A_73 : i32
    %add3A_75 = arith.addi %mul3A_72, %mul3A_74 : i32
    "tpu.region"() ({
      %run_scoped3A = tpu.sem_alloc : memref<!tpu.dma_semaphore, #tpu.memory_space<semaphore_mem>>
      %dma_start3A = tpu.memref_slice %arg4[%add3A_75] : memref<40960xf32, #tpu.memory_space<hbm>> -> memref<640xf32, #tpu.memory_space<hbm>>
      %dma_start3A_87 = tpu.memref_slice %arg9[%mul3A_66] : memref<10240xf32, #tpu.memory_space<vmem_shared>> -> memref<640xf32, #tpu.memory_space<vmem_shared>>
      tpu.enqueue_dma source(%dma_start3A_87 : memref<640xf32, #tpu.memory_space<vmem_shared>>) target(%dma_start3A : memref<640xf32, #tpu.memory_space<hbm>>) target_semaphore(%run_scoped3A : memref<!tpu.dma_semaphore, #tpu.memory_space<semaphore_mem>>)
      %dma_wait3A = tpu.memref_slice %arg4[%add3A_75] : memref<40960xf32, #tpu.memory_space<hbm>> -> memref<640xf32, #tpu.memory_space<hbm>>
      %dma_wait3A_88 = tpu.memref_slice %arg9[%mul3A_66] : memref<10240xf32, #tpu.memory_space<vmem_shared>> -> memref<640xf32, #tpu.memory_space<vmem_shared>>
      tpu.wait_dma2 semaphore(%run_scoped3A : memref<!tpu.dma_semaphore, #tpu.memory_space<semaphore_mem>>) src(%dma_wait3A_88 : memref<640xf32, #tpu.memory_space<vmem_shared>>) dst(%dma_wait3A : memref<640xf32, #tpu.memory_space<hbm>>)
      tpu.yield
    }) : () -> ()
    %mul3A_76 = arith.constant 640 : i32
    %mul3A_77 = arith.muli %arg1, %mul3A_76 : i32
    %mul3A_78 = arith.constant 2 : i32
    %mul3A_79 = arith.muli %arg0, %mul3A_78 : i32
    %add3A_80 = arith.constant 1 : i32
    %add3A_81 = arith.addi %mul3A_79, %add3A_80 : i32
    %mul3A_82 = arith.constant 10240 : i32
    %mul3A_83 = arith.muli %add3A_81, %mul3A_82 : i32
    %mul3A_84 = arith.constant 640 : i32
    %mul3A_85 = arith.muli %arg1, %mul3A_84 : i32
    %add3A_86 = arith.addi %mul3A_83, %mul3A_85 : i32
    "tpu.region"() ({
      %run_scoped3A = tpu.sem_alloc : memref<!tpu.dma_semaphore, #tpu.memory_space<semaphore_mem>>
      %dma_start3A = tpu.memref_slice %arg4[%add3A_86] : memref<40960xf32, #tpu.memory_space<hbm>> -> memref<640xf32, #tpu.memory_space<hbm>>
      %dma_start3A_87 = tpu.memref_slice %arg10[%mul3A_77] : memref<10240xf32, #tpu.memory_space<vmem_shared>> -> memref<640xf32, #tpu.memory_space<vmem_shared>>
      tpu.enqueue_dma source(%dma_start3A_87 : memref<640xf32, #tpu.memory_space<vmem_shared>>) target(%dma_start3A : memref<640xf32, #tpu.memory_space<hbm>>) target_semaphore(%run_scoped3A : memref<!tpu.dma_semaphore, #tpu.memory_space<semaphore_mem>>)
      %dma_wait3A = tpu.memref_slice %arg4[%add3A_86] : memref<40960xf32, #tpu.memory_space<hbm>> -> memref<640xf32, #tpu.memory_space<hbm>>
      %dma_wait3A_88 = tpu.memref_slice %arg10[%mul3A_77] : memref<10240xf32, #tpu.memory_space<vmem_shared>> -> memref<640xf32, #tpu.memory_space<vmem_shared>>
      tpu.wait_dma2 semaphore(%run_scoped3A : memref<!tpu.dma_semaphore, #tpu.memory_space<semaphore_mem>>) src(%dma_wait3A_88 : memref<640xf32, #tpu.memory_space<vmem_shared>>) dst(%dma_wait3A : memref<640xf32, #tpu.memory_space<hbm>>)
      tpu.yield
    }) : () -> ()
    return
  }
}

#map = affine_map<(d0, d1) -> (0, 0)>
#map1 = affine_map<(d0, d1) -> (0, 0, 0)>
module attributes {stable_mosaic.version = 14 : i64} {
  func.func @_prop_kernel(%arg0: i32, %arg1: i32, %arg2: memref<20480x64xf32, #tpu.memory_space<hbm>>, %arg3: memref<32x79x128xi32, #tpu.memory_space<hbm>>, %arg4: memref<32x79x128xi32, #tpu.memory_space<hbm>>, %arg5: memref<2x10240x64xf32, #tpu.memory_space<hbm>>, %arg6: memref<79x128xi32, #tpu.memory_space<vmem>>, %arg7: memref<79x128xi32, #tpu.memory_space<vmem>>, %arg8: memref<128x64xf32, #tpu.memory_space<vmem>>, %arg9: memref<128x64xf32, #tpu.memory_space<vmem>>, %arg10: memref<10240x64xf32, #tpu.memory_space<vmem_shared>>, %arg11: memref<!tpu.dma_semaphore, #tpu.memory_space<semaphore_mem>>, %arg12: memref<!tpu.dma_semaphore, #tpu.memory_space<semaphore_mem>>) attributes {dimension_semantics = [#tpu.dimension_semantics<core_parallel>, #tpu.dimension_semantics<subcore_parallel>], iteration_bounds = array<i64: 2, 16>, scalar_prefetch = 0 : i64, scratch_operands = 7 : i64, tpu.core_type = #tpu.core_type<sc_vector_subcore>, window_params = [{transform_indices = #map}, {transform_indices = #map1}, {transform_indices = #map1}, {transform_indices = #map1}]} {
    %scan3A = arith.constant 0 : i32
    %scan3A_0 = arith.constant 0 : i32
    %scan3A_1 = arith.constant 128 : i32
    %scan3A_2 = arith.addi %scan3A_0, %scan3A_1 : i32
    %scan3A_3 = arith.constant 1 : i32
    %scan3A_4 = scf.for %scan3A_66 = %scan3A_0 to %scan3A_2 step %scan3A_3 iter_args(%scan3A_67 = %scan3A) -> (i32)  : i32 {
      %broadcast_in_dim3A = arith.constant 0.000000e+00 : f32
      %broadcast_in_dim3A_68 = vector.broadcast %broadcast_in_dim3A : f32 to vector<16xf32>
      %swap3A = arith.index_cast %scan3A_66 : i32 to index
      %swap3A_69 = arith.constant 0 : index
      %swap3A_70 = tpu.vector_load %arg8[%swap3A, %swap3A_69] {strides = array<i32>} : memref<128x64xf32, #tpu.memory_space<vmem>>, vector<1x16xf32>,
      %swap3A_71 = vector.shape_cast %swap3A_70 : vector<1x16xf32> to vector<16xf32>
      %swap3A_72 = vector.shape_cast %broadcast_in_dim3A_68 : vector<16xf32> to vector<1x16xf32>
      tpu.vector_store %arg8[%swap3A, %swap3A_69], %swap3A_72 {strides = array<i32>} : memref<128x64xf32, #tpu.memory_space<vmem>>, vector<1x16xf32>,
      %broadcast_in_dim3A_73 = arith.constant 0.000000e+00 : f32
      %broadcast_in_dim3A_74 = vector.broadcast %broadcast_in_dim3A_73 : f32 to vector<16xf32>
      %swap3A_75 = arith.index_cast %scan3A_66 : i32 to index
      %swap3A_76 = arith.constant 16 : index
      %swap3A_77 = tpu.vector_load %arg8[%swap3A_75, %swap3A_76] {strides = array<i32>} : memref<128x64xf32, #tpu.memory_space<vmem>>, vector<1x16xf32>,
      %swap3A_78 = vector.shape_cast %swap3A_77 : vector<1x16xf32> to vector<16xf32>
      %swap3A_79 = vector.shape_cast %broadcast_in_dim3A_74 : vector<16xf32> to vector<1x16xf32>
      tpu.vector_store %arg8[%swap3A_75, %swap3A_76], %swap3A_79 {strides = array<i32>} : memref<128x64xf32, #tpu.memory_space<vmem>>, vector<1x16xf32>,
      %broadcast_in_dim3A_80 = arith.constant 0.000000e+00 : f32
      %broadcast_in_dim3A_81 = vector.broadcast %broadcast_in_dim3A_80 : f32 to vector<16xf32>
      %swap3A_82 = arith.index_cast %scan3A_66 : i32 to index
      %swap3A_83 = arith.constant 32 : index
      %swap3A_84 = tpu.vector_load %arg8[%swap3A_82, %swap3A_83] {strides = array<i32>} : memref<128x64xf32, #tpu.memory_space<vmem>>, vector<1x16xf32>,
      %swap3A_85 = vector.shape_cast %swap3A_84 : vector<1x16xf32> to vector<16xf32>
      %swap3A_86 = vector.shape_cast %broadcast_in_dim3A_81 : vector<16xf32> to vector<1x16xf32>
      tpu.vector_store %arg8[%swap3A_82, %swap3A_83], %swap3A_86 {strides = array<i32>} : memref<128x64xf32, #tpu.memory_space<vmem>>, vector<1x16xf32>,
      %broadcast_in_dim3A_87 = arith.constant 0.000000e+00 : f32
      %broadcast_in_dim3A_88 = vector.broadcast %broadcast_in_dim3A_87 : f32 to vector<16xf32>
      %swap3A_89 = arith.index_cast %scan3A_66 : i32 to index
      %swap3A_90 = arith.constant 48 : index
      %swap3A_91 = tpu.vector_load %arg8[%swap3A_89, %swap3A_90] {strides = array<i32>} : memref<128x64xf32, #tpu.memory_space<vmem>>, vector<1x16xf32>,
      %swap3A_92 = vector.shape_cast %swap3A_91 : vector<1x16xf32> to vector<16xf32>
      %swap3A_93 = vector.shape_cast %broadcast_in_dim3A_88 : vector<16xf32> to vector<1x16xf32>
      tpu.vector_store %arg8[%swap3A_89, %swap3A_90], %swap3A_93 {strides = array<i32>} : memref<128x64xf32, #tpu.memory_space<vmem>>, vector<1x16xf32>,
      %scan3A_94 = arith.constant 0 : i32
      scf.yield %scan3A_94 : i32
    }
    %scan3A_5 = arith.constant 128 : i32
    %mul3A = arith.constant 640 : i32
    %mul3A_6 = arith.muli %arg1, %mul3A : i32
    %add3A = arith.constant 0 : i32
    %add3A_7 = arith.addi %mul3A_6, %add3A : i32
    "tpu.region"() ({
      %run_scoped3A_66 = tpu.sem_alloc : memref<!tpu.dma_semaphore, #tpu.memory_space<semaphore_mem>>
      %dma_start3A_67 = arith.constant 0 : i32
      %dma_start3A_68 = tpu.memref_slice %arg10[%add3A_7, %dma_start3A_67] : memref<10240x64xf32, #tpu.memory_space<vmem_shared>> -> memref<128x64xf32, #tpu.memory_space<vmem_shared>>
      %dma_start3A_69 = arith.constant 0 : i32
      %dma_start3A_70 = tpu.memref_slice %arg10[%add3A_7, %dma_start3A_69] : memref<10240x64xf32, #tpu.memory_space<vmem_shared>> -> memref<128x64xf32, #tpu.memory_space<vmem_shared>>
      tpu.enqueue_dma source(%arg8 : memref<128x64xf32, #tpu.memory_space<vmem>>) target(%dma_start3A_70 : memref<128x64xf32, #tpu.memory_space<vmem_shared>>) target_semaphore(%run_scoped3A_66 : memref<!tpu.dma_semaphore, #tpu.memory_space<semaphore_mem>>)
      %dma_wait3A_71 = arith.constant 0 : i32
      %dma_wait3A_72 = tpu.memref_slice %arg10[%add3A_7, %dma_wait3A_71] : memref<10240x64xf32, #tpu.memory_space<vmem_shared>> -> memref<128x64xf32, #tpu.memory_space<vmem_shared>>
      %dma_wait3A_73 = arith.constant 0 : i32
      %dma_wait3A_74 = tpu.memref_slice %arg10[%add3A_7, %dma_wait3A_73] : memref<10240x64xf32, #tpu.memory_space<vmem_shared>> -> memref<128x64xf32, #tpu.memory_space<vmem_shared>>
      tpu.wait_dma2 semaphore(%run_scoped3A_66 : memref<!tpu.dma_semaphore, #tpu.memory_space<semaphore_mem>>) src(%arg8 : memref<128x64xf32, #tpu.memory_space<vmem>>) dst(%dma_wait3A_74 : memref<128x64xf32, #tpu.memory_space<vmem_shared>>)
      tpu.yield
    }) : () -> ()
    %add3A_8 = arith.constant 128 : i32
    %add3A_9 = arith.addi %mul3A_6, %add3A_8 : i32
    "tpu.region"() ({
      %run_scoped3A_66 = tpu.sem_alloc : memref<!tpu.dma_semaphore, #tpu.memory_space<semaphore_mem>>
      %dma_start3A_67 = arith.constant 0 : i32
      %dma_start3A_68 = tpu.memref_slice %arg10[%add3A_9, %dma_start3A_67] : memref<10240x64xf32, #tpu.memory_space<vmem_shared>> -> memref<128x64xf32, #tpu.memory_space<vmem_shared>>
      %dma_start3A_69 = arith.constant 0 : i32
      %dma_start3A_70 = tpu.memref_slice %arg10[%add3A_9, %dma_start3A_69] : memref<10240x64xf32, #tpu.memory_space<vmem_shared>> -> memref<128x64xf32, #tpu.memory_space<vmem_shared>>
      tpu.enqueue_dma source(%arg8 : memref<128x64xf32, #tpu.memory_space<vmem>>) target(%dma_start3A_70 : memref<128x64xf32, #tpu.memory_space<vmem_shared>>) target_semaphore(%run_scoped3A_66 : memref<!tpu.dma_semaphore, #tpu.memory_space<semaphore_mem>>)
      %dma_wait3A_71 = arith.constant 0 : i32
      %dma_wait3A_72 = tpu.memref_slice %arg10[%add3A_9, %dma_wait3A_71] : memref<10240x64xf32, #tpu.memory_space<vmem_shared>> -> memref<128x64xf32, #tpu.memory_space<vmem_shared>>
      %dma_wait3A_73 = arith.constant 0 : i32
      %dma_wait3A_74 = tpu.memref_slice %arg10[%add3A_9, %dma_wait3A_73] : memref<10240x64xf32, #tpu.memory_space<vmem_shared>> -> memref<128x64xf32, #tpu.memory_space<vmem_shared>>
      tpu.wait_dma2 semaphore(%run_scoped3A_66 : memref<!tpu.dma_semaphore, #tpu.memory_space<semaphore_mem>>) src(%arg8 : memref<128x64xf32, #tpu.memory_space<vmem>>) dst(%dma_wait3A_74 : memref<128x64xf32, #tpu.memory_space<vmem_shared>>)
      tpu.yield
    }) : () -> ()
    %add3A_10 = arith.constant 256 : i32
    %add3A_11 = arith.addi %mul3A_6, %add3A_10 : i32
    "tpu.region"() ({
      %run_scoped3A_66 = tpu.sem_alloc : memref<!tpu.dma_semaphore, #tpu.memory_space<semaphore_mem>>
      %dma_start3A_67 = arith.constant 0 : i32
      %dma_start3A_68 = tpu.memref_slice %arg10[%add3A_11, %dma_start3A_67] : memref<10240x64xf32, #tpu.memory_space<vmem_shared>> -> memref<128x64xf32, #tpu.memory_space<vmem_shared>>
      %dma_start3A_69 = arith.constant 0 : i32
      %dma_start3A_70 = tpu.memref_slice %arg10[%add3A_11, %dma_start3A_69] : memref<10240x64xf32, #tpu.memory_space<vmem_shared>> -> memref<128x64xf32, #tpu.memory_space<vmem_shared>>
      tpu.enqueue_dma source(%arg8 : memref<128x64xf32, #tpu.memory_space<vmem>>) target(%dma_start3A_70 : memref<128x64xf32, #tpu.memory_space<vmem_shared>>) target_semaphore(%run_scoped3A_66 : memref<!tpu.dma_semaphore, #tpu.memory_space<semaphore_mem>>)
      %dma_wait3A_71 = arith.constant 0 : i32
      %dma_wait3A_72 = tpu.memref_slice %arg10[%add3A_11, %dma_wait3A_71] : memref<10240x64xf32, #tpu.memory_space<vmem_shared>> -> memref<128x64xf32, #tpu.memory_space<vmem_shared>>
      %dma_wait3A_73 = arith.constant 0 : i32
      %dma_wait3A_74 = tpu.memref_slice %arg10[%add3A_11, %dma_wait3A_73] : memref<10240x64xf32, #tpu.memory_space<vmem_shared>> -> memref<128x64xf32, #tpu.memory_space<vmem_shared>>
      tpu.wait_dma2 semaphore(%run_scoped3A_66 : memref<!tpu.dma_semaphore, #tpu.memory_space<semaphore_mem>>) src(%arg8 : memref<128x64xf32, #tpu.memory_space<vmem>>) dst(%dma_wait3A_74 : memref<128x64xf32, #tpu.memory_space<vmem_shared>>)
      tpu.yield
    }) : () -> ()
    %add3A_12 = arith.constant 384 : i32
    %add3A_13 = arith.addi %mul3A_6, %add3A_12 : i32
    "tpu.region"() ({
      %run_scoped3A_66 = tpu.sem_alloc : memref<!tpu.dma_semaphore, #tpu.memory_space<semaphore_mem>>
      %dma_start3A_67 = arith.constant 0 : i32
      %dma_start3A_68 = tpu.memref_slice %arg10[%add3A_13, %dma_start3A_67] : memref<10240x64xf32, #tpu.memory_space<vmem_shared>> -> memref<128x64xf32, #tpu.memory_space<vmem_shared>>
      %dma_start3A_69 = arith.constant 0 : i32
      %dma_start3A_70 = tpu.memref_slice %arg10[%add3A_13, %dma_start3A_69] : memref<10240x64xf32, #tpu.memory_space<vmem_shared>> -> memref<128x64xf32, #tpu.memory_space<vmem_shared>>
      tpu.enqueue_dma source(%arg8 : memref<128x64xf32, #tpu.memory_space<vmem>>) target(%dma_start3A_70 : memref<128x64xf32, #tpu.memory_space<vmem_shared>>) target_semaphore(%run_scoped3A_66 : memref<!tpu.dma_semaphore, #tpu.memory_space<semaphore_mem>>)
      %dma_wait3A_71 = arith.constant 0 : i32
      %dma_wait3A_72 = tpu.memref_slice %arg10[%add3A_13, %dma_wait3A_71] : memref<10240x64xf32, #tpu.memory_space<vmem_shared>> -> memref<128x64xf32, #tpu.memory_space<vmem_shared>>
      %dma_wait3A_73 = arith.constant 0 : i32
      %dma_wait3A_74 = tpu.memref_slice %arg10[%add3A_13, %dma_wait3A_73] : memref<10240x64xf32, #tpu.memory_space<vmem_shared>> -> memref<128x64xf32, #tpu.memory_space<vmem_shared>>
      tpu.wait_dma2 semaphore(%run_scoped3A_66 : memref<!tpu.dma_semaphore, #tpu.memory_space<semaphore_mem>>) src(%arg8 : memref<128x64xf32, #tpu.memory_space<vmem>>) dst(%dma_wait3A_74 : memref<128x64xf32, #tpu.memory_space<vmem_shared>>)
      tpu.yield
    }) : () -> ()
    %add3A_14 = arith.constant 512 : i32
    %add3A_15 = arith.addi %mul3A_6, %add3A_14 : i32
    "tpu.region"() ({
      %run_scoped3A_66 = tpu.sem_alloc : memref<!tpu.dma_semaphore, #tpu.memory_space<semaphore_mem>>
      %dma_start3A_67 = arith.constant 0 : i32
      %dma_start3A_68 = tpu.memref_slice %arg10[%add3A_15, %dma_start3A_67] : memref<10240x64xf32, #tpu.memory_space<vmem_shared>> -> memref<128x64xf32, #tpu.memory_space<vmem_shared>>
      %dma_start3A_69 = arith.constant 0 : i32
      %dma_start3A_70 = tpu.memref_slice %arg10[%add3A_15, %dma_start3A_69] : memref<10240x64xf32, #tpu.memory_space<vmem_shared>> -> memref<128x64xf32, #tpu.memory_space<vmem_shared>>
      tpu.enqueue_dma source(%arg8 : memref<128x64xf32, #tpu.memory_space<vmem>>) target(%dma_start3A_70 : memref<128x64xf32, #tpu.memory_space<vmem_shared>>) target_semaphore(%run_scoped3A_66 : memref<!tpu.dma_semaphore, #tpu.memory_space<semaphore_mem>>)
      %dma_wait3A_71 = arith.constant 0 : i32
      %dma_wait3A_72 = tpu.memref_slice %arg10[%add3A_15, %dma_wait3A_71] : memref<10240x64xf32, #tpu.memory_space<vmem_shared>> -> memref<128x64xf32, #tpu.memory_space<vmem_shared>>
      %dma_wait3A_73 = arith.constant 0 : i32
      %dma_wait3A_74 = tpu.memref_slice %arg10[%add3A_15, %dma_wait3A_73] : memref<10240x64xf32, #tpu.memory_space<vmem_shared>> -> memref<128x64xf32, #tpu.memory_space<vmem_shared>>
      tpu.wait_dma2 semaphore(%run_scoped3A_66 : memref<!tpu.dma_semaphore, #tpu.memory_space<semaphore_mem>>) src(%arg8 : memref<128x64xf32, #tpu.memory_space<vmem>>) dst(%dma_wait3A_74 : memref<128x64xf32, #tpu.memory_space<vmem_shared>>)
      tpu.yield
    }) : () -> ()
    "tpu.region"() ({
      %run_scoped3A_66 = tpu.sem_alloc : memref<!tpu.dma_semaphore, #tpu.memory_space<semaphore_mem>>
      %dma_start3A_67 = arith.constant 0 : i32
      %dma_start3A_68 = arith.constant 0 : i32
      %dma_start3A_69 = tpu.memref_slice %arg3[%arg1, %dma_start3A_67, %dma_start3A_68] : memref<32x79x128xi32, #tpu.memory_space<hbm>> -> memref<1x79x128xi32, #tpu.memory_space<hbm>>
      %dma_start3A_70 = tpu.memref_squeeze %dma_start3A_69 : memref<1x79x128xi32, #tpu.memory_space<hbm>> -> memref<79x128xi32, #tpu.memory_space<hbm>>
      %dma_start3A_71 = arith.constant 0 : i32
      %dma_start3A_72 = arith.constant 0 : i32
      %dma_start3A_73 = tpu.memref_slice %arg3[%arg1, %dma_start3A_71, %dma_start3A_72] : memref<32x79x128xi32, #tpu.memory_space<hbm>> -> memref<1x79x128xi32, #tpu.memory_space<hbm>>
      %dma_start3A_74 = tpu.memref_squeeze %dma_start3A_73 : memref<1x79x128xi32, #tpu.memory_space<hbm>> -> memref<79x128xi32, #tpu.memory_space<hbm>>
      tpu.enqueue_dma source(%dma_start3A_74 : memref<79x128xi32, #tpu.memory_space<hbm>>) target(%arg6 : memref<79x128xi32, #tpu.memory_space<vmem>>) target_semaphore(%run_scoped3A_66 : memref<!tpu.dma_semaphore, #tpu.memory_space<semaphore_mem>>)
      %dma_wait3A_75 = arith.constant 0 : i32
      %dma_wait3A_76 = arith.constant 0 : i32
      %dma_wait3A_77 = tpu.memref_slice %arg3[%arg1, %dma_wait3A_75, %dma_wait3A_76] : memref<32x79x128xi32, #tpu.memory_space<hbm>> -> memref<1x79x128xi32, #tpu.memory_space<hbm>>
      %dma_wait3A_78 = tpu.memref_squeeze %dma_wait3A_77 : memref<1x79x128xi32, #tpu.memory_space<hbm>> -> memref<79x128xi32, #tpu.memory_space<hbm>>
      %dma_wait3A_79 = arith.constant 0 : i32
      %dma_wait3A_80 = arith.constant 0 : i32
      %dma_wait3A_81 = tpu.memref_slice %arg3[%arg1, %dma_wait3A_79, %dma_wait3A_80] : memref<32x79x128xi32, #tpu.memory_space<hbm>> -> memref<1x79x128xi32, #tpu.memory_space<hbm>>
      %dma_wait3A_82 = tpu.memref_squeeze %dma_wait3A_81 : memref<1x79x128xi32, #tpu.memory_space<hbm>> -> memref<79x128xi32, #tpu.memory_space<hbm>>
      tpu.wait_dma2 semaphore(%run_scoped3A_66 : memref<!tpu.dma_semaphore, #tpu.memory_space<semaphore_mem>>) src(%dma_wait3A_82 : memref<79x128xi32, #tpu.memory_space<hbm>>) dst(%arg6 : memref<79x128xi32, #tpu.memory_space<vmem>>)
      tpu.yield
    }) : () -> ()
    "tpu.region"() ({
      %run_scoped3A_66 = tpu.sem_alloc : memref<!tpu.dma_semaphore, #tpu.memory_space<semaphore_mem>>
      %dma_start3A_67 = arith.constant 0 : i32
      %dma_start3A_68 = arith.constant 0 : i32
      %dma_start3A_69 = tpu.memref_slice %arg4[%arg1, %dma_start3A_67, %dma_start3A_68] : memref<32x79x128xi32, #tpu.memory_space<hbm>> -> memref<1x79x128xi32, #tpu.memory_space<hbm>>
      %dma_start3A_70 = tpu.memref_squeeze %dma_start3A_69 : memref<1x79x128xi32, #tpu.memory_space<hbm>> -> memref<79x128xi32, #tpu.memory_space<hbm>>
      %dma_start3A_71 = arith.constant 0 : i32
      %dma_start3A_72 = arith.constant 0 : i32
      %dma_start3A_73 = tpu.memref_slice %arg4[%arg1, %dma_start3A_71, %dma_start3A_72] : memref<32x79x128xi32, #tpu.memory_space<hbm>> -> memref<1x79x128xi32, #tpu.memory_space<hbm>>
      %dma_start3A_74 = tpu.memref_squeeze %dma_start3A_73 : memref<1x79x128xi32, #tpu.memory_space<hbm>> -> memref<79x128xi32, #tpu.memory_space<hbm>>
      tpu.enqueue_dma source(%dma_start3A_74 : memref<79x128xi32, #tpu.memory_space<hbm>>) target(%arg7 : memref<79x128xi32, #tpu.memory_space<vmem>>) target_semaphore(%run_scoped3A_66 : memref<!tpu.dma_semaphore, #tpu.memory_space<semaphore_mem>>)
      %dma_wait3A_75 = arith.constant 0 : i32
      %dma_wait3A_76 = arith.constant 0 : i32
      %dma_wait3A_77 = tpu.memref_slice %arg4[%arg1, %dma_wait3A_75, %dma_wait3A_76] : memref<32x79x128xi32, #tpu.memory_space<hbm>> -> memref<1x79x128xi32, #tpu.memory_space<hbm>>
      %dma_wait3A_78 = tpu.memref_squeeze %dma_wait3A_77 : memref<1x79x128xi32, #tpu.memory_space<hbm>> -> memref<79x128xi32, #tpu.memory_space<hbm>>
      %dma_wait3A_79 = arith.constant 0 : i32
      %dma_wait3A_80 = arith.constant 0 : i32
      %dma_wait3A_81 = tpu.memref_slice %arg4[%arg1, %dma_wait3A_79, %dma_wait3A_80] : memref<32x79x128xi32, #tpu.memory_space<hbm>> -> memref<1x79x128xi32, #tpu.memory_space<hbm>>
      %dma_wait3A_82 = tpu.memref_squeeze %dma_wait3A_81 : memref<1x79x128xi32, #tpu.memory_space<hbm>> -> memref<79x128xi32, #tpu.memory_space<hbm>>
      tpu.wait_dma2 semaphore(%run_scoped3A_66 : memref<!tpu.dma_semaphore, #tpu.memory_space<semaphore_mem>>) src(%dma_wait3A_82 : memref<79x128xi32, #tpu.memory_space<hbm>>) dst(%arg7 : memref<79x128xi32, #tpu.memory_space<vmem>>)
      tpu.yield
    }) : () -> ()
    %eq3A = arith.constant 1 : i32
    %eq3A_16 = arith.cmpi eq, %arg0, %eq3A : i32
    %convert_element_type3A = arith.extui %eq3A_16 : i1 to i32
    %cond3A = arith.constant 0 : i32
    %cond3A_17 = arith.cmpi ne, %convert_element_type3A, %cond3A : i32
    scf.if %cond3A_17 {
      %scan3A_66 = arith.constant 0 : i32
      %scan3A_67 = arith.constant 0 : i32
      %scan3A_68 = arith.constant 79 : i32
      %scan3A_69 = arith.addi %scan3A_67, %scan3A_68 : i32
      %scan3A_70 = arith.constant 1 : i32
      %scan3A_71 = scf.for %scan3A_73 = %scan3A_67 to %scan3A_69 step %scan3A_70 iter_args(%scan3A_74 = %scan3A_66) -> (i32)  : i32 {
        %get3A = arith.index_cast %scan3A_73 : i32 to index
        %get3A_75 = arith.constant 0 : index
        %get3A_76 = tpu.vector_load %arg6[%get3A, %get3A_75] {strides = array<i32>} : memref<79x128xi32, #tpu.memory_space<vmem>>, vector<1x16xi32>,
        %get3A_77 = vector.shape_cast %get3A_76 : vector<1x16xi32> to vector<16xi32>
        %add3A_78 = arith.constant 10240 : i32
        %add3A_79 = vector.broadcast %add3A_78 : i32 to vector<16xi32>
        %add3A_80 = arith.addi %get3A_77, %add3A_79 : vector<16xi32>
        %swap3A = arith.index_cast %scan3A_73 : i32 to index
        %swap3A_81 = arith.constant 0 : index
        %swap3A_82 = tpu.vector_load %arg6[%swap3A, %swap3A_81] {strides = array<i32>} : memref<79x128xi32, #tpu.memory_space<vmem>>, vector<1x16xi32>,
        %swap3A_83 = vector.shape_cast %swap3A_82 : vector<1x16xi32> to vector<16xi32>
        %swap3A_84 = vector.shape_cast %add3A_80 : vector<16xi32> to vector<1x16xi32>
        tpu.vector_store %arg6[%swap3A, %swap3A_81], %swap3A_84 {strides = array<i32>} : memref<79x128xi32, #tpu.memory_space<vmem>>, vector<1x16xi32>,
        %get3A_85 = arith.index_cast %scan3A_73 : i32 to index
        %get3A_86 = arith.constant 16 : index
        %get3A_87 = tpu.vector_load %arg6[%get3A_85, %get3A_86] {strides = array<i32>} : memref<79x128xi32, #tpu.memory_space<vmem>>, vector<1x16xi32>,
        %get3A_88 = vector.shape_cast %get3A_87 : vector<1x16xi32> to vector<16xi32>
        %add3A_89 = arith.constant 10240 : i32
        %add3A_90 = vector.broadcast %add3A_89 : i32 to vector<16xi32>
        %add3A_91 = arith.addi %get3A_88, %add3A_90 : vector<16xi32>
        %swap3A_92 = arith.index_cast %scan3A_73 : i32 to index
        %swap3A_93 = arith.constant 16 : index
        %swap3A_94 = tpu.vector_load %arg6[%swap3A_92, %swap3A_93] {strides = array<i32>} : memref<79x128xi32, #tpu.memory_space<vmem>>, vector<1x16xi32>,
        %swap3A_95 = vector.shape_cast %swap3A_94 : vector<1x16xi32> to vector<16xi32>
        %swap3A_96 = vector.shape_cast %add3A_91 : vector<16xi32> to vector<1x16xi32>
        tpu.vector_store %arg6[%swap3A_92, %swap3A_93], %swap3A_96 {strides = array<i32>} : memref<79x128xi32, #tpu.memory_space<vmem>>, vector<1x16xi32>,
        %get3A_97 = arith.index_cast %scan3A_73 : i32 to index
        %get3A_98 = arith.constant 32 : index
        %get3A_99 = tpu.vector_load %arg6[%get3A_97, %get3A_98] {strides = array<i32>} : memref<79x128xi32, #tpu.memory_space<vmem>>, vector<1x16xi32>,
        %get3A_100 = vector.shape_cast %get3A_99 : vector<1x16xi32> to vector<16xi32>
        %add3A_101 = arith.constant 10240 : i32
        %add3A_102 = vector.broadcast %add3A_101 : i32 to vector<16xi32>
        %add3A_103 = arith.addi %get3A_100, %add3A_102 : vector<16xi32>
        %swap3A_104 = arith.index_cast %scan3A_73 : i32 to index
        %swap3A_105 = arith.constant 32 : index
        %swap3A_106 = tpu.vector_load %arg6[%swap3A_104, %swap3A_105] {strides = array<i32>} : memref<79x128xi32, #tpu.memory_space<vmem>>, vector<1x16xi32>,
        %swap3A_107 = vector.shape_cast %swap3A_106 : vector<1x16xi32> to vector<16xi32>
        %swap3A_108 = vector.shape_cast %add3A_103 : vector<16xi32> to vector<1x16xi32>
        tpu.vector_store %arg6[%swap3A_104, %swap3A_105], %swap3A_108 {strides = array<i32>} : memref<79x128xi32, #tpu.memory_space<vmem>>, vector<1x16xi32>,
        %get3A_109 = arith.index_cast %scan3A_73 : i32 to index
        %get3A_110 = arith.constant 48 : index
        %get3A_111 = tpu.vector_load %arg6[%get3A_109, %get3A_110] {strides = array<i32>} : memref<79x128xi32, #tpu.memory_space<vmem>>, vector<1x16xi32>,
        %get3A_112 = vector.shape_cast %get3A_111 : vector<1x16xi32> to vector<16xi32>
        %add3A_113 = arith.constant 10240 : i32
        %add3A_114 = vector.broadcast %add3A_113 : i32 to vector<16xi32>
        %add3A_115 = arith.addi %get3A_112, %add3A_114 : vector<16xi32>
        %swap3A_116 = arith.index_cast %scan3A_73 : i32 to index
        %swap3A_117 = arith.constant 48 : index
        %swap3A_118 = tpu.vector_load %arg6[%swap3A_116, %swap3A_117] {strides = array<i32>} : memref<79x128xi32, #tpu.memory_space<vmem>>, vector<1x16xi32>,
        %swap3A_119 = vector.shape_cast %swap3A_118 : vector<1x16xi32> to vector<16xi32>
        %swap3A_120 = vector.shape_cast %add3A_115 : vector<16xi32> to vector<1x16xi32>
        tpu.vector_store %arg6[%swap3A_116, %swap3A_117], %swap3A_120 {strides = array<i32>} : memref<79x128xi32, #tpu.memory_space<vmem>>, vector<1x16xi32>,
        %get3A_121 = arith.index_cast %scan3A_73 : i32 to index
        %get3A_122 = arith.constant 64 : index
        %get3A_123 = tpu.vector_load %arg6[%get3A_121, %get3A_122] {strides = array<i32>} : memref<79x128xi32, #tpu.memory_space<vmem>>, vector<1x16xi32>,
        %get3A_124 = vector.shape_cast %get3A_123 : vector<1x16xi32> to vector<16xi32>
        %add3A_125 = arith.constant 10240 : i32
        %add3A_126 = vector.broadcast %add3A_125 : i32 to vector<16xi32>
        %add3A_127 = arith.addi %get3A_124, %add3A_126 : vector<16xi32>
        %swap3A_128 = arith.index_cast %scan3A_73 : i32 to index
        %swap3A_129 = arith.constant 64 : index
        %swap3A_130 = tpu.vector_load %arg6[%swap3A_128, %swap3A_129] {strides = array<i32>} : memref<79x128xi32, #tpu.memory_space<vmem>>, vector<1x16xi32>,
        %swap3A_131 = vector.shape_cast %swap3A_130 : vector<1x16xi32> to vector<16xi32>
        %swap3A_132 = vector.shape_cast %add3A_127 : vector<16xi32> to vector<1x16xi32>
        tpu.vector_store %arg6[%swap3A_128, %swap3A_129], %swap3A_132 {strides = array<i32>} : memref<79x128xi32, #tpu.memory_space<vmem>>, vector<1x16xi32>,
        %get3A_133 = arith.index_cast %scan3A_73 : i32 to index
        %get3A_134 = arith.constant 80 : index
        %get3A_135 = tpu.vector_load %arg6[%get3A_133, %get3A_134] {strides = array<i32>} : memref<79x128xi32, #tpu.memory_space<vmem>>, vector<1x16xi32>,
        %get3A_136 = vector.shape_cast %get3A_135 : vector<1x16xi32> to vector<16xi32>
        %add3A_137 = arith.constant 10240 : i32
        %add3A_138 = vector.broadcast %add3A_137 : i32 to vector<16xi32>
        %add3A_139 = arith.addi %get3A_136, %add3A_138 : vector<16xi32>
        %swap3A_140 = arith.index_cast %scan3A_73 : i32 to index
        %swap3A_141 = arith.constant 80 : index
        %swap3A_142 = tpu.vector_load %arg6[%swap3A_140, %swap3A_141] {strides = array<i32>} : memref<79x128xi32, #tpu.memory_space<vmem>>, vector<1x16xi32>,
        %swap3A_143 = vector.shape_cast %swap3A_142 : vector<1x16xi32> to vector<16xi32>
        %swap3A_144 = vector.shape_cast %add3A_139 : vector<16xi32> to vector<1x16xi32>
        tpu.vector_store %arg6[%swap3A_140, %swap3A_141], %swap3A_144 {strides = array<i32>} : memref<79x128xi32, #tpu.memory_space<vmem>>, vector<1x16xi32>,
        %get3A_145 = arith.index_cast %scan3A_73 : i32 to index
        %get3A_146 = arith.constant 96 : index
        %get3A_147 = tpu.vector_load %arg6[%get3A_145, %get3A_146] {strides = array<i32>} : memref<79x128xi32, #tpu.memory_space<vmem>>, vector<1x16xi32>,
        %get3A_148 = vector.shape_cast %get3A_147 : vector<1x16xi32> to vector<16xi32>
        %add3A_149 = arith.constant 10240 : i32
        %add3A_150 = vector.broadcast %add3A_149 : i32 to vector<16xi32>
        %add3A_151 = arith.addi %get3A_148, %add3A_150 : vector<16xi32>
        %swap3A_152 = arith.index_cast %scan3A_73 : i32 to index
        %swap3A_153 = arith.constant 96 : index
        %swap3A_154 = tpu.vector_load %arg6[%swap3A_152, %swap3A_153] {strides = array<i32>} : memref<79x128xi32, #tpu.memory_space<vmem>>, vector<1x16xi32>,
        %swap3A_155 = vector.shape_cast %swap3A_154 : vector<1x16xi32> to vector<16xi32>
        %swap3A_156 = vector.shape_cast %add3A_151 : vector<16xi32> to vector<1x16xi32>
        tpu.vector_store %arg6[%swap3A_152, %swap3A_153], %swap3A_156 {strides = array<i32>} : memref<79x128xi32, #tpu.memory_space<vmem>>, vector<1x16xi32>,
        %get3A_157 = arith.index_cast %scan3A_73 : i32 to index
        %get3A_158 = arith.constant 112 : index
        %get3A_159 = tpu.vector_load %arg6[%get3A_157, %get3A_158] {strides = array<i32>} : memref<79x128xi32, #tpu.memory_space<vmem>>, vector<1x16xi32>,
        %get3A_160 = vector.shape_cast %get3A_159 : vector<1x16xi32> to vector<16xi32>
        %add3A_161 = arith.constant 10240 : i32
        %add3A_162 = vector.broadcast %add3A_161 : i32 to vector<16xi32>
        %add3A_163 = arith.addi %get3A_160, %add3A_162 : vector<16xi32>
        %swap3A_164 = arith.index_cast %scan3A_73 : i32 to index
        %swap3A_165 = arith.constant 112 : index
        %swap3A_166 = tpu.vector_load %arg6[%swap3A_164, %swap3A_165] {strides = array<i32>} : memref<79x128xi32, #tpu.memory_space<vmem>>, vector<1x16xi32>,
        %swap3A_167 = vector.shape_cast %swap3A_166 : vector<1x16xi32> to vector<16xi32>
        %swap3A_168 = vector.shape_cast %add3A_163 : vector<16xi32> to vector<1x16xi32>
        tpu.vector_store %arg6[%swap3A_164, %swap3A_165], %swap3A_168 {strides = array<i32>} : memref<79x128xi32, #tpu.memory_space<vmem>>, vector<1x16xi32>,
        %scan3A_169 = arith.constant 0 : i32
        scf.yield %scan3A_169 : i32
      }
      %scan3A_72 = arith.constant 79 : i32
    } else {
    }
    %barrier3A = arith.constant 0 : index
    tpu.barrier barrier_id(%barrier3A)
    %dma_start3A = arith.constant 0 : i32
    %dma_start3A_18 = arith.constant 0 : i32
    %dma_start3A_19 = tpu.memref_slice %arg6[%dma_start3A, %dma_start3A_18] : memref<79x128xi32, #tpu.memory_space<vmem>> -> memref<1x128xi32, #tpu.memory_space<vmem>>
    %dma_start3A_20 = tpu.memref_squeeze %dma_start3A_19 : memref<1x128xi32, #tpu.memory_space<vmem>> -> memref<128xi32, #tpu.memory_space<vmem>>
    %dma_start3A_21 = arith.constant 0 : i32
    %dma_start3A_22 = arith.constant 0 : i32
    %dma_start3A_23 = tpu.memref_slice %arg2[%dma_start3A_21, %dma_start3A_22] : memref<20480x64xf32, #tpu.memory_space<hbm>> -> memref<20480x64xf32, #tpu.memory_space<hbm>>
    tpu.enqueue_indirect_dma source(%dma_start3A_23 : memref<20480x64xf32, #tpu.memory_space<hbm>>) target(%arg8 : memref<128x64xf32, #tpu.memory_space<vmem>>) offsets(%dma_start3A_20 : memref<128xi32, #tpu.memory_space<vmem>>) semaphore(%arg11 : memref<!tpu.dma_semaphore, #tpu.memory_space<semaphore_mem>>)
    %scan3A_24 = arith.constant 0 : i32
    %scan3A_25 = arith.constant 0 : i32
    %scan3A_26 = arith.constant 39 : i32
    %scan3A_27 = arith.addi %scan3A_25, %scan3A_26 : i32
    %scan3A_28 = arith.constant 1 : i32
    %scan3A_29 = scf.for %scan3A_66 = %scan3A_25 to %scan3A_27 step %scan3A_28 iter_args(%scan3A_67 = %scan3A_24) -> (i32)  : i32 {
      %mul3A_68 = arith.constant 2 : i32
      %mul3A_69 = arith.muli %mul3A_68, %scan3A_66 : i32
      %dma_wait3A_70 = arith.constant 0 : i32
      %dma_wait3A_71 = arith.constant 0 : i32
      %dma_wait3A_72 = tpu.memref_slice %arg2[%dma_wait3A_70, %dma_wait3A_71] : memref<20480x64xf32, #tpu.memory_space<hbm>> -> memref<128x64xf32, #tpu.memory_space<hbm>>
      %dma_wait3A_73 = arith.constant 0 : i32
      %dma_wait3A_74 = arith.constant 0 : i32
      %dma_wait3A_75 = tpu.memref_slice %arg2[%dma_wait3A_73, %dma_wait3A_74] : memref<20480x64xf32, #tpu.memory_space<hbm>> -> memref<128x64xf32, #tpu.memory_space<hbm>>
      tpu.wait_dma2 semaphore(%arg11 : memref<!tpu.dma_semaphore, #tpu.memory_space<semaphore_mem>>) src(%dma_wait3A_75 : memref<128x64xf32, #tpu.memory_space<hbm>>) dst(%arg8 : memref<128x64xf32, #tpu.memory_space<vmem>>)
      %add3A_76 = arith.constant 1 : i32
      %add3A_77 = arith.addi %mul3A_69, %add3A_76 : i32
      %dma_start3A_78 = arith.constant 0 : i32
      %dma_start3A_79 = tpu.memref_slice %arg6[%add3A_77, %dma_start3A_78] : memref<79x128xi32, #tpu.memory_space<vmem>> -> memref<1x128xi32, #tpu.memory_space<vmem>>
      %dma_start3A_80 = tpu.memref_squeeze %dma_start3A_79 : memref<1x128xi32, #tpu.memory_space<vmem>> -> memref<128xi32, #tpu.memory_space<vmem>>
      %dma_start3A_81 = arith.constant 0 : i32
      %dma_start3A_82 = arith.constant 0 : i32
      %dma_start3A_83 = tpu.memref_slice %arg2[%dma_start3A_81, %dma_start3A_82] : memref<20480x64xf32, #tpu.memory_space<hbm>> -> memref<20480x64xf32, #tpu.memory_space<hbm>>
      tpu.enqueue_indirect_dma source(%dma_start3A_83 : memref<20480x64xf32, #tpu.memory_space<hbm>>) target(%arg9 : memref<128x64xf32, #tpu.memory_space<vmem>>) offsets(%dma_start3A_80 : memref<128xi32, #tpu.memory_space<vmem>>) semaphore(%arg12 : memref<!tpu.dma_semaphore, #tpu.memory_space<semaphore_mem>>)
      "tpu.region"() ({
        %run_scoped3A_101 = tpu.sem_alloc : memref<!tpu.dma_semaphore, #tpu.memory_space<semaphore_mem>>
        %dma_start3A_102 = arith.constant 0 : i32
        %dma_start3A_103 = tpu.memref_slice %arg7[%mul3A_69, %dma_start3A_102] : memref<79x128xi32, #tpu.memory_space<vmem>> -> memref<1x128xi32, #tpu.memory_space<vmem>>
        %dma_start3A_104 = tpu.memref_squeeze %dma_start3A_103 : memref<1x128xi32, #tpu.memory_space<vmem>> -> memref<128xi32, #tpu.memory_space<vmem>>
        %dma_start3A_105 = arith.constant 0 : i32
        %dma_start3A_106 = arith.constant 0 : i32
        %dma_start3A_107 = tpu.memref_slice %arg10[%dma_start3A_105, %dma_start3A_106] : memref<10240x64xf32, #tpu.memory_space<vmem_shared>> -> memref<10240x64xf32, #tpu.memory_space<vmem_shared>>
        tpu.enqueue_indirect_dma source(%arg8 : memref<128x64xf32, #tpu.memory_space<vmem>>) target(%dma_start3A_107 : memref<10240x64xf32, #tpu.memory_space<vmem_shared>>) offsets(%dma_start3A_104 : memref<128xi32, #tpu.memory_space<vmem>>) semaphore(%run_scoped3A_101 : memref<!tpu.dma_semaphore, #tpu.memory_space<semaphore_mem>>) {add = true}
        %dma_wait3A_108 = arith.constant 0 : i32
        %dma_wait3A_109 = tpu.memref_slice %arg7[%mul3A_69, %dma_wait3A_108] : memref<79x128xi32, #tpu.memory_space<vmem>> -> memref<1x128xi32, #tpu.memory_space<vmem>>
        %dma_wait3A_110 = tpu.memref_squeeze %dma_wait3A_109 : memref<1x128xi32, #tpu.memory_space<vmem>> -> memref<128xi32, #tpu.memory_space<vmem>>
        %dma_wait3A_111 = arith.constant 0 : i32
        %dma_wait3A_112 = arith.constant 0 : i32
        %dma_wait3A_113 = tpu.memref_slice %arg10[%dma_wait3A_111, %dma_wait3A_112] : memref<10240x64xf32, #tpu.memory_space<vmem_shared>> -> memref<10240x64xf32, #tpu.memory_space<vmem_shared>>
        tpu.wait_indirect_dma semaphore(%run_scoped3A_101 : memref<!tpu.dma_semaphore, #tpu.memory_space<semaphore_mem>>) src(%arg8 : memref<128x64xf32, #tpu.memory_space<vmem>>) dst(%dma_wait3A_113 : memref<10240x64xf32, #tpu.memory_space<vmem_shared>>)
        tpu.yield
      }) : () -> ()
      %dma_wait3A_84 = arith.constant 0 : i32
      %dma_wait3A_85 = arith.constant 0 : i32
      %dma_wait3A_86 = tpu.memref_slice %arg2[%dma_wait3A_84, %dma_wait3A_85] : memref<20480x64xf32, #tpu.memory_space<hbm>> -> memref<128x64xf32, #tpu.memory_space<hbm>>
      %dma_wait3A_87 = arith.constant 0 : i32
      %dma_wait3A_88 = arith.constant 0 : i32
      %dma_wait3A_89 = tpu.memref_slice %arg2[%dma_wait3A_87, %dma_wait3A_88] : memref<20480x64xf32, #tpu.memory_space<hbm>> -> memref<128x64xf32, #tpu.memory_space<hbm>>
      tpu.wait_dma2 semaphore(%arg12 : memref<!tpu.dma_semaphore, #tpu.memory_space<semaphore_mem>>) src(%dma_wait3A_89 : memref<128x64xf32, #tpu.memory_space<hbm>>) dst(%arg9 : memref<128x64xf32, #tpu.memory_space<vmem>>)
      %add3A_90 = arith.constant 2 : i32
      %add3A_91 = arith.addi %mul3A_69, %add3A_90 : i32
      %dma_start3A_92 = arith.constant 0 : i32
      %dma_start3A_93 = tpu.memref_slice %arg6[%add3A_91, %dma_start3A_92] : memref<79x128xi32, #tpu.memory_space<vmem>> -> memref<1x128xi32, #tpu.memory_space<vmem>>
      %dma_start3A_94 = tpu.memref_squeeze %dma_start3A_93 : memref<1x128xi32, #tpu.memory_space<vmem>> -> memref<128xi32, #tpu.memory_space<vmem>>
      %dma_start3A_95 = arith.constant 0 : i32
      %dma_start3A_96 = arith.constant 0 : i32
      %dma_start3A_97 = tpu.memref_slice %arg2[%dma_start3A_95, %dma_start3A_96] : memref<20480x64xf32, #tpu.memory_space<hbm>> -> memref<20480x64xf32, #tpu.memory_space<hbm>>
      tpu.enqueue_indirect_dma source(%dma_start3A_97 : memref<20480x64xf32, #tpu.memory_space<hbm>>) target(%arg8 : memref<128x64xf32, #tpu.memory_space<vmem>>) offsets(%dma_start3A_94 : memref<128xi32, #tpu.memory_space<vmem>>) semaphore(%arg11 : memref<!tpu.dma_semaphore, #tpu.memory_space<semaphore_mem>>)
      %add3A_98 = arith.constant 1 : i32
      %add3A_99 = arith.addi %mul3A_69, %add3A_98 : i32
      "tpu.region"() ({
        %run_scoped3A_101 = tpu.sem_alloc : memref<!tpu.dma_semaphore, #tpu.memory_space<semaphore_mem>>
        %dma_start3A_102 = arith.constant 0 : i32
        %dma_start3A_103 = tpu.memref_slice %arg7[%add3A_99, %dma_start3A_102] : memref<79x128xi32, #tpu.memory_space<vmem>> -> memref<1x128xi32, #tpu.memory_space<vmem>>
        %dma_start3A_104 = tpu.memref_squeeze %dma_start3A_103 : memref<1x128xi32, #tpu.memory_space<vmem>> -> memref<128xi32, #tpu.memory_space<vmem>>
        %dma_start3A_105 = arith.constant 0 : i32
        %dma_start3A_106 = arith.constant 0 : i32
        %dma_start3A_107 = tpu.memref_slice %arg10[%dma_start3A_105, %dma_start3A_106] : memref<10240x64xf32, #tpu.memory_space<vmem_shared>> -> memref<10240x64xf32, #tpu.memory_space<vmem_shared>>
        tpu.enqueue_indirect_dma source(%arg9 : memref<128x64xf32, #tpu.memory_space<vmem>>) target(%dma_start3A_107 : memref<10240x64xf32, #tpu.memory_space<vmem_shared>>) offsets(%dma_start3A_104 : memref<128xi32, #tpu.memory_space<vmem>>) semaphore(%run_scoped3A_101 : memref<!tpu.dma_semaphore, #tpu.memory_space<semaphore_mem>>) {add = true}
        %dma_wait3A_108 = arith.constant 0 : i32
        %dma_wait3A_109 = tpu.memref_slice %arg7[%add3A_99, %dma_wait3A_108] : memref<79x128xi32, #tpu.memory_space<vmem>> -> memref<1x128xi32, #tpu.memory_space<vmem>>
        %dma_wait3A_110 = tpu.memref_squeeze %dma_wait3A_109 : memref<1x128xi32, #tpu.memory_space<vmem>> -> memref<128xi32, #tpu.memory_space<vmem>>
        %dma_wait3A_111 = arith.constant 0 : i32
        %dma_wait3A_112 = arith.constant 0 : i32
        %dma_wait3A_113 = tpu.memref_slice %arg10[%dma_wait3A_111, %dma_wait3A_112] : memref<10240x64xf32, #tpu.memory_space<vmem_shared>> -> memref<10240x64xf32, #tpu.memory_space<vmem_shared>>
        tpu.wait_indirect_dma semaphore(%run_scoped3A_101 : memref<!tpu.dma_semaphore, #tpu.memory_space<semaphore_mem>>) src(%arg9 : memref<128x64xf32, #tpu.memory_space<vmem>>) dst(%dma_wait3A_113 : memref<10240x64xf32, #tpu.memory_space<vmem_shared>>)
        tpu.yield
      }) : () -> ()
      %scan3A_100 = arith.constant 0 : i32
      scf.yield %scan3A_100 : i32
    }
    %scan3A_30 = arith.constant 39 : i32
    %dma_wait3A = arith.constant 0 : i32
    %dma_wait3A_31 = arith.constant 0 : i32
    %dma_wait3A_32 = tpu.memref_slice %arg2[%dma_wait3A, %dma_wait3A_31] : memref<20480x64xf32, #tpu.memory_space<hbm>> -> memref<128x64xf32, #tpu.memory_space<hbm>>
    %dma_wait3A_33 = arith.constant 0 : i32
    %dma_wait3A_34 = arith.constant 0 : i32
    %dma_wait3A_35 = tpu.memref_slice %arg2[%dma_wait3A_33, %dma_wait3A_34] : memref<20480x64xf32, #tpu.memory_space<hbm>> -> memref<128x64xf32, #tpu.memory_space<hbm>>
    tpu.wait_dma2 semaphore(%arg11 : memref<!tpu.dma_semaphore, #tpu.memory_space<semaphore_mem>>) src(%dma_wait3A_35 : memref<128x64xf32, #tpu.memory_space<hbm>>) dst(%arg8 : memref<128x64xf32, #tpu.memory_space<vmem>>)
    %run_scoped3A = arith.constant 78 : i32
    "tpu.region"() ({
      %run_scoped3A_66 = tpu.sem_alloc : memref<!tpu.dma_semaphore, #tpu.memory_space<semaphore_mem>>
      %dma_start3A_67 = arith.constant 0 : i32
      %dma_start3A_68 = tpu.memref_slice %arg7[%run_scoped3A, %dma_start3A_67] : memref<79x128xi32, #tpu.memory_space<vmem>> -> memref<1x128xi32, #tpu.memory_space<vmem>>
      %dma_start3A_69 = tpu.memref_squeeze %dma_start3A_68 : memref<1x128xi32, #tpu.memory_space<vmem>> -> memref<128xi32, #tpu.memory_space<vmem>>
      %dma_start3A_70 = arith.constant 0 : i32
      %dma_start3A_71 = arith.constant 0 : i32
      %dma_start3A_72 = tpu.memref_slice %arg10[%dma_start3A_70, %dma_start3A_71] : memref<10240x64xf32, #tpu.memory_space<vmem_shared>> -> memref<10240x64xf32, #tpu.memory_space<vmem_shared>>
      tpu.enqueue_indirect_dma source(%arg8 : memref<128x64xf32, #tpu.memory_space<vmem>>) target(%dma_start3A_72 : memref<10240x64xf32, #tpu.memory_space<vmem_shared>>) offsets(%dma_start3A_69 : memref<128xi32, #tpu.memory_space<vmem>>) semaphore(%run_scoped3A_66 : memref<!tpu.dma_semaphore, #tpu.memory_space<semaphore_mem>>) {add = true}
      %dma_wait3A_73 = arith.constant 0 : i32
      %dma_wait3A_74 = tpu.memref_slice %arg7[%run_scoped3A, %dma_wait3A_73] : memref<79x128xi32, #tpu.memory_space<vmem>> -> memref<1x128xi32, #tpu.memory_space<vmem>>
      %dma_wait3A_75 = tpu.memref_squeeze %dma_wait3A_74 : memref<1x128xi32, #tpu.memory_space<vmem>> -> memref<128xi32, #tpu.memory_space<vmem>>
      %dma_wait3A_76 = arith.constant 0 : i32
      %dma_wait3A_77 = arith.constant 0 : i32
      %dma_wait3A_78 = tpu.memref_slice %arg10[%dma_wait3A_76, %dma_wait3A_77] : memref<10240x64xf32, #tpu.memory_space<vmem_shared>> -> memref<10240x64xf32, #tpu.memory_space<vmem_shared>>
      tpu.wait_indirect_dma semaphore(%run_scoped3A_66 : memref<!tpu.dma_semaphore, #tpu.memory_space<semaphore_mem>>) src(%arg8 : memref<128x64xf32, #tpu.memory_space<vmem>>) dst(%dma_wait3A_78 : memref<10240x64xf32, #tpu.memory_space<vmem_shared>>)
      tpu.yield
    }) : () -> ()
    %add3A_36 = arith.constant 16 : i32
    %add3A_37 = arith.addi %arg1, %add3A_36 : i32
    "tpu.region"() ({
      %run_scoped3A_66 = tpu.sem_alloc : memref<!tpu.dma_semaphore, #tpu.memory_space<semaphore_mem>>
      %dma_start3A_67 = arith.constant 0 : i32
      %dma_start3A_68 = arith.constant 0 : i32
      %dma_start3A_69 = tpu.memref_slice %arg3[%add3A_37, %dma_start3A_67, %dma_start3A_68] : memref<32x79x128xi32, #tpu.memory_space<hbm>> -> memref<1x79x128xi32, #tpu.memory_space<hbm>>
      %dma_start3A_70 = tpu.memref_squeeze %dma_start3A_69 : memref<1x79x128xi32, #tpu.memory_space<hbm>> -> memref<79x128xi32, #tpu.memory_space<hbm>>
      %dma_start3A_71 = arith.constant 0 : i32
      %dma_start3A_72 = arith.constant 0 : i32
      %dma_start3A_73 = tpu.memref_slice %arg3[%add3A_37, %dma_start3A_71, %dma_start3A_72] : memref<32x79x128xi32, #tpu.memory_space<hbm>> -> memref<1x79x128xi32, #tpu.memory_space<hbm>>
      %dma_start3A_74 = tpu.memref_squeeze %dma_start3A_73 : memref<1x79x128xi32, #tpu.memory_space<hbm>> -> memref<79x128xi32, #tpu.memory_space<hbm>>
      tpu.enqueue_dma source(%dma_start3A_74 : memref<79x128xi32, #tpu.memory_space<hbm>>) target(%arg6 : memref<79x128xi32, #tpu.memory_space<vmem>>) target_semaphore(%run_scoped3A_66 : memref<!tpu.dma_semaphore, #tpu.memory_space<semaphore_mem>>)
      %dma_wait3A_75 = arith.constant 0 : i32
      %dma_wait3A_76 = arith.constant 0 : i32
      %dma_wait3A_77 = tpu.memref_slice %arg3[%add3A_37, %dma_wait3A_75, %dma_wait3A_76] : memref<32x79x128xi32, #tpu.memory_space<hbm>> -> memref<1x79x128xi32, #tpu.memory_space<hbm>>
      %dma_wait3A_78 = tpu.memref_squeeze %dma_wait3A_77 : memref<1x79x128xi32, #tpu.memory_space<hbm>> -> memref<79x128xi32, #tpu.memory_space<hbm>>
      %dma_wait3A_79 = arith.constant 0 : i32
      %dma_wait3A_80 = arith.constant 0 : i32
      %dma_wait3A_81 = tpu.memref_slice %arg3[%add3A_37, %dma_wait3A_79, %dma_wait3A_80] : memref<32x79x128xi32, #tpu.memory_space<hbm>> -> memref<1x79x128xi32, #tpu.memory_space<hbm>>
      %dma_wait3A_82 = tpu.memref_squeeze %dma_wait3A_81 : memref<1x79x128xi32, #tpu.memory_space<hbm>> -> memref<79x128xi32, #tpu.memory_space<hbm>>
      tpu.wait_dma2 semaphore(%run_scoped3A_66 : memref<!tpu.dma_semaphore, #tpu.memory_space<semaphore_mem>>) src(%dma_wait3A_82 : memref<79x128xi32, #tpu.memory_space<hbm>>) dst(%arg6 : memref<79x128xi32, #tpu.memory_space<vmem>>)
      tpu.yield
    }) : () -> ()
    "tpu.region"() ({
      %run_scoped3A_66 = tpu.sem_alloc : memref<!tpu.dma_semaphore, #tpu.memory_space<semaphore_mem>>
      %dma_start3A_67 = arith.constant 0 : i32
      %dma_start3A_68 = arith.constant 0 : i32
      %dma_start3A_69 = tpu.memref_slice %arg4[%add3A_37, %dma_start3A_67, %dma_start3A_68] : memref<32x79x128xi32, #tpu.memory_space<hbm>> -> memref<1x79x128xi32, #tpu.memory_space<hbm>>
      %dma_start3A_70 = tpu.memref_squeeze %dma_start3A_69 : memref<1x79x128xi32, #tpu.memory_space<hbm>> -> memref<79x128xi32, #tpu.memory_space<hbm>>
      %dma_start3A_71 = arith.constant 0 : i32
      %dma_start3A_72 = arith.constant 0 : i32
      %dma_start3A_73 = tpu.memref_slice %arg4[%add3A_37, %dma_start3A_71, %dma_start3A_72] : memref<32x79x128xi32, #tpu.memory_space<hbm>> -> memref<1x79x128xi32, #tpu.memory_space<hbm>>
      %dma_start3A_74 = tpu.memref_squeeze %dma_start3A_73 : memref<1x79x128xi32, #tpu.memory_space<hbm>> -> memref<79x128xi32, #tpu.memory_space<hbm>>
      tpu.enqueue_dma source(%dma_start3A_74 : memref<79x128xi32, #tpu.memory_space<hbm>>) target(%arg7 : memref<79x128xi32, #tpu.memory_space<vmem>>) target_semaphore(%run_scoped3A_66 : memref<!tpu.dma_semaphore, #tpu.memory_space<semaphore_mem>>)
      %dma_wait3A_75 = arith.constant 0 : i32
      %dma_wait3A_76 = arith.constant 0 : i32
      %dma_wait3A_77 = tpu.memref_slice %arg4[%add3A_37, %dma_wait3A_75, %dma_wait3A_76] : memref<32x79x128xi32, #tpu.memory_space<hbm>> -> memref<1x79x128xi32, #tpu.memory_space<hbm>>
      %dma_wait3A_78 = tpu.memref_squeeze %dma_wait3A_77 : memref<1x79x128xi32, #tpu.memory_space<hbm>> -> memref<79x128xi32, #tpu.memory_space<hbm>>
      %dma_wait3A_79 = arith.constant 0 : i32
      %dma_wait3A_80 = arith.constant 0 : i32
      %dma_wait3A_81 = tpu.memref_slice %arg4[%add3A_37, %dma_wait3A_79, %dma_wait3A_80] : memref<32x79x128xi32, #tpu.memory_space<hbm>> -> memref<1x79x128xi32, #tpu.memory_space<hbm>>
      %dma_wait3A_82 = tpu.memref_squeeze %dma_wait3A_81 : memref<1x79x128xi32, #tpu.memory_space<hbm>> -> memref<79x128xi32, #tpu.memory_space<hbm>>
      tpu.wait_dma2 semaphore(%run_scoped3A_66 : memref<!tpu.dma_semaphore, #tpu.memory_space<semaphore_mem>>) src(%dma_wait3A_82 : memref<79x128xi32, #tpu.memory_space<hbm>>) dst(%arg7 : memref<79x128xi32, #tpu.memory_space<vmem>>)
      tpu.yield
    }) : () -> ()
    %eq3A_38 = arith.constant 1 : i32
    %eq3A_39 = arith.cmpi eq, %arg0, %eq3A_38 : i32
    %convert_element_type3A_40 = arith.extui %eq3A_39 : i1 to i32
    %cond3A_41 = arith.constant 0 : i32
    %cond3A_42 = arith.cmpi ne, %convert_element_type3A_40, %cond3A_41 : i32
    scf.if %cond3A_42 {
      %scan3A_66 = arith.constant 0 : i32
      %scan3A_67 = arith.constant 0 : i32
      %scan3A_68 = arith.constant 79 : i32
      %scan3A_69 = arith.addi %scan3A_67, %scan3A_68 : i32
      %scan3A_70 = arith.constant 1 : i32
      %scan3A_71 = scf.for %scan3A_73 = %scan3A_67 to %scan3A_69 step %scan3A_70 iter_args(%scan3A_74 = %scan3A_66) -> (i32)  : i32 {
        %get3A = arith.index_cast %scan3A_73 : i32 to index
        %get3A_75 = arith.constant 0 : index
        %get3A_76 = tpu.vector_load %arg6[%get3A, %get3A_75] {strides = array<i32>} : memref<79x128xi32, #tpu.memory_space<vmem>>, vector<1x16xi32>,
        %get3A_77 = vector.shape_cast %get3A_76 : vector<1x16xi32> to vector<16xi32>
        %add3A_78 = arith.constant 10240 : i32
        %add3A_79 = vector.broadcast %add3A_78 : i32 to vector<16xi32>
        %add3A_80 = arith.addi %get3A_77, %add3A_79 : vector<16xi32>
        %swap3A = arith.index_cast %scan3A_73 : i32 to index
        %swap3A_81 = arith.constant 0 : index
        %swap3A_82 = tpu.vector_load %arg6[%swap3A, %swap3A_81] {strides = array<i32>} : memref<79x128xi32, #tpu.memory_space<vmem>>, vector<1x16xi32>,
        %swap3A_83 = vector.shape_cast %swap3A_82 : vector<1x16xi32> to vector<16xi32>
        %swap3A_84 = vector.shape_cast %add3A_80 : vector<16xi32> to vector<1x16xi32>
        tpu.vector_store %arg6[%swap3A, %swap3A_81], %swap3A_84 {strides = array<i32>} : memref<79x128xi32, #tpu.memory_space<vmem>>, vector<1x16xi32>,
        %get3A_85 = arith.index_cast %scan3A_73 : i32 to index
        %get3A_86 = arith.constant 16 : index
        %get3A_87 = tpu.vector_load %arg6[%get3A_85, %get3A_86] {strides = array<i32>} : memref<79x128xi32, #tpu.memory_space<vmem>>, vector<1x16xi32>,
        %get3A_88 = vector.shape_cast %get3A_87 : vector<1x16xi32> to vector<16xi32>
        %add3A_89 = arith.constant 10240 : i32
        %add3A_90 = vector.broadcast %add3A_89 : i32 to vector<16xi32>
        %add3A_91 = arith.addi %get3A_88, %add3A_90 : vector<16xi32>
        %swap3A_92 = arith.index_cast %scan3A_73 : i32 to index
        %swap3A_93 = arith.constant 16 : index
        %swap3A_94 = tpu.vector_load %arg6[%swap3A_92, %swap3A_93] {strides = array<i32>} : memref<79x128xi32, #tpu.memory_space<vmem>>, vector<1x16xi32>,
        %swap3A_95 = vector.shape_cast %swap3A_94 : vector<1x16xi32> to vector<16xi32>
        %swap3A_96 = vector.shape_cast %add3A_91 : vector<16xi32> to vector<1x16xi32>
        tpu.vector_store %arg6[%swap3A_92, %swap3A_93], %swap3A_96 {strides = array<i32>} : memref<79x128xi32, #tpu.memory_space<vmem>>, vector<1x16xi32>,
        %get3A_97 = arith.index_cast %scan3A_73 : i32 to index
        %get3A_98 = arith.constant 32 : index
        %get3A_99 = tpu.vector_load %arg6[%get3A_97, %get3A_98] {strides = array<i32>} : memref<79x128xi32, #tpu.memory_space<vmem>>, vector<1x16xi32>,
        %get3A_100 = vector.shape_cast %get3A_99 : vector<1x16xi32> to vector<16xi32>
        %add3A_101 = arith.constant 10240 : i32
        %add3A_102 = vector.broadcast %add3A_101 : i32 to vector<16xi32>
        %add3A_103 = arith.addi %get3A_100, %add3A_102 : vector<16xi32>
        %swap3A_104 = arith.index_cast %scan3A_73 : i32 to index
        %swap3A_105 = arith.constant 32 : index
        %swap3A_106 = tpu.vector_load %arg6[%swap3A_104, %swap3A_105] {strides = array<i32>} : memref<79x128xi32, #tpu.memory_space<vmem>>, vector<1x16xi32>,
        %swap3A_107 = vector.shape_cast %swap3A_106 : vector<1x16xi32> to vector<16xi32>
        %swap3A_108 = vector.shape_cast %add3A_103 : vector<16xi32> to vector<1x16xi32>
        tpu.vector_store %arg6[%swap3A_104, %swap3A_105], %swap3A_108 {strides = array<i32>} : memref<79x128xi32, #tpu.memory_space<vmem>>, vector<1x16xi32>,
        %get3A_109 = arith.index_cast %scan3A_73 : i32 to index
        %get3A_110 = arith.constant 48 : index
        %get3A_111 = tpu.vector_load %arg6[%get3A_109, %get3A_110] {strides = array<i32>} : memref<79x128xi32, #tpu.memory_space<vmem>>, vector<1x16xi32>,
        %get3A_112 = vector.shape_cast %get3A_111 : vector<1x16xi32> to vector<16xi32>
        %add3A_113 = arith.constant 10240 : i32
        %add3A_114 = vector.broadcast %add3A_113 : i32 to vector<16xi32>
        %add3A_115 = arith.addi %get3A_112, %add3A_114 : vector<16xi32>
        %swap3A_116 = arith.index_cast %scan3A_73 : i32 to index
        %swap3A_117 = arith.constant 48 : index
        %swap3A_118 = tpu.vector_load %arg6[%swap3A_116, %swap3A_117] {strides = array<i32>} : memref<79x128xi32, #tpu.memory_space<vmem>>, vector<1x16xi32>,
        %swap3A_119 = vector.shape_cast %swap3A_118 : vector<1x16xi32> to vector<16xi32>
        %swap3A_120 = vector.shape_cast %add3A_115 : vector<16xi32> to vector<1x16xi32>
        tpu.vector_store %arg6[%swap3A_116, %swap3A_117], %swap3A_120 {strides = array<i32>} : memref<79x128xi32, #tpu.memory_space<vmem>>, vector<1x16xi32>,
        %get3A_121 = arith.index_cast %scan3A_73 : i32 to index
        %get3A_122 = arith.constant 64 : index
        %get3A_123 = tpu.vector_load %arg6[%get3A_121, %get3A_122] {strides = array<i32>} : memref<79x128xi32, #tpu.memory_space<vmem>>, vector<1x16xi32>,
        %get3A_124 = vector.shape_cast %get3A_123 : vector<1x16xi32> to vector<16xi32>
        %add3A_125 = arith.constant 10240 : i32
        %add3A_126 = vector.broadcast %add3A_125 : i32 to vector<16xi32>
        %add3A_127 = arith.addi %get3A_124, %add3A_126 : vector<16xi32>
        %swap3A_128 = arith.index_cast %scan3A_73 : i32 to index
        %swap3A_129 = arith.constant 64 : index
        %swap3A_130 = tpu.vector_load %arg6[%swap3A_128, %swap3A_129] {strides = array<i32>} : memref<79x128xi32, #tpu.memory_space<vmem>>, vector<1x16xi32>,
        %swap3A_131 = vector.shape_cast %swap3A_130 : vector<1x16xi32> to vector<16xi32>
        %swap3A_132 = vector.shape_cast %add3A_127 : vector<16xi32> to vector<1x16xi32>
        tpu.vector_store %arg6[%swap3A_128, %swap3A_129], %swap3A_132 {strides = array<i32>} : memref<79x128xi32, #tpu.memory_space<vmem>>, vector<1x16xi32>,
        %get3A_133 = arith.index_cast %scan3A_73 : i32 to index
        %get3A_134 = arith.constant 80 : index
        %get3A_135 = tpu.vector_load %arg6[%get3A_133, %get3A_134] {strides = array<i32>} : memref<79x128xi32, #tpu.memory_space<vmem>>, vector<1x16xi32>,
        %get3A_136 = vector.shape_cast %get3A_135 : vector<1x16xi32> to vector<16xi32>
        %add3A_137 = arith.constant 10240 : i32
        %add3A_138 = vector.broadcast %add3A_137 : i32 to vector<16xi32>
        %add3A_139 = arith.addi %get3A_136, %add3A_138 : vector<16xi32>
        %swap3A_140 = arith.index_cast %scan3A_73 : i32 to index
        %swap3A_141 = arith.constant 80 : index
        %swap3A_142 = tpu.vector_load %arg6[%swap3A_140, %swap3A_141] {strides = array<i32>} : memref<79x128xi32, #tpu.memory_space<vmem>>, vector<1x16xi32>,
        %swap3A_143 = vector.shape_cast %swap3A_142 : vector<1x16xi32> to vector<16xi32>
        %swap3A_144 = vector.shape_cast %add3A_139 : vector<16xi32> to vector<1x16xi32>
        tpu.vector_store %arg6[%swap3A_140, %swap3A_141], %swap3A_144 {strides = array<i32>} : memref<79x128xi32, #tpu.memory_space<vmem>>, vector<1x16xi32>,
        %get3A_145 = arith.index_cast %scan3A_73 : i32 to index
        %get3A_146 = arith.constant 96 : index
        %get3A_147 = tpu.vector_load %arg6[%get3A_145, %get3A_146] {strides = array<i32>} : memref<79x128xi32, #tpu.memory_space<vmem>>, vector<1x16xi32>,
        %get3A_148 = vector.shape_cast %get3A_147 : vector<1x16xi32> to vector<16xi32>
        %add3A_149 = arith.constant 10240 : i32
        %add3A_150 = vector.broadcast %add3A_149 : i32 to vector<16xi32>
        %add3A_151 = arith.addi %get3A_148, %add3A_150 : vector<16xi32>
        %swap3A_152 = arith.index_cast %scan3A_73 : i32 to index
        %swap3A_153 = arith.constant 96 : index
        %swap3A_154 = tpu.vector_load %arg6[%swap3A_152, %swap3A_153] {strides = array<i32>} : memref<79x128xi32, #tpu.memory_space<vmem>>, vector<1x16xi32>,
        %swap3A_155 = vector.shape_cast %swap3A_154 : vector<1x16xi32> to vector<16xi32>
        %swap3A_156 = vector.shape_cast %add3A_151 : vector<16xi32> to vector<1x16xi32>
        tpu.vector_store %arg6[%swap3A_152, %swap3A_153], %swap3A_156 {strides = array<i32>} : memref<79x128xi32, #tpu.memory_space<vmem>>, vector<1x16xi32>,
        %get3A_157 = arith.index_cast %scan3A_73 : i32 to index
        %get3A_158 = arith.constant 112 : index
        %get3A_159 = tpu.vector_load %arg6[%get3A_157, %get3A_158] {strides = array<i32>} : memref<79x128xi32, #tpu.memory_space<vmem>>, vector<1x16xi32>,
        %get3A_160 = vector.shape_cast %get3A_159 : vector<1x16xi32> to vector<16xi32>
        %add3A_161 = arith.constant 10240 : i32
        %add3A_162 = vector.broadcast %add3A_161 : i32 to vector<16xi32>
        %add3A_163 = arith.addi %get3A_160, %add3A_162 : vector<16xi32>
        %swap3A_164 = arith.index_cast %scan3A_73 : i32 to index
        %swap3A_165 = arith.constant 112 : index
        %swap3A_166 = tpu.vector_load %arg6[%swap3A_164, %swap3A_165] {strides = array<i32>} : memref<79x128xi32, #tpu.memory_space<vmem>>, vector<1x16xi32>,
        %swap3A_167 = vector.shape_cast %swap3A_166 : vector<1x16xi32> to vector<16xi32>
        %swap3A_168 = vector.shape_cast %add3A_163 : vector<16xi32> to vector<1x16xi32>
        tpu.vector_store %arg6[%swap3A_164, %swap3A_165], %swap3A_168 {strides = array<i32>} : memref<79x128xi32, #tpu.memory_space<vmem>>, vector<1x16xi32>,
        %scan3A_169 = arith.constant 0 : i32
        scf.yield %scan3A_169 : i32
      }
      %scan3A_72 = arith.constant 79 : i32
    } else {
    }
    %barrier3A_43 = arith.constant 0 : index
    tpu.barrier barrier_id(%barrier3A_43)
    %dma_start3A_44 = arith.constant 0 : i32
    %dma_start3A_45 = arith.constant 0 : i32
    %dma_start3A_46 = tpu.memref_slice %arg6[%dma_start3A_44, %dma_start3A_45] : memref<79x128xi32, #tpu.memory_space<vmem>> -> memref<1x128xi32, #tpu.memory_space<vmem>>
    %dma_start3A_47 = tpu.memref_squeeze %dma_start3A_46 : memref<1x128xi32, #tpu.memory_space<vmem>> -> memref<128xi32, #tpu.memory_space<vmem>>
    %dma_start3A_48 = arith.constant 0 : i32
    %dma_start3A_49 = arith.constant 0 : i32
    %dma_start3A_50 = tpu.memref_slice %arg2[%dma_start3A_48, %dma_start3A_49] : memref<20480x64xf32, #tpu.memory_space<hbm>> -> memref<20480x64xf32, #tpu.memory_space<hbm>>
    tpu.enqueue_indirect_dma source(%dma_start3A_50 : memref<20480x64xf32, #tpu.memory_space<hbm>>) target(%arg8 : memref<128x64xf32, #tpu.memory_space<vmem>>) offsets(%dma_start3A_47 : memref<128xi32, #tpu.memory_space<vmem>>) semaphore(%arg11 : memref<!tpu.dma_semaphore, #tpu.memory_space<semaphore_mem>>)
    %scan3A_51 = arith.constant 0 : i32
    %scan3A_52 = arith.constant 0 : i32
    %scan3A_53 = arith.constant 39 : i32
    %scan3A_54 = arith.addi %scan3A_52, %scan3A_53 : i32
    %scan3A_55 = arith.constant 1 : i32
    %scan3A_56 = scf.for %scan3A_66 = %scan3A_52 to %scan3A_54 step %scan3A_55 iter_args(%scan3A_67 = %scan3A_51) -> (i32)  : i32 {
      %mul3A_68 = arith.constant 2 : i32
      %mul3A_69 = arith.muli %mul3A_68, %scan3A_66 : i32
      %dma_wait3A_70 = arith.constant 0 : i32
      %dma_wait3A_71 = arith.constant 0 : i32
      %dma_wait3A_72 = tpu.memref_slice %arg2[%dma_wait3A_70, %dma_wait3A_71] : memref<20480x64xf32, #tpu.memory_space<hbm>> -> memref<128x64xf32, #tpu.memory_space<hbm>>
      %dma_wait3A_73 = arith.constant 0 : i32
      %dma_wait3A_74 = arith.constant 0 : i32
      %dma_wait3A_75 = tpu.memref_slice %arg2[%dma_wait3A_73, %dma_wait3A_74] : memref<20480x64xf32, #tpu.memory_space<hbm>> -> memref<128x64xf32, #tpu.memory_space<hbm>>
      tpu.wait_dma2 semaphore(%arg11 : memref<!tpu.dma_semaphore, #tpu.memory_space<semaphore_mem>>) src(%dma_wait3A_75 : memref<128x64xf32, #tpu.memory_space<hbm>>) dst(%arg8 : memref<128x64xf32, #tpu.memory_space<vmem>>)
      %add3A_76 = arith.constant 1 : i32
      %add3A_77 = arith.addi %mul3A_69, %add3A_76 : i32
      %dma_start3A_78 = arith.constant 0 : i32
      %dma_start3A_79 = tpu.memref_slice %arg6[%add3A_77, %dma_start3A_78] : memref<79x128xi32, #tpu.memory_space<vmem>> -> memref<1x128xi32, #tpu.memory_space<vmem>>
      %dma_start3A_80 = tpu.memref_squeeze %dma_start3A_79 : memref<1x128xi32, #tpu.memory_space<vmem>> -> memref<128xi32, #tpu.memory_space<vmem>>
      %dma_start3A_81 = arith.constant 0 : i32
      %dma_start3A_82 = arith.constant 0 : i32
      %dma_start3A_83 = tpu.memref_slice %arg2[%dma_start3A_81, %dma_start3A_82] : memref<20480x64xf32, #tpu.memory_space<hbm>> -> memref<20480x64xf32, #tpu.memory_space<hbm>>
      tpu.enqueue_indirect_dma source(%dma_start3A_83 : memref<20480x64xf32, #tpu.memory_space<hbm>>) target(%arg9 : memref<128x64xf32, #tpu.memory_space<vmem>>) offsets(%dma_start3A_80 : memref<128xi32, #tpu.memory_space<vmem>>) semaphore(%arg12 : memref<!tpu.dma_semaphore, #tpu.memory_space<semaphore_mem>>)
      "tpu.region"() ({
        %run_scoped3A_101 = tpu.sem_alloc : memref<!tpu.dma_semaphore, #tpu.memory_space<semaphore_mem>>
        %dma_start3A_102 = arith.constant 0 : i32
        %dma_start3A_103 = tpu.memref_slice %arg7[%mul3A_69, %dma_start3A_102] : memref<79x128xi32, #tpu.memory_space<vmem>> -> memref<1x128xi32, #tpu.memory_space<vmem>>
        %dma_start3A_104 = tpu.memref_squeeze %dma_start3A_103 : memref<1x128xi32, #tpu.memory_space<vmem>> -> memref<128xi32, #tpu.memory_space<vmem>>
        %dma_start3A_105 = arith.constant 0 : i32
        %dma_start3A_106 = arith.constant 0 : i32
        %dma_start3A_107 = tpu.memref_slice %arg10[%dma_start3A_105, %dma_start3A_106] : memref<10240x64xf32, #tpu.memory_space<vmem_shared>> -> memref<10240x64xf32, #tpu.memory_space<vmem_shared>>
        tpu.enqueue_indirect_dma source(%arg8 : memref<128x64xf32, #tpu.memory_space<vmem>>) target(%dma_start3A_107 : memref<10240x64xf32, #tpu.memory_space<vmem_shared>>) offsets(%dma_start3A_104 : memref<128xi32, #tpu.memory_space<vmem>>) semaphore(%run_scoped3A_101 : memref<!tpu.dma_semaphore, #tpu.memory_space<semaphore_mem>>) {add = true}
        %dma_wait3A_108 = arith.constant 0 : i32
        %dma_wait3A_109 = tpu.memref_slice %arg7[%mul3A_69, %dma_wait3A_108] : memref<79x128xi32, #tpu.memory_space<vmem>> -> memref<1x128xi32, #tpu.memory_space<vmem>>
        %dma_wait3A_110 = tpu.memref_squeeze %dma_wait3A_109 : memref<1x128xi32, #tpu.memory_space<vmem>> -> memref<128xi32, #tpu.memory_space<vmem>>
        %dma_wait3A_111 = arith.constant 0 : i32
        %dma_wait3A_112 = arith.constant 0 : i32
        %dma_wait3A_113 = tpu.memref_slice %arg10[%dma_wait3A_111, %dma_wait3A_112] : memref<10240x64xf32, #tpu.memory_space<vmem_shared>> -> memref<10240x64xf32, #tpu.memory_space<vmem_shared>>
        tpu.wait_indirect_dma semaphore(%run_scoped3A_101 : memref<!tpu.dma_semaphore, #tpu.memory_space<semaphore_mem>>) src(%arg8 : memref<128x64xf32, #tpu.memory_space<vmem>>) dst(%dma_wait3A_113 : memref<10240x64xf32, #tpu.memory_space<vmem_shared>>)
        tpu.yield
      }) : () -> ()
      %dma_wait3A_84 = arith.constant 0 : i32
      %dma_wait3A_85 = arith.constant 0 : i32
      %dma_wait3A_86 = tpu.memref_slice %arg2[%dma_wait3A_84, %dma_wait3A_85] : memref<20480x64xf32, #tpu.memory_space<hbm>> -> memref<128x64xf32, #tpu.memory_space<hbm>>
      %dma_wait3A_87 = arith.constant 0 : i32
      %dma_wait3A_88 = arith.constant 0 : i32
      %dma_wait3A_89 = tpu.memref_slice %arg2[%dma_wait3A_87, %dma_wait3A_88] : memref<20480x64xf32, #tpu.memory_space<hbm>> -> memref<128x64xf32, #tpu.memory_space<hbm>>
      tpu.wait_dma2 semaphore(%arg12 : memref<!tpu.dma_semaphore, #tpu.memory_space<semaphore_mem>>) src(%dma_wait3A_89 : memref<128x64xf32, #tpu.memory_space<hbm>>) dst(%arg9 : memref<128x64xf32, #tpu.memory_space<vmem>>)
      %add3A_90 = arith.constant 2 : i32
      %add3A_91 = arith.addi %mul3A_69, %add3A_90 : i32
      %dma_start3A_92 = arith.constant 0 : i32
      %dma_start3A_93 = tpu.memref_slice %arg6[%add3A_91, %dma_start3A_92] : memref<79x128xi32, #tpu.memory_space<vmem>> -> memref<1x128xi32, #tpu.memory_space<vmem>>
      %dma_start3A_94 = tpu.memref_squeeze %dma_start3A_93 : memref<1x128xi32, #tpu.memory_space<vmem>> -> memref<128xi32, #tpu.memory_space<vmem>>
      %dma_start3A_95 = arith.constant 0 : i32
      %dma_start3A_96 = arith.constant 0 : i32
      %dma_start3A_97 = tpu.memref_slice %arg2[%dma_start3A_95, %dma_start3A_96] : memref<20480x64xf32, #tpu.memory_space<hbm>> -> memref<20480x64xf32, #tpu.memory_space<hbm>>
      tpu.enqueue_indirect_dma source(%dma_start3A_97 : memref<20480x64xf32, #tpu.memory_space<hbm>>) target(%arg8 : memref<128x64xf32, #tpu.memory_space<vmem>>) offsets(%dma_start3A_94 : memref<128xi32, #tpu.memory_space<vmem>>) semaphore(%arg11 : memref<!tpu.dma_semaphore, #tpu.memory_space<semaphore_mem>>)
      %add3A_98 = arith.constant 1 : i32
      %add3A_99 = arith.addi %mul3A_69, %add3A_98 : i32
      "tpu.region"() ({
        %run_scoped3A_101 = tpu.sem_alloc : memref<!tpu.dma_semaphore, #tpu.memory_space<semaphore_mem>>
        %dma_start3A_102 = arith.constant 0 : i32
        %dma_start3A_103 = tpu.memref_slice %arg7[%add3A_99, %dma_start3A_102] : memref<79x128xi32, #tpu.memory_space<vmem>> -> memref<1x128xi32, #tpu.memory_space<vmem>>
        %dma_start3A_104 = tpu.memref_squeeze %dma_start3A_103 : memref<1x128xi32, #tpu.memory_space<vmem>> -> memref<128xi32, #tpu.memory_space<vmem>>
        %dma_start3A_105 = arith.constant 0 : i32
        %dma_start3A_106 = arith.constant 0 : i32
        %dma_start3A_107 = tpu.memref_slice %arg10[%dma_start3A_105, %dma_start3A_106] : memref<10240x64xf32, #tpu.memory_space<vmem_shared>> -> memref<10240x64xf32, #tpu.memory_space<vmem_shared>>
        tpu.enqueue_indirect_dma source(%arg9 : memref<128x64xf32, #tpu.memory_space<vmem>>) target(%dma_start3A_107 : memref<10240x64xf32, #tpu.memory_space<vmem_shared>>) offsets(%dma_start3A_104 : memref<128xi32, #tpu.memory_space<vmem>>) semaphore(%run_scoped3A_101 : memref<!tpu.dma_semaphore, #tpu.memory_space<semaphore_mem>>) {add = true}
        %dma_wait3A_108 = arith.constant 0 : i32
        %dma_wait3A_109 = tpu.memref_slice %arg7[%add3A_99, %dma_wait3A_108] : memref<79x128xi32, #tpu.memory_space<vmem>> -> memref<1x128xi32, #tpu.memory_space<vmem>>
        %dma_wait3A_110 = tpu.memref_squeeze %dma_wait3A_109 : memref<1x128xi32, #tpu.memory_space<vmem>> -> memref<128xi32, #tpu.memory_space<vmem>>
        %dma_wait3A_111 = arith.constant 0 : i32
        %dma_wait3A_112 = arith.constant 0 : i32
        %dma_wait3A_113 = tpu.memref_slice %arg10[%dma_wait3A_111, %dma_wait3A_112] : memref<10240x64xf32, #tpu.memory_space<vmem_shared>> -> memref<10240x64xf32, #tpu.memory_space<vmem_shared>>
        tpu.wait_indirect_dma semaphore(%run_scoped3A_101 : memref<!tpu.dma_semaphore, #tpu.memory_space<semaphore_mem>>) src(%arg9 : memref<128x64xf32, #tpu.memory_space<vmem>>) dst(%dma_wait3A_113 : memref<10240x64xf32, #tpu.memory_space<vmem_shared>>)
        tpu.yield
      }) : () -> ()
      %scan3A_100 = arith.constant 0 : i32
      scf.yield %scan3A_100 : i32
    }
    %scan3A_57 = arith.constant 39 : i32
    %dma_wait3A_58 = arith.constant 0 : i32
    %dma_wait3A_59 = arith.constant 0 : i32
    %dma_wait3A_60 = tpu.memref_slice %arg2[%dma_wait3A_58, %dma_wait3A_59] : memref<20480x64xf32, #tpu.memory_space<hbm>> -> memref<128x64xf32, #tpu.memory_space<hbm>>
    %dma_wait3A_61 = arith.constant 0 : i32
    %dma_wait3A_62 = arith.constant 0 : i32
    %dma_wait3A_63 = tpu.memref_slice %arg2[%dma_wait3A_61, %dma_wait3A_62] : memref<20480x64xf32, #tpu.memory_space<hbm>> -> memref<128x64xf32, #tpu.memory_space<hbm>>
    tpu.wait_dma2 semaphore(%arg11 : memref<!tpu.dma_semaphore, #tpu.memory_space<semaphore_mem>>) src(%dma_wait3A_63 : memref<128x64xf32, #tpu.memory_space<hbm>>) dst(%arg8 : memref<128x64xf32, #tpu.memory_space<vmem>>)
    %run_scoped3A_64 = arith.constant 78 : i32
    "tpu.region"() ({
      %run_scoped3A_66 = tpu.sem_alloc : memref<!tpu.dma_semaphore, #tpu.memory_space<semaphore_mem>>
      %dma_start3A_67 = arith.constant 0 : i32
      %dma_start3A_68 = tpu.memref_slice %arg7[%run_scoped3A_64, %dma_start3A_67] : memref<79x128xi32, #tpu.memory_space<vmem>> -> memref<1x128xi32, #tpu.memory_space<vmem>>
      %dma_start3A_69 = tpu.memref_squeeze %dma_start3A_68 : memref<1x128xi32, #tpu.memory_space<vmem>> -> memref<128xi32, #tpu.memory_space<vmem>>
      %dma_start3A_70 = arith.constant 0 : i32
      %dma_start3A_71 = arith.constant 0 : i32
      %dma_start3A_72 = tpu.memref_slice %arg10[%dma_start3A_70, %dma_start3A_71] : memref<10240x64xf32, #tpu.memory_space<vmem_shared>> -> memref<10240x64xf32, #tpu.memory_space<vmem_shared>>
      tpu.enqueue_indirect_dma source(%arg8 : memref<128x64xf32, #tpu.memory_space<vmem>>) target(%dma_start3A_72 : memref<10240x64xf32, #tpu.memory_space<vmem_shared>>) offsets(%dma_start3A_69 : memref<128xi32, #tpu.memory_space<vmem>>) semaphore(%run_scoped3A_66 : memref<!tpu.dma_semaphore, #tpu.memory_space<semaphore_mem>>) {add = true}
      %dma_wait3A_73 = arith.constant 0 : i32
      %dma_wait3A_74 = tpu.memref_slice %arg7[%run_scoped3A_64, %dma_wait3A_73] : memref<79x128xi32, #tpu.memory_space<vmem>> -> memref<1x128xi32, #tpu.memory_space<vmem>>
      %dma_wait3A_75 = tpu.memref_squeeze %dma_wait3A_74 : memref<1x128xi32, #tpu.memory_space<vmem>> -> memref<128xi32, #tpu.memory_space<vmem>>
      %dma_wait3A_76 = arith.constant 0 : i32
      %dma_wait3A_77 = arith.constant 0 : i32
      %dma_wait3A_78 = tpu.memref_slice %arg10[%dma_wait3A_76, %dma_wait3A_77] : memref<10240x64xf32, #tpu.memory_space<vmem_shared>> -> memref<10240x64xf32, #tpu.memory_space<vmem_shared>>
      tpu.wait_indirect_dma semaphore(%run_scoped3A_66 : memref<!tpu.dma_semaphore, #tpu.memory_space<semaphore_mem>>) src(%arg8 : memref<128x64xf32, #tpu.memory_space<vmem>>) dst(%dma_wait3A_78 : memref<10240x64xf32, #tpu.memory_space<vmem_shared>>)
      tpu.yield
    }) : () -> ()
    %barrier3A_65 = arith.constant 0 : index
    tpu.barrier barrier_id(%barrier3A_65)
    "tpu.region"() ({
      %run_scoped3A_66 = tpu.sem_alloc : memref<!tpu.dma_semaphore, #tpu.memory_space<semaphore_mem>>
      %dma_start3A_67 = arith.constant 0 : i32
      %dma_start3A_68 = tpu.memref_slice %arg5[%arg0, %mul3A_6, %dma_start3A_67] : memref<2x10240x64xf32, #tpu.memory_space<hbm>> -> memref<1x640x64xf32, #tpu.memory_space<hbm>>
      %dma_start3A_69 = tpu.memref_squeeze %dma_start3A_68 : memref<1x640x64xf32, #tpu.memory_space<hbm>> -> memref<640x64xf32, #tpu.memory_space<hbm>>
      %dma_start3A_70 = arith.constant 0 : i32
      %dma_start3A_71 = tpu.memref_slice %arg10[%mul3A_6, %dma_start3A_70] : memref<10240x64xf32, #tpu.memory_space<vmem_shared>> -> memref<640x64xf32, #tpu.memory_space<vmem_shared>>
      tpu.enqueue_dma source(%dma_start3A_71 : memref<640x64xf32, #tpu.memory_space<vmem_shared>>) target(%dma_start3A_69 : memref<640x64xf32, #tpu.memory_space<hbm>>) target_semaphore(%run_scoped3A_66 : memref<!tpu.dma_semaphore, #tpu.memory_space<semaphore_mem>>)
      %dma_wait3A_72 = arith.constant 0 : i32
      %dma_wait3A_73 = tpu.memref_slice %arg5[%arg0, %mul3A_6, %dma_wait3A_72] : memref<2x10240x64xf32, #tpu.memory_space<hbm>> -> memref<1x640x64xf32, #tpu.memory_space<hbm>>
      %dma_wait3A_74 = tpu.memref_squeeze %dma_wait3A_73 : memref<1x640x64xf32, #tpu.memory_space<hbm>> -> memref<640x64xf32, #tpu.memory_space<hbm>>
      %dma_wait3A_75 = arith.constant 0 : i32
      %dma_wait3A_76 = tpu.memref_slice %arg10[%mul3A_6, %dma_wait3A_75] : memref<10240x64xf32, #tpu.memory_space<vmem_shared>> -> memref<640x64xf32, #tpu.memory_space<vmem_shared>>
      tpu.wait_dma2 semaphore(%run_scoped3A_66 : memref<!tpu.dma_semaphore, #tpu.memory_space<semaphore_mem>>) src(%dma_wait3A_76 : memref<640x64xf32, #tpu.memory_space<vmem_shared>>) dst(%dma_wait3A_74 : memref<640x64xf32, #tpu.memory_space<hbm>>)
      tpu.yield
    }) : () -> ()
    return
  }
}

module attributes {stable_mosaic.version = 14 : i64} {
  func.func @_scale_kernel(%arg0: i32, %arg1: memref<2048x128xf32, #tpu.memory_space<vmem>>, %arg2: memref<2x2x2048xf32, #tpu.memory_space<vmem>>, %arg3: memref<2x2048x64xf32, #tpu.memory_space<vmem>>) attributes {dimension_semantics = [#tpu.dimension_semantics<arbitrary>], iteration_bounds = array<i64: 5>, scalar_prefetch = 0 : i64, scratch_operands = 0 : i64, tpu.core_type = #tpu.core_type<tc>, window_params = [{transform_indices = @transform_0, window_bounds = array<i64: 2048, 128>}, {transform_indices = @transform_1, window_bounds = array<i64: 2, 2, 2048>}, {transform_indices = @transform_2, window_bounds = array<i64: 2, 2048, 64>}]} {
    %get3A = arith.constant 0 : index
    %get3A_0 = arith.constant 0 : index
    %get3A_1 = arith.constant 0 : index
    %get3A_2 = vector.load %arg2[%get3A, %get3A_0, %get3A_1] : memref<2x2x2048xf32, #tpu.memory_space<vmem>>, vector<1x1x2048xf32>
    %get3A_3 = vector.shape_cast %get3A_2 : vector<1x1x2048xf32> to vector<2048xf32>
    %get3A_4 = arith.constant 1 : index
    %get3A_5 = arith.constant 0 : index
    %get3A_6 = arith.constant 0 : index
    %get3A_7 = vector.load %arg2[%get3A_4, %get3A_5, %get3A_6] : memref<2x2x2048xf32, #tpu.memory_space<vmem>>, vector<1x1x2048xf32>
    %get3A_8 = vector.shape_cast %get3A_7 : vector<1x1x2048xf32> to vector<2048xf32>
    %add3A = arith.addf %get3A_3, %get3A_8 : vector<2048xf32>
    %max3A = arith.constant 1.000000e+00 : f32
    %max3A_9 = vector.broadcast %max3A : f32 to vector<2048xf32>
    %max3A_10 = arith.maximumf %add3A, %max3A_9 : vector<2048xf32>
    %rsqrt3A = math.rsqrt %max3A_10 : vector<2048xf32>
    %get3A_11 = arith.constant 0 : index
    %get3A_12 = arith.constant 0 : index
    %get3A_13 = vector.load %arg1[%get3A_11, %get3A_12] : memref<2048x128xf32, #tpu.memory_space<vmem>>, vector<2048x128xf32>
    %broadcast_in_dim3A = vector.shape_cast %rsqrt3A : vector<2048xf32> to vector<2048x1xf32>
    %mul3A = vector.broadcast %broadcast_in_dim3A : vector<2048x1xf32> to vector<2048x128xf32>
    %mul3A_14 = arith.mulf %get3A_13, %mul3A : vector<2048x128xf32>
    %slice3A = vector.extract_strided_slice %mul3A_14 {offsets = [0, 0], sizes = [2048, 64], strides = [1, 1]} : vector<2048x128xf32> to vector<2048x64xf32>
    %swap3A = arith.constant 0 : index
    %swap3A_15 = arith.constant 0 : index
    %swap3A_16 = arith.constant 0 : index
    %swap3A_17 = vector.load %arg3[%swap3A, %swap3A_15, %swap3A_16] : memref<2x2048x64xf32, #tpu.memory_space<vmem>>, vector<1x2048x64xf32>
    %swap3A_18 = vector.shape_cast %swap3A_17 : vector<1x2048x64xf32> to vector<2048x64xf32>
    %swap3A_19 = vector.shape_cast %slice3A : vector<2048x64xf32> to vector<1x2048x64xf32>
    tpu.vector_store %arg3[%swap3A, %swap3A_15, %swap3A_16], %swap3A_19 {strides = array<i32>} : memref<2x2048x64xf32, #tpu.memory_space<vmem>>, vector<1x2048x64xf32>,
    %slice3A_20 = vector.extract_strided_slice %mul3A_14 {offsets = [0, 64], sizes = [2048, 64], strides = [1, 1]} : vector<2048x128xf32> to vector<2048x64xf32>
    %swap3A_21 = arith.constant 1 : index
    %swap3A_22 = arith.constant 0 : index
    %swap3A_23 = arith.constant 0 : index
    %swap3A_24 = vector.load %arg3[%swap3A_21, %swap3A_22, %swap3A_23] : memref<2x2048x64xf32, #tpu.memory_space<vmem>>, vector<1x2048x64xf32>
    %swap3A_25 = vector.shape_cast %swap3A_24 : vector<1x2048x64xf32> to vector<2048x64xf32>
    %swap3A_26 = vector.shape_cast %slice3A_20 : vector<2048x64xf32> to vector<1x2048x64xf32>
    tpu.vector_store %arg3[%swap3A_21, %swap3A_22, %swap3A_23], %swap3A_26 {strides = array<i32>} : memref<2x2048x64xf32, #tpu.memory_space<vmem>>, vector<1x2048x64xf32>,
    return
  }
  func.func @transform_0(%arg0: i32) -> (i32, i32) {
    %c0_i32 = arith.constant 0 : i32
    %c0_i32_0 = arith.constant 0 : i32
    return %arg0, %c0_i32 : i32, i32
  }
  func.func @transform_1(%arg0: i32) -> (i32, i32, i32) {
    %c0_i32 = arith.constant 0 : i32
    %c0_i32_0 = arith.constant 0 : i32
    %c0_i32_1 = arith.constant 0 : i32
    return %c0_i32, %c0_i32_0, %arg0 : i32, i32, i32
  }
  func.func @transform_2(%arg0: i32) -> (i32, i32, i32) {
    %c0_i32 = arith.constant 0 : i32
    %c0_i32_0 = arith.constant 0 : i32
    %c0_i32_1 = arith.constant 0 : i32
    return %c0_i32, %arg0, %c0_i32_0 : i32, i32, i32
  }
}

module attributes {stable_mosaic.version = 14 : i64} {
  func.func @_mid_kernel(%arg0: i32, %arg1: memref<2x2048x64xf32, #tpu.memory_space<vmem>>, %arg2: memref<2x2x2048xf32, #tpu.memory_space<vmem>>, %arg3: memref<128x128xf32, #tpu.memory_space<vmem>>, %arg4: memref<1x128xf32, #tpu.memory_space<vmem>>, %arg5: memref<128x64xf32, #tpu.memory_space<vmem>>, %arg6: memref<2048x64xf32, #tpu.memory_space<vmem>>) attributes {dimension_semantics = [#tpu.dimension_semantics<arbitrary>], iteration_bounds = array<i64: 5>, scalar_prefetch = 0 : i64, scratch_operands = 0 : i64, tpu.core_type = #tpu.core_type<tc>, window_params = [{transform_indices = @transform_0, window_bounds = array<i64: 2, 2048, 64>}, {transform_indices = @transform_1, window_bounds = array<i64: 2, 2, 2048>}, {pipeline_mode = #tpu.pipeline_mode<synchronous>, transform_indices = @transform_2, window_bounds = array<i64: 128, 128>}, {pipeline_mode = #tpu.pipeline_mode<synchronous>, transform_indices = @transform_3, window_bounds = array<i64: 1, 128>}, {pipeline_mode = #tpu.pipeline_mode<synchronous>, transform_indices = @transform_4, window_bounds = array<i64: 128, 64>}, {transform_indices = @transform_5, window_bounds = array<i64: 2048, 64>}]} {
    %get3A = arith.constant 0 : index
    %get3A_0 = arith.constant 0 : index
    %get3A_1 = arith.constant 0 : index
    %get3A_2 = vector.load %arg2[%get3A, %get3A_0, %get3A_1] : memref<2x2x2048xf32, #tpu.memory_space<vmem>>, vector<1x1x2048xf32>
    %get3A_3 = vector.shape_cast %get3A_2 : vector<1x1x2048xf32> to vector<2048xf32>
    %get3A_4 = arith.constant 1 : index
    %get3A_5 = arith.constant 0 : index
    %get3A_6 = arith.constant 0 : index
    %get3A_7 = vector.load %arg2[%get3A_4, %get3A_5, %get3A_6] : memref<2x2x2048xf32, #tpu.memory_space<vmem>>, vector<1x1x2048xf32>
    %get3A_8 = vector.shape_cast %get3A_7 : vector<1x1x2048xf32> to vector<2048xf32>
    %add3A = arith.addf %get3A_3, %get3A_8 : vector<2048xf32>
    %get3A_9 = arith.constant 0 : index
    %get3A_10 = arith.constant 1 : index
    %get3A_11 = arith.constant 0 : index
    %get3A_12 = vector.load %arg2[%get3A_9, %get3A_10, %get3A_11] : memref<2x2x2048xf32, #tpu.memory_space<vmem>>, vector<1x1x2048xf32>
    %get3A_13 = vector.shape_cast %get3A_12 : vector<1x1x2048xf32> to vector<2048xf32>
    %get3A_14 = arith.constant 1 : index
    %get3A_15 = arith.constant 1 : index
    %get3A_16 = arith.constant 0 : index
    %get3A_17 = vector.load %arg2[%get3A_14, %get3A_15, %get3A_16] : memref<2x2x2048xf32, #tpu.memory_space<vmem>>, vector<1x1x2048xf32>
    %get3A_18 = vector.shape_cast %get3A_17 : vector<1x1x2048xf32> to vector<2048xf32>
    %add3A_19 = arith.addf %get3A_13, %get3A_18 : vector<2048xf32>
    %max3A = arith.constant 1.000000e+00 : f32
    %max3A_20 = vector.broadcast %max3A : f32 to vector<2048xf32>
    %max3A_21 = arith.maximumf %add3A, %max3A_20 : vector<2048xf32>
    %rsqrt3A = math.rsqrt %max3A_21 : vector<2048xf32>
    %max3A_22 = arith.constant 1.000000e+00 : f32
    %max3A_23 = vector.broadcast %max3A_22 : f32 to vector<2048xf32>
    %max3A_24 = arith.maximumf %add3A_19, %max3A_23 : vector<2048xf32>
    %rsqrt3A_25 = math.rsqrt %max3A_24 : vector<2048xf32>
    %get3A_26 = arith.constant 0 : index
    %get3A_27 = arith.constant 0 : index
    %get3A_28 = arith.constant 0 : index
    %get3A_29 = vector.load %arg1[%get3A_26, %get3A_27, %get3A_28] : memref<2x2048x64xf32, #tpu.memory_space<vmem>>, vector<1x2048x64xf32>
    %get3A_30 = vector.shape_cast %get3A_29 : vector<1x2048x64xf32> to vector<2048x64xf32>
    %get3A_31 = arith.constant 1 : index
    %get3A_32 = arith.constant 0 : index
    %get3A_33 = arith.constant 0 : index
    %get3A_34 = vector.load %arg1[%get3A_31, %get3A_32, %get3A_33] : memref<2x2048x64xf32, #tpu.memory_space<vmem>>, vector<1x2048x64xf32>
    %get3A_35 = vector.shape_cast %get3A_34 : vector<1x2048x64xf32> to vector<2048x64xf32>
    %concatenate3A = tpu.concatenate %get3A_30, %get3A_35 in 1 : vector<2048x64xf32>, vector<2048x64xf32> -> vector<2048x128xf32>
    %broadcast_in_dim3A = vector.shape_cast %rsqrt3A_25 : vector<2048xf32> to vector<2048x1xf32>
    %mul3A = vector.broadcast %broadcast_in_dim3A : vector<2048x1xf32> to vector<2048x128xf32>
    %mul3A_36 = arith.mulf %concatenate3A, %mul3A : vector<2048x128xf32>
    %get3A_37 = arith.constant 0 : index
    %get3A_38 = arith.constant 0 : index
    %get3A_39 = vector.load %arg3[%get3A_37, %get3A_38] : memref<128x128xf32, #tpu.memory_space<vmem>>, vector<128x128xf32>
    %dot_general3A = arith.constant dense<0.000000e+00> : vector<2048x128xf32>
    %dot_general3A_40 = tpu.matmul %mul3A_36, %get3A_39, %dot_general3A {dimension_numbers = #tpu.dot_dimension_numbers<[1], [0], [0], [1], [0, 0, 1, 1], [], []>, transpose_lhs_hint = false} : vector<2048x128xf32>, vector<128x128xf32>, vector<2048x128xf32> -> vector<2048x128xf32>
    %get3A_41 = arith.constant 0 : index
    %get3A_42 = arith.constant 0 : index
    %get3A_43 = vector.load %arg4[%get3A_41, %get3A_42] : memref<1x128xf32, #tpu.memory_space<vmem>>, vector<1x128xf32>
    %add3A_44 = vector.broadcast %get3A_43 : vector<1x128xf32> to vector<2048x128xf32>
    %add3A_45 = arith.addf %dot_general3A_40, %add3A_44 : vector<2048x128xf32>
    %max3A_46 = arith.constant 0.000000e+00 : f32
    %max3A_47 = vector.broadcast %max3A_46 : f32 to vector<2048x128xf32>
    %max3A_48 = arith.maximumf %add3A_45, %max3A_47 : vector<2048x128xf32>
    %get3A_49 = arith.constant 0 : index
    %get3A_50 = arith.constant 0 : index
    %get3A_51 = vector.load %arg5[%get3A_49, %get3A_50] : memref<128x64xf32, #tpu.memory_space<vmem>>, vector<128x64xf32>
    %dot_general3A_52 = arith.constant dense<0.000000e+00> : vector<2048x64xf32>
    %dot_general3A_53 = tpu.matmul %max3A_48, %get3A_51, %dot_general3A_52 {dimension_numbers = #tpu.dot_dimension_numbers<[1], [0], [0], [1], [0, 0, 1, 1], [], []>, transpose_lhs_hint = false} : vector<2048x128xf32>, vector<128x64xf32>, vector<2048x64xf32> -> vector<2048x64xf32>
    %broadcast_in_dim3A_54 = vector.shape_cast %rsqrt3A : vector<2048xf32> to vector<2048x1xf32>
    %mul3A_55 = vector.broadcast %broadcast_in_dim3A_54 : vector<2048x1xf32> to vector<2048x64xf32>
    %mul3A_56 = arith.mulf %dot_general3A_53, %mul3A_55 : vector<2048x64xf32>
    %swap3A = arith.constant 0 : index
    %swap3A_57 = arith.constant 0 : index
    %swap3A_58 = vector.load %arg6[%swap3A, %swap3A_57] : memref<2048x64xf32, #tpu.memory_space<vmem>>, vector<2048x64xf32>
    tpu.vector_store %arg6[%swap3A, %swap3A_57], %mul3A_56 {strides = array<i32>} : memref<2048x64xf32, #tpu.memory_space<vmem>>, vector<2048x64xf32>,
    return
  }
  func.func @transform_0(%arg0: i32) -> (i32, i32, i32) {
    %c0_i32 = arith.constant 0 : i32
    %c0_i32_0 = arith.constant 0 : i32
    %c0_i32_1 = arith.constant 0 : i32
    return %c0_i32, %arg0, %c0_i32_0 : i32, i32, i32
  }
  func.func @transform_1(%arg0: i32) -> (i32, i32, i32) {
    %c0_i32 = arith.constant 0 : i32
    %c0_i32_0 = arith.constant 0 : i32
    %c0_i32_1 = arith.constant 0 : i32
    return %c0_i32, %c0_i32_0, %arg0 : i32, i32, i32
  }
  func.func @transform_2(%arg0: i32) -> (i32, i32) {
    %c0_i32 = arith.constant 0 : i32
    %c0_i32_0 = arith.constant 0 : i32
    %c0_i32_1 = arith.constant 0 : i32
    return %c0_i32, %c0_i32_0 : i32, i32
  }
  func.func @transform_3(%arg0: i32) -> (i32, i32) {
    %c0_i32 = arith.constant 0 : i32
    %c0_i32_0 = arith.constant 0 : i32
    %c0_i32_1 = arith.constant 0 : i32
    return %c0_i32, %c0_i32_0 : i32, i32
  }
  func.func @transform_4(%arg0: i32) -> (i32, i32) {
    %c0_i32 = arith.constant 0 : i32
    %c0_i32_0 = arith.constant 0 : i32
    %c0_i32_1 = arith.constant 0 : i32
    return %c0_i32, %c0_i32_0 : i32, i32
  }
  func.func @transform_5(%arg0: i32) -> (i32, i32) {
    %c0_i32 = arith.constant 0 : i32
    %c0_i32_0 = arith.constant 0 : i32
    return %arg0, %c0_i32 : i32, i32
  }
}

module attributes {stable_mosaic.version = 14 : i64} {
  func.func @_final_kernel(%arg0: i32, %arg1: memref<2x2048x64xf32, #tpu.memory_space<vmem>>, %arg2: memref<2x2x2048xf32, #tpu.memory_space<vmem>>, %arg3: memref<1x64xf32, #tpu.memory_space<vmem>>, %arg4: memref<2048x64xf32, #tpu.memory_space<vmem>>) attributes {dimension_semantics = [#tpu.dimension_semantics<arbitrary>], iteration_bounds = array<i64: 5>, scalar_prefetch = 0 : i64, scratch_operands = 0 : i64, tpu.core_type = #tpu.core_type<tc>, window_params = [{transform_indices = @transform_0, window_bounds = array<i64: 2, 2048, 64>}, {transform_indices = @transform_1, window_bounds = array<i64: 2, 2, 2048>}, {pipeline_mode = #tpu.pipeline_mode<synchronous>, transform_indices = @transform_2, window_bounds = array<i64: 1, 64>}, {transform_indices = @transform_3, window_bounds = array<i64: 2048, 64>}]} {
    %get3A = arith.constant 0 : index
    %get3A_0 = arith.constant 1 : index
    %get3A_1 = arith.constant 0 : index
    %get3A_2 = vector.load %arg2[%get3A, %get3A_0, %get3A_1] : memref<2x2x2048xf32, #tpu.memory_space<vmem>>, vector<1x1x2048xf32>
    %get3A_3 = vector.shape_cast %get3A_2 : vector<1x1x2048xf32> to vector<2048xf32>
    %get3A_4 = arith.constant 1 : index
    %get3A_5 = arith.constant 1 : index
    %get3A_6 = arith.constant 0 : index
    %get3A_7 = vector.load %arg2[%get3A_4, %get3A_5, %get3A_6] : memref<2x2x2048xf32, #tpu.memory_space<vmem>>, vector<1x1x2048xf32>
    %get3A_8 = vector.shape_cast %get3A_7 : vector<1x1x2048xf32> to vector<2048xf32>
    %add3A = arith.addf %get3A_3, %get3A_8 : vector<2048xf32>
    %max3A = arith.constant 1.000000e+00 : f32
    %max3A_9 = vector.broadcast %max3A : f32 to vector<2048xf32>
    %max3A_10 = arith.maximumf %add3A, %max3A_9 : vector<2048xf32>
    %rsqrt3A = math.rsqrt %max3A_10 : vector<2048xf32>
    %get3A_11 = arith.constant 0 : index
    %get3A_12 = arith.constant 0 : index
    %get3A_13 = arith.constant 0 : index
    %get3A_14 = vector.load %arg1[%get3A_11, %get3A_12, %get3A_13] : memref<2x2048x64xf32, #tpu.memory_space<vmem>>, vector<1x2048x64xf32>
    %get3A_15 = vector.shape_cast %get3A_14 : vector<1x2048x64xf32> to vector<2048x64xf32>
    %get3A_16 = arith.constant 1 : index
    %get3A_17 = arith.constant 0 : index
    %get3A_18 = arith.constant 0 : index
    %get3A_19 = vector.load %arg1[%get3A_16, %get3A_17, %get3A_18] : memref<2x2048x64xf32, #tpu.memory_space<vmem>>, vector<1x2048x64xf32>
    %get3A_20 = vector.shape_cast %get3A_19 : vector<1x2048x64xf32> to vector<2048x64xf32>
    %add3A_21 = arith.addf %get3A_15, %get3A_20 : vector<2048x64xf32>
    %broadcast_in_dim3A = vector.shape_cast %rsqrt3A : vector<2048xf32> to vector<2048x1xf32>
    %mul3A = vector.broadcast %broadcast_in_dim3A : vector<2048x1xf32> to vector<2048x64xf32>
    %mul3A_22 = arith.mulf %add3A_21, %mul3A : vector<2048x64xf32>
    %get3A_23 = arith.constant 0 : index
    %get3A_24 = arith.constant 0 : index
    %get3A_25 = vector.load %arg3[%get3A_23, %get3A_24] : memref<1x64xf32, #tpu.memory_space<vmem>>, vector<1x64xf32>
    %add3A_26 = vector.broadcast %get3A_25 : vector<1x64xf32> to vector<2048x64xf32>
    %add3A_27 = arith.addf %mul3A_22, %add3A_26 : vector<2048x64xf32>
    %swap3A = arith.constant 0 : index
    %swap3A_28 = arith.constant 0 : index
    %swap3A_29 = vector.load %arg4[%swap3A, %swap3A_28] : memref<2048x64xf32, #tpu.memory_space<vmem>>, vector<2048x64xf32>
    tpu.vector_store %arg4[%swap3A, %swap3A_28], %add3A_27 {strides = array<i32>} : memref<2048x64xf32, #tpu.memory_space<vmem>>, vector<2048x64xf32>,
    return
  }
  func.func @transform_0(%arg0: i32) -> (i32, i32, i32) {
    %c0_i32 = arith.constant 0 : i32
    %c0_i32_0 = arith.constant 0 : i32
    %c0_i32_1 = arith.constant 0 : i32
    return %c0_i32, %arg0, %c0_i32_0 : i32, i32, i32
  }
  func.func @transform_1(%arg0: i32) -> (i32, i32, i32) {
    %c0_i32 = arith.constant 0 : i32
    %c0_i32_0 = arith.constant 0 : i32
    %c0_i32_1 = arith.constant 0 : i32
    return %c0_i32, %c0_i32_0, %arg0 : i32, i32, i32
  }
  func.func @transform_2(%arg0: i32) -> (i32, i32) {
    %c0_i32 = arith.constant 0 : i32
    %c0_i32_0 = arith.constant 0 : i32
    %c0_i32_1 = arith.constant 0 : i32
    return %c0_i32, %c0_i32_0 : i32, i32
  }
  func.func @transform_3(%arg0: i32) -> (i32, i32) {
    %c0_i32 = arith.constant 0 : i32
    %c0_i32_0 = arith.constant 0 : i32
    return %arg0, %c0_i32 : i32, i32
  }
}

</mosaic_0001>

<sc_bundles>
// kernel: kernel.11.cloned.1.call-start
scs
__scs_entry_jumppad:
0x0: {  	(pc) =	sbr.rel $0x88, $3  }
0x1: {  	(tag) =	ssettag $0x0;
	lr =	simm.s32 $0x1  }
0x2: {  	[smem:$0x3F9B] =	sst lr;
	_ =	strace $0xD0000000  }
0x3: {  	_ = 	snop  }
0x4: {  	_ = 	snop  }
0x5: {  	_ = 	snop  }
0x6: {  	_ = 	snop  }
0x7: {  	_ = 	snop  }
__scs_overlays_trampoline_lowered:
0x8: {  	[smem:$0x3FAA] =	sst s0  }
0x9: {  	[smem:$0x3FAB] =	sst s1  }
0xa: {  	[smem:$0x3FAC] =	sst s2  }
0xb: {  	[smem:$0x3FAD] =	sst s3  }
0xc: {  	[smem:$0x3FAE] =	sst s4  }
0xd: {  	[smem:$0x3FAF] =	sst s5  }
0xe: {  	[smem:$0x3FB0] =	sst s6  }
0xf: {  	[smem:$0x3FB1] =	sst s7  }
0x10: {  	[smem:$0x3FB2] =	sst s8  }
0x11: {  	[smem:$0x3FB3] =	sst s9;
	s0 =	simm.s32 @!p0 $0x0  }
0x12: {  	s1 =	sld [smem:$0x3F99];
	s0 =	simm.s32 @p0 $0x1  }
0x13: {  	[smem:$0x3FB4] =	sst s0;
	s0 =	simm.s32 @!p1 $0x0  }
0x14: {  	s2 =	sld [smem:$0x3F98];
	s0 =	simm.s32 @p1 $0x1  }
0x15: {  	[smem:$0x3FB5] =	sst s0;
	s0 =	simm.s32 @!p2 $0x0  }
0x16: {  	s3 =	sld [smem:$0x3FDB];
	s0 =	simm.s32 @p2 $0x1  }
0x17: {  	s4 =	simm.s32 $0x1BF5;
	[smem:$0x3FB7] =	sst s0  }
0x18: {  	s0 =	sld [smem:$0x3F9A];
	_ =	swait.ge [sflag:s4], $0x0  }
0x19: {  	s7 =	sld [smem:$0x3F9B]  }
0x1a: {  	s8 =	sadd.s32 $0xFFFFE003, lr  }
0x1b: {  	s9 =	sadd.s32 $0xFFFFFEF7, lr;
	s5 =	simm.s32 $0xFFFFFFFF;
	p2 =	slt.u32 s8, $0xFFFFF086  }
0x1c: {  	p1 =	slt.u32 s9, $0xF7A;
	s5 =	simm.s32 @!p2 $0x0  }
0x1d: {  	s5 =	simm.s32 @p1 $0x1;
	p0 =	seq.s32 s7, s2  }
0x1e: {  	s7 =	smul.u32 @!p0 $0xF7A, s2;
	p2 =	seq.s32 @!p0 s5, $0x0  }
0x1f: {  	s9 =	smul.u32 $0xF7A, s1;
	s8 =	simm.s32 @!p0 $0x1BF5;
	p2 =	por !p2, p0  }
0x20: {  	[sflag:s8] =	ssyncset.s32 @!p0 $0xFFFFF086;
	s6 =	sadd.s32 @!p0 s3, s7;
	s7 =	simm.s32 @!p0 $0x108  }
0x21: {  	s3 =	sadd.s32 s3, s9;
	s6 =	sadd.s32 @!p0 $0x88, s6;
	s7 =	simm.s32 @p2 $0x1082  }
0x22: {  	[simem:s7], [sflag:s8] =	dma.local @!p0 [hbm:s6], $0xF7A  }
0x23: {  	s9 =	sor.u32 $0xD0000000, s2;
	s6 =	simm.s32 $0x108;
	_ =	swait.ge @!p0 [sflag:s8], $0x0  }
0x24: {  	s3 =	sadd.s32 $0x88, s3;
	s6 =	simm.s32 @!p1 $0x1082;
	[sflag:s4] =	ssyncset.s32 $0xFFFFF086  }
0x25: {  	[simem:s6], [sflag:s4] =	dma.local [hbm:s3], $0xF7A  }
0x26: {  	[smem:$0x3F9B] =	sst s1;
	(tag) =	ssettag s2;
	_ =	strace s9  }
0x27: {  	s1 =	sld [smem:$0x3FAB]  }
0x28: {  	s2 =	sld [smem:$0x3FAC]  }
0x29: {  	s4 =	sld [smem:$0x3FAE]  }
0x2a: {  	p0 =	seq.s32 s5, $0x0;
	s5 =	sld [smem:$0x3FAF]  }
0x2b: {  	s6 =	sld [smem:$0x3FB0]  }
0x2c: {  	s7 =	sld [smem:$0x3FB1]  }
0x2d: {  	s3 =	simm.s32 $0x108;
	s8 =	sld [smem:$0x3FB2]  }
0x2e: {  	s3 =	simm.s32 @!p0 $0x1082;
	s9 =	sld [smem:$0x3FB3]  }
0x2f: {  	lr =	sadd.s32 s0, s3;
	s0 =	sld [smem:$0x3FAA]  }
0x30: {  	s3 =	sld [smem:$0x3FAD]  }
0x31: {  	[smem:$0x3FB6] =	sst s10  }
0x32: {  	s10 =	sld [smem:$0x3FB4];
	_ =	sdelay $0x3  }
0x33: {  	p0 =	seq.s32 s10, $0x1;
	s10 =	sld [smem:$0x3FB6];
	_ =	sdelay $0x3  }
0x34: {  	[smem:$0x3FB6] =	sst s10  }
0x35: {  	s10 =	sld [smem:$0x3FB5];
	_ =	sdelay $0x3  }
0x36: {  	p1 =	seq.s32 s10, $0x1;
	s10 =	sld [smem:$0x3FB6];
	_ =	sdelay $0x3  }
0x37: {  	[smem:$0x3FB6] =	sst s10  }
0x38: {  	s10 =	sld [smem:$0x3FB7]  }
0x39: {  	_ = 	snop;
	(pc) =	sbr.ind lr, $3  }
0x3a: {  	_ = 	snop  }
0x3b: {  	_ = 	snop  }
0x3c: {  	p2 =	seq.s32 s10, $0x1;
	s10 =	sld [smem:$0x3FB6]  }
0x3d: {  	_ =	shalt  }
0x3e: {  	_ =	shalt  }
0x3f: {  	_ =	shalt  }
0x40: {  	_ =	shalt  }
0x41: {  	_ =	shalt  }
0x42: {  	_ =	shalt  }
0x43: {  	_ =	shalt  }
0x44: {  	_ =	shalt  }
0x45: {  	_ =	shalt  }
0x46: {  	_ =	shalt  }
0x47: {  	_ =	shalt  }
0x48: {  	_ =	shalt  }
0x49: {  	_ =	shalt  }
0x4a: {  	_ =	shalt  }
0x4b: {  	_ =	shalt  }
0x4c: {  	_ =	shalt  }
0x4d: {  	_ =	shalt  }
0x4e: {  	_ =	shalt  }
0x4f: {  	_ =	shalt  }
0x50: {  	_ =	shalt  }
0x51: {  	_ =	shalt  }
0x52: {  	_ =	shalt  }
0x53: {  	_ =	shalt  }
0x54: {  	_ =	shalt  }
0x55: {  	_ =	shalt  }
0x56: {  	_ =	shalt  }
0x57: {  	_ =	shalt  }
0x58: {  	_ =	shalt  }
0x59: {  	_ =	shalt  }
0x5a: {  	_ =	shalt  }
0x5b: {  	_ =	shalt  }
0x5c: {  	_ =	shalt  }
0x5d: {  	_ =	shalt  }
0x5e: {  	_ =	shalt  }
0x5f: {  	_ =	shalt  }
0x60: {  	_ =	shalt  }
0x61: {  	_ =	shalt  }
0x62: {  	_ =	shalt  }
0x63: {  	_ =	shalt  }
0x64: {  	_ =	shalt  }
0x65: {  	_ =	shalt  }
0x66: {  	_ =	shalt  }
0x67: {  	_ =	shalt  }
0x68: {  	_ =	shalt  }
0x69: {  	_ =	shalt  }
0x6a: {  	_ =	shalt  }
0x6b: {  	_ =	shalt  }
0x6c: {  	_ =	shalt  }
0x6d: {  	_ =	shalt  }
0x6e: {  	_ =	shalt  }
0x6f: {  	_ =	shalt  }
0x70: {  	_ =	shalt  }
0x71: {  	_ =	shalt  }
0x72: {  	_ =	shalt  }
0x73: {  	_ =	shalt  }
0x74: {  	_ =	shalt  }
0x75: {  	_ =	shalt  }
0x76: {  	_ =	shalt  }
0x77: {  	_ =	shalt  }
0x78: {  	_ =	shalt  }
0x79: {  	_ =	shalt  }
0x7a: {  	_ =	shalt  }
0x7b: {  	_ =	shalt  }
0x7c: {  	_ =	shalt  }
0x7d: {  	_ =	shalt  }
0x7e: {  	_ =	shalt  }
0x7f: {  	_ =	shalt  }
0x80: {  	_ =	shalt  }
0x81: {  	_ =	shalt  }
0x82: {  	_ =	shalt  }
0x83: {  	_ =	shalt  }
0x84: {  	_ =	shalt  }
0x85: {  	_ =	shalt  }
0x86: {  	_ =	shalt  }
0x87: {  	_ =	shalt  }
.Lfunc_end0:
.L_simem_size_0:
called_computation.1_lowered:
.L_overlay_start_0:
0x88: {  	s2 =	sld [smem:$0x3FD9]  }
0x89: {  	s3 =	sld [smem:$0x3FFE];
	_ =	sdelay $0x1  }
0x8a: {  	s1 =	srdreg.scid  }
0x8b: {  	s0 =	sand.u32 $0x1, s1  }
0x8c: {  	s17 =	sshll.u32 s0, $0xA;
	s2 =	sadd.s32 s3, s2  }
0x8d: {  	s2 =	sadd.s32 s2, s17  }
0x8e: {  	[smem:$0x3FC2] =	sst s2  }
0x8f: {  	_ = 	snop  }
0x90: {  	s2 =	sld [smem:$0x3FD0];
	(tm) =	ssettm $0x1  }
0x91: {  	s18 =	sld [smem:$0x3FFB];
	_ =	sdelay $0x3  }
0x92: {  	_ =	strace s18  }
0x93: {  	s3 =	sld [smem:$0x3FFC];
	_ =	sdelay $0x3  }
0x94: {  	_ =	strace s3  }
0x95: {  	s3 =	sld [smem:$0x3FFD];
	_ =	sdelay $0x3  }
0x96: {  	_ =	strace s3  }
0x97: {  	_ =	strace $0x8FFFFFFF  }
0x98: {  	s19 =	sld [smem:$0x3FDB];
	_ =	sdelay $0x1  }
0x99: {  	s4 =	simm.s32 $_scs_section_size  }
0x9a: {  	s5 =	simm.s32 $_size__tile_overlayer_lowered;
	s6 =	simm.s32 $_tile_overlayer_lowered  }
0x9b: {  	s22 =	simm.s32 $0x1BFF;
	s21 =	sshll.u32 s6, $0x1;
	s3 =	sadd.s32 s4, s19  }
0x9c: {  	s7 =	simm.s32 $0x0;
	s20 =	sshll.u32 s5, $0x1;
	s5 =	sadd.s32 s21, s3  }
0x9d: {  	[timem:s7], [sflag:s22] =	dma.local [hbm:s5], s20  }
0x9e: {  	_ =	swait.ge [sflag:s22], s20  }
0x9f: {  	s4 =	ssub.s32 $0x0, s20;
	[sflag:s22] =	ssyncset.done $0x0  }
0xa0: {  	[sflag:s22] =	ssyncadd.s32 s4;
	_ =	sdelay $0x1  }
0xa1: {  	s23 =	simm.s32 $0x1B8B  }
0xa2: {  	_ =	swait.ge [sflag:s23], $0x1  }
0xa3: {  	[sflag:s23] =	ssyncset.done $0x0  }
0xa4: {  	s25 =	simm.s32 $0x1B8E;
	s24 =	sld [smem:$0x3FFE];
	[sflag:s23] =	ssyncadd.s32 $0xFFFFFFFF  }
0xa5: {  	s26 =	simm.s32 $execute0_lowered;
	[smem:$0x3FD2] =	sst s25  }
0xa6: {  	s5 =	sshll.u32 s26, $0x1;
	_ =	strace $0x80000049;
	[dreg:$0x1] =	wrdreg $0xFFFFFFFF  }
0xa7: {  	s28 =	simm.s32 $_size_execute0_lowered;
	s3 =	sadd.s32 s3, s5;
	[dreg:$0x0] =	wrdreg $0x0  }
0xa8: {  	s5 =	sshll.u32 s28, $0x1;
	[dreg:$0x2] =	wrdreg s3  }
0xa9: {  	[dreg:$0x3] =	wrdreg s5  }
0xaa: {  	[dreg:$0x4] =	wrdreg $0xC0  }
0xab: {  	_ =	task [dreg:s7], $0x5FFFF  }
0xac: {  	[dreg:$0x1] =	wrdreg $0xFFFFFFFF  }
0xad: {  	[dreg:$0x0] =	wrdreg $0x60  }
0xae: {  	[dreg:$0x2] =	wrdreg s24  }
0xaf: {  	[dreg:$0x3] =	wrdreg s2  }
0xb0: {  	[dreg:$0x4] =	wrdreg $0x8F000  }
0xb1: {  	[dreg:$0x5] =	wrdreg $0x9  }
0xb2: {  	_ =	task.clear_ibuf [dreg:s7], $0x6FFFF;
	_ =	strace $0x90000049  }
0xb3: {  	s29 =	simm.s32 $0x9;
	_ =	strace $0x8000004B  }
0xb4: {  	_ =	swait.ge [sflag:s29], $0x1  }
0xb5: {  	[sflag:s29] =	ssyncadd.s32 $0xFFFFFFFF  }
0xb6: {  	_ =	strace $0x9000004B  }
0xb7: {  	_ =	sfence  }
0xb8: {  	s30 =	sld [smem:$0x0];
	_ =	sdelay $0x2  }
0xb9: {  	s31 =	sshll.u32 s1, $0xD;
	s1 =	sshrl.u32 s1, $0x2  }
0xba: {  	s3 =	sand.u32 $0x4000, s31;
	s1 =	sadd.s32 s1, s30  }
0xbb: {  	s0 =	sor.u32 s3, s0;
	s1 =	sshll.u32 s1, $0x11  }
0xbc: {  	s0 =	sor.u32 s1, s0  }
0xbd: {  	s0 =	sadd.s32 $0x8F2B, s0  }
0xbe: {  	[sflag:s0] =	ssyncadd.remote.s32 $0x1  }
0xbf: {  	_ =	sfence.sel $0xFFFF  }
0xc0: {  	[dreg:$0x0] =	wrdreg $0xFFFFFFFF;
	(pc) =	sbr.abs _section_cstart, $3  }
0xc1: {  	[dreg:$0x1] =	wrdreg $0xFFFFFFFF  }
0xc2: {  	_ =	task.clear_ibuf [dreg:s7], $0x2FFFF;
	_ =	strace $0x9FFFFFFF  }
0xc3: {  	(tm) =	ssettm $0x7FFFFFFF  }
tec
execute0_lowered:
.L_overlay_start_1:
0x0: {  	(tag) =	ssettag $0x1  }
0x1: {  	s5 =	rddreg [dreg:$0x0]  }
0x2: {  	s12 =	rddreg [dreg:$0x1];
	s1 =	srdreg.scid  }
0x3: {  	s0 =	stileid.u32;
	s2 =	rddreg [dreg:$0x2]  }
0x4: {  	s3 =	simm.s32 $0x0;
	s18 =	simm.s32 $0x2780;
	s19 =	simm.s32 $0x80  }
0x5: {  	s20 =	simm.s32 $0x1;
	s21 =	simm.s32 $0x6F00;
	s6 =	smul.u32 $0xA000, s0  }
0x6: {  	s22 =	simm.s32 $0x2;
	s23 =	simm.s32 $0x4E80;
	s8 =	smul.u32 $0x28000, s0  }
0x7: {  	s16 =	sand.u32 $0x1, s1;
	s1 =	rddreg [dreg:$0x3];
	s10 =	smul.u32 $0x2780, s0  }
0x8: {  	[smem:$0x7FF] =	sst s3;
	s13 =	sadd.s32 $0x1C00, s5;
	s11 =	smul.u32 $0x4F0, s0  }
0x9: {  	s4 =	smul.u32 $0xA0000, s16;
	_ =	strace $0x8000004A;
	s29 =	ssub.s32 $0x2, s16  }
0xa: {  	p0 =	seq.s32 s16, $0x0;
	s16 =	simm.s32 $0x4F00;
	s30 =	sshrl.u32 s8, $0x2  }
0xb: {  	s31 =	sshrl.u32 s29, $0x1;
	s10 =	sshrl.u32 s10, $0x3;
	s7 =	sadd.s32 s6, s4  }
0xc: {  	s4 =	sadd.s32 $0xBA00, s5;
	s9 =	sadd.s32 s30, s2;
	s15 =	ssub.s32 s29, s31  }
0xd: {  	s17 =	sadd.s32 $0x4F00, s10;
	s10 =	sadd.s32 s12, s11;
	s11 =	sadd.s32 s13, s11  }
0xe: {  	s7 =	sshrl.u32 s7, $0x3;
	s8 =	sadd.s32 $0x6000, s9;
	s12 =	sadd.s32 s12, s17  }
0xf: {  	s13 =	sadd.s32 s13, s17;
	s15 =	smax.u32 s15, $0x1;
	s17 =	simm.s32 $0x3  }
0x10: {  	s14 =	sadd.s32 s7, s5;
	s5 =	sadd.s32 s6, s2;
	s6 =	sadd.s32 $0x2000, s9  }
0x11: {  	v0 =	vimm.f32 $0.0e+00;
	s7 =	sadd.s32 $0x4000, s9;
	s9 =	sadd.s32 $0x8000, s9;
	s14 =	sadd.s32 $0x33A00, s14  }
.LBB2_1:
0x12: {  	s25 =	simm.s32 $0x100;
	s24 =	simm.s32 $0x0  }
.LBB2_2:
0x13: {  	p1 =	sne.s32 s25, $0x7F00;
	[tilespmem:s24+$0x4F30] =	vst v0;
	s26 =	smov.u32 s25;
	s25 =	sadd.s32 $0x100, s25  }
.Ltmp0:
0x14: {  	[tilespmem:s24+$0x4F20] =	vst v0;
	(pc) =	sbr.rel @p1 .LBB2_2-.Ltmp0, $3  }
0x15: {  	[tilespmem:s24+$0x4F00] =	vst v0  }
0x16: {  	[tilespmem:s24+$0x4F10] =	vst v0;
	_ =	sdelay $0x1  }
0x17: {  	s24 =	sshra.s32 s26, $0x2  }
0x18: {  	[tilespmem:s24+$0x4F30] =	vst v0  }
0x19: {  	[tilespmem:s24+$0x4F20] =	vst v0  }
0x1a: {  	[tilespmem:s24+$0x4F00] =	vst v0  }
0x1b: {  	[tilespmem:s24+$0x4F10] =	vst v0  }
0x1c: {  	[spmem:s5] =	stream.linear.scatter [tilespmem:s16], [sflag:$0x3], $0x2000, $0x38;
	[tilespmem:$0x12F00] =	vst v63  }
0x1d: {  	_ =	swait.ge [sflag:s17], $0x2000  }
0x1e: {  	[sflag:s17] =	ssyncset.done $0x0  }
0x1f: {  	[sflag:s17] =	ssyncadd.s32 $0xFFFFE000  }
0x20: {  	[spmem:s6] =	stream.linear.scatter [tilespmem:s16], [sflag:$0x3], $0x2000, $0x38;
	[tilespmem:$0x12F00] =	vst v63  }
0x21: {  	_ =	swait.ge [sflag:s17], $0x2000  }
0x22: {  	[sflag:s17] =	ssyncset.done $0x0  }
0x23: {  	[sflag:s17] =	ssyncadd.s32 $0xFFFFE000  }
0x24: {  	[spmem:s7] =	stream.linear.scatter [tilespmem:s16], [sflag:$0x3], $0x2000, $0x38;
	[tilespmem:$0x12F00] =	vst v63  }
0x25: {  	_ =	swait.ge [sflag:s17], $0x2000  }
0x26: {  	[sflag:s17] =	ssyncset.done $0x0  }
0x27: {  	[sflag:s17] =	ssyncadd.s32 $0xFFFFE000  }
0x28: {  	[spmem:s8] =	stream.linear.scatter [tilespmem:s16], [sflag:$0x3], $0x2000, $0x38;
	[tilespmem:$0x12F00] =	vst v63  }
0x29: {  	_ =	swait.ge [sflag:s17], $0x2000  }
0x2a: {  	[sflag:s17] =	ssyncset.done $0x0  }
0x2b: {  	[sflag:s17] =	ssyncadd.s32 $0xFFFFE000  }
0x2c: {  	[spmem:s9] =	stream.linear.scatter [tilespmem:s16], [sflag:$0x3], $0x2000, $0x38;
	[tilespmem:$0x12F00] =	vst v63  }
0x2d: {  	_ =	swait.ge [sflag:s17], $0x2000  }
0x2e: {  	[sflag:s17] =	ssyncset.done $0x0  }
0x2f: {  	s24 =	simm.s32 $0x0;
	[sflag:s17] =	ssyncadd.s32 $0xFFFFE000  }
0x30: {  	[tilespmem:s24], [sflag:$0x3] =	stream.linear.gather [hbm4b:s10+s24], $0x2780, $0x38;
	[tilespmem:$0x12F00] =	vst v63  }
0x31: {  	_ =	swait.ge [sflag:s17], $0x2780  }
0x32: {  	[sflag:s17] =	ssyncset.done $0x0  }
.Ltmp1:
0x33: {  	[sflag:s17] =	ssyncadd.s32 $0xFFFFD880;
	(pc) =	sbr.rel @p0 .LBB2_7-.Ltmp1, $4  }
0x34: {  	[tilespmem:s18], [sflag:$0x3] =	stream.linear.gather [hbm4b:s11+s24], $0x2780, $0x38;
	[tilespmem:$0x12F00] =	vst v63  }
0x35: {  	_ =	swait.ge [sflag:s17], $0x2780  }
0x36: {  	[sflag:s17] =	ssyncset.done $0x0  }
0x37: {  	[sflag:s17] =	ssyncadd.s32 $0xFFFFD880  }
0x38: {  	s25 =	simm.s32 $0x0  }
0x39: {  	v3 =	vld [tilespmem:s25+$0x0]  }
0x3a: {  	v5 =	vld [tilespmem:s25+$0x10]  }
0x3b: {  	v4 =	vld [tilespmem:s25+$0x20]  }
0x3c: {  	v2 =	vld [tilespmem:s25+$0x30]  }
0x3d: {  	v1 =	vld [tilespmem:s25+$0x40]  }
0x3e: {  	v6 =	vadd.s32 $0x2800, v3;
	v3 =	vld [tilespmem:s25+$0x50]  }
0x3f: {  	s26 =	simm.s32 $0x200;
	[tilespmem:s25+$0x0] =	vst v6;
	v6 =	vadd.s32 $0x2800, v5;
	v5 =	vld [tilespmem:s25+$0x60]  }
.LBB2_5:
0x40: {  	s28 =	sshra.s32 s26, $0x2;
	p1 =	sne.s32 s26, $0x9C00;
	[tilespmem:s25+$0x10] =	vst v6;
	v4 =	vadd.s32 $0x2800, v4;
	v6 =	vld [tilespmem:s25+$0x70]  }
0x41: {  	v7 =	vld [tilespmem:s28+$0x0];
	[tilespmem:s25+$0x20] =	vst v4;
	v2 =	vadd.s32 $0x2800, v2  }
0x42: {  	v8 =	vld [tilespmem:s28+$0x10];
	[tilespmem:s25+$0x30] =	vst v2;
	v1 =	vadd.s32 $0x2800, v1  }
.Ltmp2:
0x43: {  	v4 =	vld [tilespmem:s28+$0x20];
	[tilespmem:s25+$0x40] =	vst v1;
	v1 =	vadd.s32 $0x2800, v3;
	(pc) =	sbr.rel @p1 .LBB2_5-.Ltmp2, $4  }
0x44: {  	v2 =	vld [tilespmem:s28+$0x30];
	[tilespmem:s25+$0x50] =	vst v1;
	v3 =	vadd.s32 $0x2800, v5  }
0x45: {  	v1 =	vld [tilespmem:s28+$0x40];
	[tilespmem:s25+$0x60] =	vst v3;
	v5 =	vadd.s32 $0x2800, v6  }
0x46: {  	v6 =	vadd.s32 $0x2800, v7;
	v3 =	vld [tilespmem:s28+$0x50];
	[tilespmem:s25+$0x70] =	vst v5;
	s25 =	smov.u32 s28  }
0x47: {  	s26 =	sadd.s32 $0x200, s26;
	[tilespmem:s25+$0x0] =	vst v6;
	v6 =	vadd.s32 $0x2800, v8;
	v5 =	vld [tilespmem:s25+$0x60]  }
0x48: {  	[tilespmem:s25+$0x10] =	vst v6;
	v4 =	vadd.s32 $0x2800, v4;
	v63 =	vld [tilespmem:s25+$0x70]  }
0x49: {  	[tilespmem:s25+$0x20] =	vst v4;
	v2 =	vadd.s32 $0x2800, v2  }
0x4a: {  	[tilespmem:s25+$0x30] =	vst v2;
	v1 =	vadd.s32 $0x2800, v1  }
0x4b: {  	[tilespmem:s25+$0x40] =	vst v1;
	v1 =	vadd.s32 $0x2800, v3  }
0x4c: {  	[tilespmem:s25+$0x50] =	vst v1;
	v1 =	vadd.s32 $0x2800, v5  }
0x4d: {  	[tilespmem:s25+$0x60] =	vst v1;
	v1 =	vadd.s32 $0x2800, v63  }
0x4e: {  	[tilespmem:s25+$0x70] =	vst v1  }
.LBB2_7:
0x4f: {  	[bflag:$0x0] =	sbarrier.arrive $0xFFFF  }
0x50: {  	[tilespmem:s16], [sflag:$0x1] =	stream.indirect.gather [hbm4b:s4+s19], $0x40, s24, s19, $0xb8;
	[tilespmem:$0x12F00] =	vst v63  }
0x51: {  	_ =	swait.ge [sflag:s20], $0x2000  }
0x52: {  	[sflag:s20] =	ssyncset.done $0x0  }
0x53: {  	s28 =	simm.s32 $0x80;
	[sflag:s20] =	ssyncadd.s32 $0xFFFFE000  }
0x54: {  	[tilespmem:s21], [sflag:$0x2] =	stream.indirect.gather [hbm4b:s4+s19], $0x40, s28, s19, $0xb8;
	[tilespmem:$0x12F00] =	vst v63  }
0x55: {  	s29 =	simm.s32 $0x2780  }
0x56: {  	[spmem:s2] =	stream.indirect.scatter.add.f32 [tilespmem:s16], [sflag:$0x3], $0x40, s29, s19, $0xb8;
	[tilespmem:$0x12F00] =	vst v63  }
0x57: {  	_ =	swait.ge [sflag:s17], $0x2000  }
0x58: {  	[sflag:s17] =	ssyncset.done $0x0  }
0x59: {  	[sflag:s17] =	ssyncadd.s32 $0xFFFFE000  }
0x5a: {  	_ =	swait.ge [sflag:s22], $0x2000  }
0x5b: {  	[sflag:s22] =	ssyncset.done $0x0  }
0x5c: {  	s30 =	simm.s32 $0x100;
	[sflag:s22] =	ssyncadd.s32 $0xFFFFE000  }
0x5d: {  	[tilespmem:s16], [sflag:$0x1] =	stream.indirect.gather [hbm4b:s4+s19], $0x40, s30, s19, $0xb8;
	[tilespmem:$0x12F00] =	vst v63  }
0x5e: {  	s31 =	simm.s32 $0x2800  }
0x5f: {  	[spmem:s2] =	stream.indirect.scatter.add.f32 [tilespmem:s21], [sflag:$0x3], $0x40, s31, s19, $0xb8;
	[tilespmem:$0x12F00] =	vst v63  }
0x60: {  	_ =	swait.ge [sflag:s17], $0x2000  }
0x61: {  	s24 =	simm.s32 $0x400;
	[sflag:s17] =	ssyncset.done $0x0  }
.LBB2_8:
0x62: {  	p1 =	sne.s32 s24, $0x9800  }
0x63: {  	[sflag:s17] =	ssyncadd.s32 $0xFFFFE000;
	s25 =	smov.u32 s24;
	s24 =	sadd.s32 $0x400, s24  }
0x64: {  	_ = 	snop  }
0x65: {  	_ =	swait.ge [sflag:s20], $0x2000  }
0x66: {  	s25 =	sshra.s32 s25, $0x2;
	[sflag:s20] =	ssyncset.done $0x0  }
0x67: {  	s26 =	sadd.s32 $0x80, s25;
	[sflag:s20] =	ssyncadd.s32 $0xFFFFE000  }
0x68: {  	[tilespmem:s21], [sflag:$0x2] =	stream.indirect.gather [hbm4b:s4+s19], $0x40, s26, s19, $0xb8;
	[tilespmem:$0x12F00] =	vst v63  }
0x69: {  	s26 =	sadd.s32 $0x2780, s25  }
0x6a: {  	[spmem:s2] =	stream.indirect.scatter.add.f32 [tilespmem:s16], [sflag:$0x3], $0x40, s26, s19, $0xb8;
	[tilespmem:$0x12F00] =	vst v63  }
0x6b: {  	_ =	swait.ge [sflag:s17], $0x2000  }
0x6c: {  	[sflag:s17] =	ssyncset.done $0x0  }
0x6d: {  	[sflag:s17] =	ssyncadd.s32 $0xFFFFE000  }
0x6e: {  	_ =	swait.ge [sflag:s22], $0x2000  }
0x6f: {  	[sflag:s22] =	ssyncset.done $0x0  }
0x70: {  	s26 =	sadd.s32 $0x100, s25;
	[sflag:s22] =	ssyncadd.s32 $0xFFFFE000  }
0x71: {  	[tilespmem:s16], [sflag:$0x1] =	stream.indirect.gather [hbm4b:s4+s19], $0x40, s26, s19, $0xb8;
	[tilespmem:$0x12F00] =	vst v63  }
.Ltmp3:
0x72: {  	_ = 	snop;
	(pc) =	sbr.rel @p1 .LBB2_8-.Ltmp3, $4  }
0x73: {  	s25 =	sadd.s32 $0x2800, s25  }
0x74: {  	[spmem:s2] =	stream.indirect.scatter.add.f32 [tilespmem:s21], [sflag:$0x3], $0x40, s25, s19, $0xb8;
	[tilespmem:$0x12F00] =	vst v63  }
0x75: {  	_ =	swait.ge [sflag:s17], $0x2000  }
0x76: {  	[sflag:s17] =	ssyncset.done $0x0  }
0x77: {  	[sflag:s17] =	ssyncadd.s32 $0xFFFFE000  }
0x78: {  	_ =	swait.ge [sflag:s20], $0x2000  }
0x79: {  	[sflag:s20] =	ssyncset.done $0x0  }
0x7a: {  	[sflag:s20] =	ssyncadd.s32 $0xFFFFE000  }
0x7b: {  	[spmem:s2] =	stream.indirect.scatter.add.f32 [tilespmem:s16], [sflag:$0x3], $0x40, s23, s19, $0xb8;
	[tilespmem:$0x12F00] =	vst v63  }
0x7c: {  	_ =	swait.ge [sflag:s17], $0x2000  }
0x7d: {  	[sflag:s17] =	ssyncset.done $0x0  }
0x7e: {  	s24 =	simm.s32 $0x0;
	[sflag:s17] =	ssyncadd.s32 $0xFFFFE000  }
0x7f: {  	[tilespmem:s24], [sflag:$0x3] =	stream.linear.gather [hbm4b:s12+s24], $0x2780, $0x38;
	[tilespmem:$0x12F00] =	vst v63  }
0x80: {  	_ =	swait.ge [sflag:s17], $0x2780  }
0x81: {  	[sflag:s17] =	ssyncset.done $0x0  }
.Ltmp4:
0x82: {  	[sflag:s17] =	ssyncadd.s32 $0xFFFFD880;
	(pc) =	sbr.rel @p0 .LBB2_13-.Ltmp4, $4  }
0x83: {  	[tilespmem:s18], [sflag:$0x3] =	stream.linear.gather [hbm4b:s13+s24], $0x2780, $0x38;
	[tilespmem:$0x12F00] =	vst v63  }
0x84: {  	_ =	swait.ge [sflag:s17], $0x2780  }
0x85: {  	[sflag:s17] =	ssyncset.done $0x0  }
0x86: {  	[sflag:s17] =	ssyncadd.s32 $0xFFFFD880  }
0x87: {  	s25 =	simm.s32 $0x0  }
0x88: {  	v3 =	vld [tilespmem:s25+$0x0]  }
0x89: {  	v5 =	vld [tilespmem:s25+$0x10]  }
0x8a: {  	v4 =	vld [tilespmem:s25+$0x20]  }
0x8b: {  	v2 =	vld [tilespmem:s25+$0x30]  }
0x8c: {  	v1 =	vld [tilespmem:s25+$0x40]  }
0x8d: {  	v6 =	vadd.s32 $0x2800, v3;
	v3 =	vld [tilespmem:s25+$0x50]  }
0x8e: {  	s26 =	simm.s32 $0x200;
	[tilespmem:s25+$0x0] =	vst v6;
	v6 =	vadd.s32 $0x2800, v5;
	v5 =	vld [tilespmem:s25+$0x60]  }
.LBB2_11:
0x8f: {  	s28 =	sshra.s32 s26, $0x2;
	p1 =	sne.s32 s26, $0x9C00;
	[tilespmem:s25+$0x10] =	vst v6;
	v4 =	vadd.s32 $0x2800, v4;
	v6 =	vld [tilespmem:s25+$0x70]  }
0x90: {  	v7 =	vld [tilespmem:s28+$0x0];
	[tilespmem:s25+$0x20] =	vst v4;
	v2 =	vadd.s32 $0x2800, v2  }
0x91: {  	v8 =	vld [tilespmem:s28+$0x10];
	[tilespmem:s25+$0x30] =	vst v2;
	v1 =	vadd.s32 $0x2800, v1  }
.Ltmp5:
0x92: {  	v4 =	vld [tilespmem:s28+$0x20];
	[tilespmem:s25+$0x40] =	vst v1;
	v1 =	vadd.s32 $0x2800, v3;
	(pc) =	sbr.rel @p1 .LBB2_11-.Ltmp5, $4  }
0x93: {  	v2 =	vld [tilespmem:s28+$0x30];
	[tilespmem:s25+$0x50] =	vst v1;
	v3 =	vadd.s32 $0x2800, v5  }
0x94: {  	v1 =	vld [tilespmem:s28+$0x40];
	[tilespmem:s25+$0x60] =	vst v3;
	v5 =	vadd.s32 $0x2800, v6  }
0x95: {  	v6 =	vadd.s32 $0x2800, v7;
	v3 =	vld [tilespmem:s28+$0x50];
	[tilespmem:s25+$0x70] =	vst v5;
	s25 =	smov.u32 s28  }
0x96: {  	s26 =	sadd.s32 $0x200, s26;
	[tilespmem:s25+$0x0] =	vst v6;
	v6 =	vadd.s32 $0x2800, v8;
	v5 =	vld [tilespmem:s25+$0x60]  }
0x97: {  	[tilespmem:s25+$0x10] =	vst v6;
	v4 =	vadd.s32 $0x2800, v4;
	v63 =	vld [tilespmem:s25+$0x70]  }
0x98: {  	[tilespmem:s25+$0x20] =	vst v4;
	v2 =	vadd.s32 $0x2800, v2  }
0x99: {  	[tilespmem:s25+$0x30] =	vst v2;
	v1 =	vadd.s32 $0x2800, v1  }
0x9a: {  	[tilespmem:s25+$0x40] =	vst v1;
	v1 =	vadd.s32 $0x2800, v3  }
0x9b: {  	[tilespmem:s25+$0x50] =	vst v1;
	v1 =	vadd.s32 $0x2800, v5  }
0x9c: {  	[tilespmem:s25+$0x60] =	vst v1;
	v1 =	vadd.s32 $0x2800, v63  }
0x9d: {  	[tilespmem:s25+$0x70] =	vst v1  }
.LBB2_13:
0x9e: {  	[bflag:$0x0] =	sbarrier.arrive $0xFFFF  }
0x9f: {  	[tilespmem:s16], [sflag:$0x1] =	stream.indirect.gather [hbm4b:s4+s19], $0x40, s24, s19, $0xb8;
	[tilespmem:$0x12F00] =	vst v63  }
0xa0: {  	_ =	swait.ge [sflag:s20], $0x2000  }
0xa1: {  	[sflag:s20] =	ssyncset.done $0x0  }
0xa2: {  	s28 =	simm.s32 $0x80;
	[sflag:s20] =	ssyncadd.s32 $0xFFFFE000  }
0xa3: {  	[tilespmem:s21], [sflag:$0x2] =	stream.indirect.gather [hbm4b:s4+s19], $0x40, s28, s19, $0xb8;
	[tilespmem:$0x12F00] =	vst v63  }
0xa4: {  	s29 =	simm.s32 $0x2780  }
0xa5: {  	[spmem:s2] =	stream.indirect.scatter.add.f32 [tilespmem:s16], [sflag:$0x3], $0x40, s29, s19, $0xb8;
	[tilespmem:$0x12F00] =	vst v63  }
0xa6: {  	_ =	swait.ge [sflag:s17], $0x2000  }
0xa7: {  	[sflag:s17] =	ssyncset.done $0x0  }
0xa8: {  	[sflag:s17] =	ssyncadd.s32 $0xFFFFE000  }
0xa9: {  	_ =	swait.ge [sflag:s22], $0x2000  }
0xaa: {  	[sflag:s22] =	ssyncset.done $0x0  }
0xab: {  	s30 =	simm.s32 $0x100;
	[sflag:s22] =	ssyncadd.s32 $0xFFFFE000  }
0xac: {  	[tilespmem:s16], [sflag:$0x1] =	stream.indirect.gather [hbm4b:s4+s19], $0x40, s30, s19, $0xb8;
	[tilespmem:$0x12F00] =	vst v63  }
0xad: {  	s31 =	simm.s32 $0x2800  }
0xae: {  	[spmem:s2] =	stream.indirect.scatter.add.f32 [tilespmem:s21], [sflag:$0x3], $0x40, s31, s19, $0xb8;
	[tilespmem:$0x12F00] =	vst v63  }
0xaf: {  	_ =	swait.ge [sflag:s17], $0x2000  }
0xb0: {  	s24 =	simm.s32 $0x400;
	[sflag:s17] =	ssyncset.done $0x0  }
.LBB2_14:
0xb1: {  	p1 =	sne.s32 s24, $0x9800  }
0xb2: {  	[sflag:s17] =	ssyncadd.s32 $0xFFFFE000;
	s25 =	smov.u32 s24;
	s24 =	sadd.s32 $0x400, s24  }
0xb3: {  	_ = 	snop  }
0xb4: {  	_ =	swait.ge [sflag:s20], $0x2000  }
0xb5: {  	s25 =	sshra.s32 s25, $0x2;
	[sflag:s20] =	ssyncset.done $0x0  }
0xb6: {  	s26 =	sadd.s32 $0x80, s25;
	[sflag:s20] =	ssyncadd.s32 $0xFFFFE000  }
0xb7: {  	[tilespmem:s21], [sflag:$0x2] =	stream.indirect.gather [hbm4b:s4+s19], $0x40, s26, s19, $0xb8;
	[tilespmem:$0x12F00] =	vst v63  }
0xb8: {  	s26 =	sadd.s32 $0x2780, s25  }
0xb9: {  	[spmem:s2] =	stream.indirect.scatter.add.f32 [tilespmem:s16], [sflag:$0x3], $0x40, s26, s19, $0xb8;
	[tilespmem:$0x12F00] =	vst v63  }
0xba: {  	_ =	swait.ge [sflag:s17], $0x2000  }
0xbb: {  	[sflag:s17] =	ssyncset.done $0x0  }
0xbc: {  	[sflag:s17] =	ssyncadd.s32 $0xFFFFE000  }
0xbd: {  	_ =	swait.ge [sflag:s22], $0x2000  }
0xbe: {  	[sflag:s22] =	ssyncset.done $0x0  }
0xbf: {  	s26 =	sadd.s32 $0x100, s25;
	[sflag:s22] =	ssyncadd.s32 $0xFFFFE000  }
0xc0: {  	[tilespmem:s16], [sflag:$0x1] =	stream.indirect.gather [hbm4b:s4+s19], $0x40, s26, s19, $0xb8;
	[tilespmem:$0x12F00] =	vst v63  }
.Ltmp6:
0xc1: {  	_ = 	snop;
	(pc) =	sbr.rel @p1 .LBB2_14-.Ltmp6, $4  }
0xc2: {  	s25 =	sadd.s32 $0x2800, s25  }
0xc3: {  	[spmem:s2] =	stream.indirect.scatter.add.f32 [tilespmem:s21], [sflag:$0x3], $0x40, s25, s19, $0xb8;
	[tilespmem:$0x12F00] =	vst v63  }
0xc4: {  	_ =	swait.ge [sflag:s17], $0x2000  }
0xc5: {  	[sflag:s17] =	ssyncset.done $0x0  }
0xc6: {  	[sflag:s17] =	ssyncadd.s32 $0xFFFFE000  }
0xc7: {  	_ =	swait.ge [sflag:s20], $0x2000  }
0xc8: {  	[sflag:s20] =	ssyncset.done $0x0  }
0xc9: {  	[sflag:s20] =	ssyncadd.s32 $0xFFFFE000  }
0xca: {  	[spmem:s2] =	stream.indirect.scatter.add.f32 [tilespmem:s16], [sflag:$0x3], $0x40, s23, s19, $0xb8;
	[tilespmem:$0x12F00] =	vst v63  }
0xcb: {  	_ =	swait.ge [sflag:s17], $0x2000  }
0xcc: {  	s24 =	sshll.u32 s0, $0x6;
	s3 =	sadd.s32 $0x1, s3;
	[sflag:s17] =	ssyncset.done $0x0  }
0xcd: {  	s25 =	sshrl.u32 s5, $0x3;
	p1 =	sne.s32 s3, s15;
	[sflag:s17] =	ssyncadd.s32 $0xFFFFE000  }
.Ltmp7:
0xce: {  	s24 =	sor.u32 $0x1C03, s24;
	[bflag:$0x0] =	sbarrier.arrive $0xFFFF;
	(pc) =	sbr.rel @p1 .LBB2_1-.Ltmp7, $4  }
0xcf: {  	[hbm:s14], [sflag:s24] =	dma.local [spmem:s25], $0x1400  }
0xd0: {  	_ =	swait.ge [sflag:s17], $0x1400  }
0xd1: {  	[sflag:s17] =	ssyncset.done $0x0  }
0xd2: {  	[sflag:s17] =	ssyncadd.s32 $0xFFFFEC00  }
0xd3: {  	_ =	sfence.sel $0x180000  }
0xd4: {  	[bflag:$0x0] =	sbarrier.arrive $0xFFFF  }
0xd5: {  	p0 =	sne.s32 s0, $0x0;
	_ =	strace $0x9000004A  }
0xd6: {  	s0 =	sadd.s32 @!p0 $0x100000, s1;
	[bflag:$0x2] =	sbarrier.arrive $0xFFFF  }
0xd7: {  	[sflag:s0] =	ssyncadd.tile.s32 @!p0 $0x1;
	_ =	shalt  }
.Lfunc_end2:
_tile_overlayer_lowered:
.L_overlay_start_2:
0xd8: {  	(tag) =	ssettag $0x2  }
0xd9: {  	s0 =	rddreg [dreg:$0x0];
	s2 =	stileid.u32  }
0xda: {  	s1 =	rddreg [dreg:$0x1];
	p0 =	sne.s32 s2, $0x0  }
0xdb: {  	s3 =	rddreg [dreg:$0x2];
	[bflag:$0x3] =	sbarrier.arrive $0xFFFF;
	s2 =	simm.s32 @!p0 $0x1C03  }
0xdc: {  	[timem:s3], [sflag:s2] =	dma.local @!p0 [hbm:s0], s1  }
0xdd: {  	s0 =	simm.s32 @!p0 $0x3  }
0xde: {  	_ =	swait.ge @!p0 [sflag:s0], s1  }
0xdf: {  	s1 =	ssub.s32 @!p0 $0x0, s1;
	[sflag:s0] =	ssyncset.done @!p0 $0x0  }
0xe0: {  	[sflag:s0] =	ssyncadd.s32 @!p0 s1  }
0xe1: {  	[bflag:$0x3] =	sbarrier.arrive $0xFFFF  }
0xe2: {  	_ =	shalt  }

// kernel: kernel.14.cloned.1.call-start
scs
__scs_entry_jumppad:
0x0: {  	(pc) =	sbr.rel $0x88, $3  }
0x1: {  	(tag) =	ssettag $0x0;
	lr =	simm.s32 $0x1  }
0x2: {  	[smem:$0x3F9B] =	sst lr;
	_ =	strace $0xD0000000  }
0x3: {  	_ = 	snop  }
0x4: {  	_ = 	snop  }
0x5: {  	_ = 	snop  }
0x6: {  	_ = 	snop  }
0x7: {  	_ = 	snop  }
__scs_overlays_trampoline_lowered:
0x8: {  	[smem:$0x3FAA] =	sst s0  }
0x9: {  	[smem:$0x3FAB] =	sst s1  }
0xa: {  	[smem:$0x3FAC] =	sst s2  }
0xb: {  	[smem:$0x3FAD] =	sst s3  }
0xc: {  	[smem:$0x3FAE] =	sst s4  }
0xd: {  	[smem:$0x3FAF] =	sst s5  }
0xe: {  	[smem:$0x3FB0] =	sst s6  }
0xf: {  	[smem:$0x3FB1] =	sst s7  }
0x10: {  	[smem:$0x3FB2] =	sst s8  }
0x11: {  	[smem:$0x3FB3] =	sst s9;
	s0 =	simm.s32 @!p0 $0x0  }
0x12: {  	s1 =	sld [smem:$0x3F99];
	s0 =	simm.s32 @p0 $0x1  }
0x13: {  	[smem:$0x3FB4] =	sst s0;
	s0 =	simm.s32 @!p1 $0x0  }
0x14: {  	s2 =	sld [smem:$0x3F98];
	s0 =	simm.s32 @p1 $0x1  }
0x15: {  	[smem:$0x3FB5] =	sst s0;
	s0 =	simm.s32 @!p2 $0x0  }
0x16: {  	s3 =	sld [smem:$0x3FDB];
	s0 =	simm.s32 @p2 $0x1  }
0x17: {  	s4 =	simm.s32 $0x1BF5;
	[smem:$0x3FB7] =	sst s0  }
0x18: {  	s0 =	sld [smem:$0x3F9A];
	_ =	swait.ge [sflag:s4], $0x0  }
0x19: {  	s7 =	sld [smem:$0x3F9B]  }
0x1a: {  	s8 =	sadd.s32 $0xFFFFE003, lr  }
0x1b: {  	s9 =	sadd.s32 $0xFFFFFEF7, lr;
	s5 =	simm.s32 $0xFFFFFFFF;
	p2 =	slt.u32 s8, $0xFFFFF086  }
0x1c: {  	p1 =	slt.u32 s9, $0xF7A;
	s5 =	simm.s32 @!p2 $0x0  }
0x1d: {  	s5 =	simm.s32 @p1 $0x1;
	p0 =	seq.s32 s7, s2  }
0x1e: {  	s7 =	smul.u32 @!p0 $0xF7A, s2;
	p2 =	seq.s32 @!p0 s5, $0x0  }
0x1f: {  	s9 =	smul.u32 $0xF7A, s1;
	s8 =	simm.s32 @!p0 $0x1BF5;
	p2 =	por !p2, p0  }
0x20: {  	[sflag:s8] =	ssyncset.s32 @!p0 $0xFFFFF086;
	s6 =	sadd.s32 @!p0 s3, s7;
	s7 =	simm.s32 @!p0 $0x108  }
0x21: {  	s3 =	sadd.s32 s3, s9;
	s6 =	sadd.s32 @!p0 $0x88, s6;
	s7 =	simm.s32 @p2 $0x1082  }
0x22: {  	[simem:s7], [sflag:s8] =	dma.local @!p0 [hbm:s6], $0xF7A  }
0x23: {  	s9 =	sor.u32 $0xD0000000, s2;
	s6 =	simm.s32 $0x108;
	_ =	swait.ge @!p0 [sflag:s8], $0x0  }
0x24: {  	s3 =	sadd.s32 $0x88, s3;
	s6 =	simm.s32 @!p1 $0x1082;
	[sflag:s4] =	ssyncset.s32 $0xFFFFF086  }
0x25: {  	[simem:s6], [sflag:s4] =	dma.local [hbm:s3], $0xF7A  }
0x26: {  	[smem:$0x3F9B] =	sst s1;
	(tag) =	ssettag s2;
	_ =	strace s9  }
0x27: {  	s1 =	sld [smem:$0x3FAB]  }
0x28: {  	s2 =	sld [smem:$0x3FAC]  }
0x29: {  	s4 =	sld [smem:$0x3FAE]  }
0x2a: {  	p0 =	seq.s32 s5, $0x0;
	s5 =	sld [smem:$0x3FAF]  }
0x2b: {  	s6 =	sld [smem:$0x3FB0]  }
0x2c: {  	s7 =	sld [smem:$0x3FB1]  }
0x2d: {  	s3 =	simm.s32 $0x108;
	s8 =	sld [smem:$0x3FB2]  }
0x2e: {  	s3 =	simm.s32 @!p0 $0x1082;
	s9 =	sld [smem:$0x3FB3]  }
0x2f: {  	lr =	sadd.s32 s0, s3;
	s0 =	sld [smem:$0x3FAA]  }
0x30: {  	s3 =	sld [smem:$0x3FAD]  }
0x31: {  	[smem:$0x3FB6] =	sst s10  }
0x32: {  	s10 =	sld [smem:$0x3FB4];
	_ =	sdelay $0x3  }
0x33: {  	p0 =	seq.s32 s10, $0x1;
	s10 =	sld [smem:$0x3FB6];
	_ =	sdelay $0x3  }
0x34: {  	[smem:$0x3FB6] =	sst s10  }
0x35: {  	s10 =	sld [smem:$0x3FB5];
	_ =	sdelay $0x3  }
0x36: {  	p1 =	seq.s32 s10, $0x1;
	s10 =	sld [smem:$0x3FB6];
	_ =	sdelay $0x3  }
0x37: {  	[smem:$0x3FB6] =	sst s10  }
0x38: {  	s10 =	sld [smem:$0x3FB7]  }
0x39: {  	_ = 	snop;
	(pc) =	sbr.ind lr, $3  }
0x3a: {  	_ = 	snop  }
0x3b: {  	_ = 	snop  }
0x3c: {  	p2 =	seq.s32 s10, $0x1;
	s10 =	sld [smem:$0x3FB6]  }
0x3d: {  	_ =	shalt  }
0x3e: {  	_ =	shalt  }
0x3f: {  	_ =	shalt  }
0x40: {  	_ =	shalt  }
0x41: {  	_ =	shalt  }
0x42: {  	_ =	shalt  }
0x43: {  	_ =	shalt  }
0x44: {  	_ =	shalt  }
0x45: {  	_ =	shalt  }
0x46: {  	_ =	shalt  }
0x47: {  	_ =	shalt  }
0x48: {  	_ =	shalt  }
0x49: {  	_ =	shalt  }
0x4a: {  	_ =	shalt  }
0x4b: {  	_ =	shalt  }
0x4c: {  	_ =	shalt  }
0x4d: {  	_ =	shalt  }
0x4e: {  	_ =	shalt  }
0x4f: {  	_ =	shalt  }
0x50: {  	_ =	shalt  }
0x51: {  	_ =	shalt  }
0x52: {  	_ =	shalt  }
0x53: {  	_ =	shalt  }
0x54: {  	_ =	shalt  }
0x55: {  	_ =	shalt  }
0x56: {  	_ =	shalt  }
0x57: {  	_ =	shalt  }
0x58: {  	_ =	shalt  }
0x59: {  	_ =	shalt  }
0x5a: {  	_ =	shalt  }
0x5b: {  	_ =	shalt  }
0x5c: {  	_ =	shalt  }
0x5d: {  	_ =	shalt  }
0x5e: {  	_ =	shalt  }
0x5f: {  	_ =	shalt  }
0x60: {  	_ =	shalt  }
0x61: {  	_ =	shalt  }
0x62: {  	_ =	shalt  }
0x63: {  	_ =	shalt  }
0x64: {  	_ =	shalt  }
0x65: {  	_ =	shalt  }
0x66: {  	_ =	shalt  }
0x67: {  	_ =	shalt  }
0x68: {  	_ =	shalt  }
0x69: {  	_ =	shalt  }
0x6a: {  	_ =	shalt  }
0x6b: {  	_ =	shalt  }
0x6c: {  	_ =	shalt  }
0x6d: {  	_ =	shalt  }
0x6e: {  	_ =	shalt  }
0x6f: {  	_ =	shalt  }
0x70: {  	_ =	shalt  }
0x71: {  	_ =	shalt  }
0x72: {  	_ =	shalt  }
0x73: {  	_ =	shalt  }
0x74: {  	_ =	shalt  }
0x75: {  	_ =	shalt  }
0x76: {  	_ =	shalt  }
0x77: {  	_ =	shalt  }
0x78: {  	_ =	shalt  }
0x79: {  	_ =	shalt  }
0x7a: {  	_ =	shalt  }
0x7b: {  	_ =	shalt  }
0x7c: {  	_ =	shalt  }
0x7d: {  	_ =	shalt  }
0x7e: {  	_ =	shalt  }
0x7f: {  	_ =	shalt  }
0x80: {  	_ =	shalt  }
0x81: {  	_ =	shalt  }
0x82: {  	_ =	shalt  }
0x83: {  	_ =	shalt  }
0x84: {  	_ =	shalt  }
0x85: {  	_ =	shalt  }
0x86: {  	_ =	shalt  }
0x87: {  	_ =	shalt  }
.Lfunc_end0:
.L_simem_size_0:
called_computation.2_lowered:
.L_overlay_start_0:
0x88: {  	s2 =	sld [smem:$0x3FD9]  }
0x89: {  	s3 =	sld [smem:$0x3FFE];
	_ =	sdelay $0x1  }
0x8a: {  	s1 =	srdreg.scid  }
0x8b: {  	s0 =	sand.u32 $0x1, s1  }
0x8c: {  	s17 =	sshll.u32 s0, $0xA;
	s2 =	sadd.s32 s3, s2  }
0x8d: {  	s2 =	sadd.s32 s2, s17  }
0x8e: {  	[smem:$0x3FC2] =	sst s2  }
0x8f: {  	_ = 	snop  }
0x90: {  	s2 =	sld [smem:$0x3FD0];
	(tm) =	ssettm $0x1  }
0x91: {  	s18 =	sld [smem:$0x3FFB];
	_ =	sdelay $0x3  }
0x92: {  	_ =	strace s18  }
0x93: {  	s3 =	sld [smem:$0x3FFC];
	_ =	sdelay $0x3  }
0x94: {  	_ =	strace s3  }
0x95: {  	s3 =	sld [smem:$0x3FFD];
	_ =	sdelay $0x3  }
0x96: {  	_ =	strace s3  }
0x97: {  	_ =	strace $0x8FFFFFFF  }
0x98: {  	s19 =	sld [smem:$0x3FDB];
	_ =	sdelay $0x1  }
0x99: {  	s4 =	simm.s32 $_scs_section_size  }
0x9a: {  	s5 =	simm.s32 $_size__tile_overlayer_lowered;
	s6 =	simm.s32 $_tile_overlayer_lowered  }
0x9b: {  	s22 =	simm.s32 $0x1BFF;
	s21 =	sshll.u32 s6, $0x1;
	s3 =	sadd.s32 s4, s19  }
0x9c: {  	s7 =	simm.s32 $0x0;
	s20 =	sshll.u32 s5, $0x1;
	s5 =	sadd.s32 s21, s3  }
0x9d: {  	[timem:s7], [sflag:s22] =	dma.local [hbm:s5], s20  }
0x9e: {  	_ =	swait.ge [sflag:s22], s20  }
0x9f: {  	s4 =	ssub.s32 $0x0, s20;
	[sflag:s22] =	ssyncset.done $0x0  }
0xa0: {  	[sflag:s22] =	ssyncadd.s32 s4;
	_ =	sdelay $0x1  }
0xa1: {  	s23 =	simm.s32 $0x1B8B  }
0xa2: {  	_ =	swait.ge [sflag:s23], $0x1  }
0xa3: {  	[sflag:s23] =	ssyncset.done $0x0  }
0xa4: {  	s25 =	simm.s32 $0x1B8E;
	s24 =	sld [smem:$0x3FFE];
	[sflag:s23] =	ssyncadd.s32 $0xFFFFFFFF  }
0xa5: {  	s26 =	simm.s32 $execute0_lowered;
	[smem:$0x3FD2] =	sst s25  }
0xa6: {  	s5 =	sshll.u32 s26, $0x1;
	_ =	strace $0x8000004C;
	[dreg:$0x1] =	wrdreg $0xFFFFFFFF  }
0xa7: {  	s28 =	simm.s32 $_size_execute0_lowered;
	s3 =	sadd.s32 s3, s5;
	[dreg:$0x0] =	wrdreg $0x0  }
0xa8: {  	s5 =	sshll.u32 s28, $0x1;
	[dreg:$0x2] =	wrdreg s3  }
0xa9: {  	[dreg:$0x3] =	wrdreg s5  }
0xaa: {  	[dreg:$0x4] =	wrdreg $0xC0  }
0xab: {  	_ =	task [dreg:s7], $0x5FFFF  }
0xac: {  	[dreg:$0x1] =	wrdreg $0xFFFFFFFF  }
0xad: {  	[dreg:$0x0] =	wrdreg $0x60  }
0xae: {  	[dreg:$0x2] =	wrdreg s24  }
0xaf: {  	[dreg:$0x3] =	wrdreg s2  }
0xb0: {  	[dreg:$0x4] =	wrdreg $0x8F000  }
0xb1: {  	[dreg:$0x5] =	wrdreg $0x9  }
0xb2: {  	_ =	task.clear_ibuf [dreg:s7], $0x6FFFF;
	_ =	strace $0x9000004C  }
0xb3: {  	s29 =	simm.s32 $0x9;
	_ =	strace $0x8000004E  }
0xb4: {  	_ =	swait.ge [sflag:s29], $0x1  }
0xb5: {  	[sflag:s29] =	ssyncadd.s32 $0xFFFFFFFF  }
0xb6: {  	_ =	strace $0x9000004E  }
0xb7: {  	_ =	sfence  }
0xb8: {  	s30 =	sld [smem:$0x0];
	_ =	sdelay $0x2  }
0xb9: {  	s31 =	sshll.u32 s1, $0xD;
	s1 =	sshrl.u32 s1, $0x2  }
0xba: {  	s3 =	sand.u32 $0x4000, s31;
	s1 =	sadd.s32 s1, s30  }
0xbb: {  	s0 =	sor.u32 s3, s0;
	s1 =	sshll.u32 s1, $0x11  }
0xbc: {  	s0 =	sor.u32 s1, s0  }
0xbd: {  	s0 =	sadd.s32 $0x8F2B, s0  }
0xbe: {  	[sflag:s0] =	ssyncadd.remote.s32 $0x1  }
0xbf: {  	_ =	sfence.sel $0xFFFF  }
0xc0: {  	[dreg:$0x0] =	wrdreg $0xFFFFFFFF;
	(pc) =	sbr.abs _section_cstart, $3  }
0xc1: {  	[dreg:$0x1] =	wrdreg $0xFFFFFFFF  }
0xc2: {  	_ =	task.clear_ibuf [dreg:s7], $0x2FFFF;
	_ =	strace $0x9FFFFFFF  }
0xc3: {  	(tm) =	ssettm $0x7FFFFFFF  }
tec
execute0_lowered:
.L_overlay_start_1:
0x0: {  	(tag) =	ssettag $0x1  }
0x1: {  	s6 =	rddreg [dreg:$0x0]  }
0x2: {  	s10 =	rddreg [dreg:$0x1]  }
0x3: {  	s0 =	srdreg.scid;
	s2 =	rddreg [dreg:$0x2]  }
0x4: {  	s3 =	simm.s32 $0x0;
	s15 =	simm.s32 $0x3;
	s16 =	simm.s32 $0x2780  }
0x5: {  	s17 =	simm.s32 $0x80;
	s18 =	simm.s32 $0x1;
	s19 =	simm.s32 $0x6F00  }
0x6: {  	s20 =	simm.s32 $0x2;
	s5 =	sand.u32 $0x1, s0;
	s0 =	stileid.u32  }
0x7: {  	s21 =	simm.s32 $0x4E80;
	[smem:$0x7FF] =	sst s3;
	s7 =	smul.u32 $0xA000, s0  }
0x8: {  	s4 =	sadd.s32 $0xBA00, s6;
	s1 =	sshll.u32 s5, $0x4;
	s8 =	smul.u32 $0xA0000, s5  }
0x9: {  	s9 =	smul.u32 $0x28000, s0;
	s5 =	ssub.s32 $0x2, s5;
	s1 =	sor.u32 s0, s1  }
0xa: {  	s31 =	sshrl.u32 s5, $0x1;
	s11 =	smul.u32 $0x4F0, s1;
	s1 =	rddreg [dreg:$0x3]  }
0xb: {  	_ =	strace $0x8000004D;
	s8 =	sadd.s32 s7, s8;
	s9 =	sshrl.u32 s9, $0x2  }
0xc: {  	s14 =	ssub.s32 s5, s31;
	s5 =	sadd.s32 s7, s2;
	s8 =	sshrl.u32 s8, $0x3  }
0xd: {  	s9 =	sadd.s32 s9, s2;
	s12 =	sadd.s32 s11, s6;
	s13 =	sadd.s32 s8, s6  }
0xe: {  	s6 =	sadd.s32 $0x2000, s9;
	s7 =	sadd.s32 $0x4000, s9;
	s8 =	sadd.s32 $0x6000, s9  }
0xf: {  	s9 =	sadd.s32 $0x8000, s9;
	s10 =	sadd.s32 s10, s11;
	s11 =	sadd.s32 $0x1C00, s12  }
0x10: {  	v0 =	vimm.f32 $0.0e+00;
	s12 =	sadd.s32 $0x1FA00, s13;
	s13 =	smax.u32 s14, $0x1;
	s14 =	simm.s32 $0x4F00  }
.LBB2_1:
0x11: {  	s23 =	simm.s32 $0x100;
	s22 =	simm.s32 $0x0  }
.LBB2_2:
0x12: {  	p0 =	sne.s32 s23, $0x7F00;
	[tilespmem:s22+$0x4F30] =	vst v0;
	s24 =	smov.u32 s23;
	s23 =	sadd.s32 $0x100, s23  }
.Ltmp0:
0x13: {  	[tilespmem:s22+$0x4F20] =	vst v0;
	(pc) =	sbr.rel @p0 .LBB2_2-.Ltmp0, $3  }
0x14: {  	[tilespmem:s22+$0x4F00] =	vst v0  }
0x15: {  	[tilespmem:s22+$0x4F10] =	vst v0;
	_ =	sdelay $0x1  }
0x16: {  	s22 =	sshra.s32 s24, $0x2  }
0x17: {  	[tilespmem:s22+$0x4F30] =	vst v0  }
0x18: {  	[tilespmem:s22+$0x4F20] =	vst v0  }
0x19: {  	[tilespmem:s22+$0x4F00] =	vst v0  }
0x1a: {  	[tilespmem:s22+$0x4F10] =	vst v0  }
0x1b: {  	[spmem:s5] =	stream.linear.scatter [tilespmem:s14], [sflag:$0x3], $0x2000, $0x38;
	[tilespmem:$0x12F00] =	vst v63  }
0x1c: {  	_ =	swait.ge [sflag:s15], $0x2000  }
0x1d: {  	[sflag:s15] =	ssyncset.done $0x0  }
0x1e: {  	[sflag:s15] =	ssyncadd.s32 $0xFFFFE000  }
0x1f: {  	[spmem:s6] =	stream.linear.scatter [tilespmem:s14], [sflag:$0x3], $0x2000, $0x38;
	[tilespmem:$0x12F00] =	vst v63  }
0x20: {  	_ =	swait.ge [sflag:s15], $0x2000  }
0x21: {  	[sflag:s15] =	ssyncset.done $0x0  }
0x22: {  	[sflag:s15] =	ssyncadd.s32 $0xFFFFE000  }
0x23: {  	[spmem:s7] =	stream.linear.scatter [tilespmem:s14], [sflag:$0x3], $0x2000, $0x38;
	[tilespmem:$0x12F00] =	vst v63  }
0x24: {  	_ =	swait.ge [sflag:s15], $0x2000  }
0x25: {  	[sflag:s15] =	ssyncset.done $0x0  }
0x26: {  	[sflag:s15] =	ssyncadd.s32 $0xFFFFE000  }
0x27: {  	[spmem:s8] =	stream.linear.scatter [tilespmem:s14], [sflag:$0x3], $0x2000, $0x38;
	[tilespmem:$0x12F00] =	vst v63  }
0x28: {  	_ =	swait.ge [sflag:s15], $0x2000  }
0x29: {  	[sflag:s15] =	ssyncset.done $0x0  }
0x2a: {  	[sflag:s15] =	ssyncadd.s32 $0xFFFFE000  }
0x2b: {  	[spmem:s9] =	stream.linear.scatter [tilespmem:s14], [sflag:$0x3], $0x2000, $0x38;
	[tilespmem:$0x12F00] =	vst v63  }
0x2c: {  	_ =	swait.ge [sflag:s15], $0x2000  }
0x2d: {  	[sflag:s15] =	ssyncset.done $0x0  }
0x2e: {  	s26 =	simm.s32 $0x0;
	[sflag:s15] =	ssyncadd.s32 $0xFFFFE000  }
0x2f: {  	[tilespmem:s26], [sflag:$0x3] =	stream.linear.gather [hbm4b:s10+s26], $0x2780, $0x38;
	[tilespmem:$0x12F00] =	vst v63  }
0x30: {  	_ =	swait.ge [sflag:s15], $0x2780  }
0x31: {  	[sflag:s15] =	ssyncset.done $0x0  }
0x32: {  	[sflag:s15] =	ssyncadd.s32 $0xFFFFD880  }
0x33: {  	[tilespmem:s16], [sflag:$0x3] =	stream.linear.gather [hbm4b:s11+s26], $0x2780, $0x38;
	[tilespmem:$0x12F00] =	vst v63  }
0x34: {  	_ =	swait.ge [sflag:s15], $0x2780  }
0x35: {  	[sflag:s15] =	ssyncset.done $0x0  }
0x36: {  	[sflag:s15] =	ssyncadd.s32 $0xFFFFD880  }
0x37: {  	[bflag:$0x0] =	sbarrier.arrive $0xFFFF  }
0x38: {  	[tilespmem:s14], [sflag:$0x1] =	stream.indirect.gather [hbm4b:s4+s17], $0x40, s26, s17, $0xb8;
	[tilespmem:$0x12F00] =	vst v63  }
0x39: {  	_ =	swait.ge [sflag:s18], $0x2000  }
0x3a: {  	[sflag:s18] =	ssyncset.done $0x0  }
0x3b: {  	s28 =	simm.s32 $0x80;
	[sflag:s18] =	ssyncadd.s32 $0xFFFFE000  }
0x3c: {  	[tilespmem:s19], [sflag:$0x2] =	stream.indirect.gather [hbm4b:s4+s17], $0x40, s28, s17, $0xb8;
	[tilespmem:$0x12F00] =	vst v63  }
0x3d: {  	s29 =	simm.s32 $0x2780  }
0x3e: {  	[spmem:s2] =	stream.indirect.scatter.add.f32 [tilespmem:s14], [sflag:$0x3], $0x40, s29, s17, $0xb8;
	[tilespmem:$0x12F00] =	vst v63  }
0x3f: {  	_ =	swait.ge [sflag:s15], $0x2000  }
0x40: {  	[sflag:s15] =	ssyncset.done $0x0  }
0x41: {  	[sflag:s15] =	ssyncadd.s32 $0xFFFFE000  }
0x42: {  	_ =	swait.ge [sflag:s20], $0x2000  }
0x43: {  	[sflag:s20] =	ssyncset.done $0x0  }
0x44: {  	s30 =	simm.s32 $0x100;
	[sflag:s20] =	ssyncadd.s32 $0xFFFFE000  }
0x45: {  	[tilespmem:s14], [sflag:$0x1] =	stream.indirect.gather [hbm4b:s4+s17], $0x40, s30, s17, $0xb8;
	[tilespmem:$0x12F00] =	vst v63  }
0x46: {  	s31 =	simm.s32 $0x2800  }
0x47: {  	[spmem:s2] =	stream.indirect.scatter.add.f32 [tilespmem:s19], [sflag:$0x3], $0x40, s31, s17, $0xb8;
	[tilespmem:$0x12F00] =	vst v63  }
0x48: {  	_ =	swait.ge [sflag:s15], $0x2000  }
0x49: {  	s22 =	simm.s32 $0x400;
	[sflag:s15] =	ssyncset.done $0x0  }
.LBB2_4:
0x4a: {  	p0 =	sne.s32 s22, $0x9800  }
0x4b: {  	[sflag:s15] =	ssyncadd.s32 $0xFFFFE000;
	s23 =	smov.u32 s22;
	s22 =	sadd.s32 $0x400, s22  }
0x4c: {  	_ = 	snop  }
0x4d: {  	_ =	swait.ge [sflag:s18], $0x2000  }
0x4e: {  	s23 =	sshra.s32 s23, $0x2;
	[sflag:s18] =	ssyncset.done $0x0  }
0x4f: {  	s24 =	sadd.s32 $0x80, s23;
	[sflag:s18] =	ssyncadd.s32 $0xFFFFE000  }
0x50: {  	[tilespmem:s19], [sflag:$0x2] =	stream.indirect.gather [hbm4b:s4+s17], $0x40, s24, s17, $0xb8;
	[tilespmem:$0x12F00] =	vst v63  }
0x51: {  	s24 =	sadd.s32 $0x2780, s23  }
0x52: {  	[spmem:s2] =	stream.indirect.scatter.add.f32 [tilespmem:s14], [sflag:$0x3], $0x40, s24, s17, $0xb8;
	[tilespmem:$0x12F00] =	vst v63  }
0x53: {  	_ =	swait.ge [sflag:s15], $0x2000  }
0x54: {  	[sflag:s15] =	ssyncset.done $0x0  }
0x55: {  	[sflag:s15] =	ssyncadd.s32 $0xFFFFE000  }
0x56: {  	_ =	swait.ge [sflag:s20], $0x2000  }
0x57: {  	[sflag:s20] =	ssyncset.done $0x0  }
0x58: {  	s24 =	sadd.s32 $0x100, s23;
	[sflag:s20] =	ssyncadd.s32 $0xFFFFE000  }
0x59: {  	[tilespmem:s14], [sflag:$0x1] =	stream.indirect.gather [hbm4b:s4+s17], $0x40, s24, s17, $0xb8;
	[tilespmem:$0x12F00] =	vst v63  }
.Ltmp1:
0x5a: {  	_ = 	snop;
	(pc) =	sbr.rel @p0 .LBB2_4-.Ltmp1, $4  }
0x5b: {  	s23 =	sadd.s32 $0x2800, s23  }
0x5c: {  	[spmem:s2] =	stream.indirect.scatter.add.f32 [tilespmem:s19], [sflag:$0x3], $0x40, s23, s17, $0xb8;
	[tilespmem:$0x12F00] =	vst v63  }
0x5d: {  	_ =	swait.ge [sflag:s15], $0x2000  }
0x5e: {  	[sflag:s15] =	ssyncset.done $0x0  }
0x5f: {  	[sflag:s15] =	ssyncadd.s32 $0xFFFFE000  }
0x60: {  	_ =	swait.ge [sflag:s18], $0x2000  }
0x61: {  	[sflag:s18] =	ssyncset.done $0x0  }
0x62: {  	[sflag:s18] =	ssyncadd.s32 $0xFFFFE000  }
0x63: {  	[spmem:s2] =	stream.indirect.scatter.add.f32 [tilespmem:s14], [sflag:$0x3], $0x40, s21, s17, $0xb8;
	[tilespmem:$0x12F00] =	vst v63  }
0x64: {  	_ =	swait.ge [sflag:s15], $0x2000  }
0x65: {  	s22 =	sshll.u32 s0, $0x6;
	s3 =	sadd.s32 $0x1, s3;
	[sflag:s15] =	ssyncset.done $0x0  }
0x66: {  	s23 =	sshrl.u32 s5, $0x3;
	p0 =	sne.s32 s3, s13;
	[sflag:s15] =	ssyncadd.s32 $0xFFFFE000  }
.Ltmp2:
0x67: {  	s22 =	sor.u32 $0x1C03, s22;
	[bflag:$0x0] =	sbarrier.arrive $0xFFFF;
	(pc) =	sbr.rel @p0 .LBB2_1-.Ltmp2, $4  }
0x68: {  	[hbm:s12], [sflag:s22] =	dma.local [spmem:s23], $0x1400  }
0x69: {  	_ =	swait.ge [sflag:s15], $0x1400  }
0x6a: {  	[sflag:s15] =	ssyncset.done $0x0  }
0x6b: {  	[sflag:s15] =	ssyncadd.s32 $0xFFFFEC00  }
0x6c: {  	_ =	sfence.sel $0x180000  }
0x6d: {  	[bflag:$0x0] =	sbarrier.arrive $0xFFFF  }
0x6e: {  	p0 =	sne.s32 s0, $0x0;
	_ =	strace $0x9000004D  }
0x6f: {  	s0 =	sadd.s32 @!p0 $0x100000, s1;
	[bflag:$0x2] =	sbarrier.arrive $0xFFFF  }
0x70: {  	[sflag:s0] =	ssyncadd.tile.s32 @!p0 $0x1;
	_ =	shalt  }
.Lfunc_end2:
_tile_overlayer_lowered:
.L_overlay_start_2:
0x71: {  	(tag) =	ssettag $0x2  }
0x72: {  	s0 =	rddreg [dreg:$0x0];
	s2 =	stileid.u32  }
0x73: {  	s1 =	rddreg [dreg:$0x1];
	p0 =	sne.s32 s2, $0x0  }
0x74: {  	s3 =	rddreg [dreg:$0x2];
	[bflag:$0x3] =	sbarrier.arrive $0xFFFF;
	s2 =	simm.s32 @!p0 $0x1C03  }
0x75: {  	[timem:s3], [sflag:s2] =	dma.local @!p0 [hbm:s0], s1  }
0x76: {  	s0 =	simm.s32 @!p0 $0x3  }
0x77: {  	_ =	swait.ge @!p0 [sflag:s0], s1  }
0x78: {  	s1 =	ssub.s32 @!p0 $0x0, s1;
	[sflag:s0] =	ssyncset.done @!p0 $0x0  }
0x79: {  	[sflag:s0] =	ssyncadd.s32 @!p0 s1  }
0x7a: {  	[bflag:$0x3] =	sbarrier.arrive $0xFFFF  }
0x7b: {  	_ =	shalt  }

// kernel: kernel.8.cloned.1.call-start
scs
__scs_entry_jumppad:
0x0: {  	(pc) =	sbr.rel $0x88, $3  }
0x1: {  	(tag) =	ssettag $0x0;
	lr =	simm.s32 $0x1  }
0x2: {  	[smem:$0x3F9B] =	sst lr;
	_ =	strace $0xD0000000  }
0x3: {  	_ = 	snop  }
0x4: {  	_ = 	snop  }
0x5: {  	_ = 	snop  }
0x6: {  	_ = 	snop  }
0x7: {  	_ = 	snop  }
__scs_overlays_trampoline_lowered:
0x8: {  	[smem:$0x3FAA] =	sst s0  }
0x9: {  	[smem:$0x3FAB] =	sst s1  }
0xa: {  	[smem:$0x3FAC] =	sst s2  }
0xb: {  	[smem:$0x3FAD] =	sst s3  }
0xc: {  	[smem:$0x3FAE] =	sst s4  }
0xd: {  	[smem:$0x3FAF] =	sst s5  }
0xe: {  	[smem:$0x3FB0] =	sst s6  }
0xf: {  	[smem:$0x3FB1] =	sst s7  }
0x10: {  	[smem:$0x3FB2] =	sst s8  }
0x11: {  	[smem:$0x3FB3] =	sst s9;
	s0 =	simm.s32 @!p0 $0x0  }
0x12: {  	s1 =	sld [smem:$0x3F99];
	s0 =	simm.s32 @p0 $0x1  }
0x13: {  	[smem:$0x3FB4] =	sst s0;
	s0 =	simm.s32 @!p1 $0x0  }
0x14: {  	s2 =	sld [smem:$0x3F98];
	s0 =	simm.s32 @p1 $0x1  }
0x15: {  	[smem:$0x3FB5] =	sst s0;
	s0 =	simm.s32 @!p2 $0x0  }
0x16: {  	s3 =	sld [smem:$0x3FDB];
	s0 =	simm.s32 @p2 $0x1  }
0x17: {  	s4 =	simm.s32 $0x1BF5;
	[smem:$0x3FB7] =	sst s0  }
0x18: {  	s0 =	sld [smem:$0x3F9A];
	_ =	swait.ge [sflag:s4], $0x0  }
0x19: {  	s7 =	sld [smem:$0x3F9B]  }
0x1a: {  	s8 =	sadd.s32 $0xFFFFE003, lr  }
0x1b: {  	s9 =	sadd.s32 $0xFFFFFEF7, lr;
	s5 =	simm.s32 $0xFFFFFFFF;
	p2 =	slt.u32 s8, $0xFFFFF086  }
0x1c: {  	p1 =	slt.u32 s9, $0xF7A;
	s5 =	simm.s32 @!p2 $0x0  }
0x1d: {  	s5 =	simm.s32 @p1 $0x1;
	p0 =	seq.s32 s7, s2  }
0x1e: {  	s7 =	smul.u32 @!p0 $0xF7A, s2;
	p2 =	seq.s32 @!p0 s5, $0x0  }
0x1f: {  	s9 =	smul.u32 $0xF7A, s1;
	s8 =	simm.s32 @!p0 $0x1BF5;
	p2 =	por !p2, p0  }
0x20: {  	[sflag:s8] =	ssyncset.s32 @!p0 $0xFFFFF086;
	s6 =	sadd.s32 @!p0 s3, s7;
	s7 =	simm.s32 @!p0 $0x108  }
0x21: {  	s3 =	sadd.s32 s3, s9;
	s6 =	sadd.s32 @!p0 $0x88, s6;
	s7 =	simm.s32 @p2 $0x1082  }
0x22: {  	[simem:s7], [sflag:s8] =	dma.local @!p0 [hbm:s6], $0xF7A  }
0x23: {  	s9 =	sor.u32 $0xD0000000, s2;
	s6 =	simm.s32 $0x108;
	_ =	swait.ge @!p0 [sflag:s8], $0x0  }
0x24: {  	s3 =	sadd.s32 $0x88, s3;
	s6 =	simm.s32 @!p1 $0x1082;
	[sflag:s4] =	ssyncset.s32 $0xFFFFF086  }
0x25: {  	[simem:s6], [sflag:s4] =	dma.local [hbm:s3], $0xF7A  }
0x26: {  	[smem:$0x3F9B] =	sst s1;
	(tag) =	ssettag s2;
	_ =	strace s9  }
0x27: {  	s1 =	sld [smem:$0x3FAB]  }
0x28: {  	s2 =	sld [smem:$0x3FAC]  }
0x29: {  	s4 =	sld [smem:$0x3FAE]  }
0x2a: {  	p0 =	seq.s32 s5, $0x0;
	s5 =	sld [smem:$0x3FAF]  }
0x2b: {  	s6 =	sld [smem:$0x3FB0]  }
0x2c: {  	s7 =	sld [smem:$0x3FB1]  }
0x2d: {  	s3 =	simm.s32 $0x108;
	s8 =	sld [smem:$0x3FB2]  }
0x2e: {  	s3 =	simm.s32 @!p0 $0x1082;
	s9 =	sld [smem:$0x3FB3]  }
0x2f: {  	lr =	sadd.s32 s0, s3;
	s0 =	sld [smem:$0x3FAA]  }
0x30: {  	s3 =	sld [smem:$0x3FAD]  }
0x31: {  	[smem:$0x3FB6] =	sst s10  }
0x32: {  	s10 =	sld [smem:$0x3FB4];
	_ =	sdelay $0x3  }
0x33: {  	p0 =	seq.s32 s10, $0x1;
	s10 =	sld [smem:$0x3FB6];
	_ =	sdelay $0x3  }
0x34: {  	[smem:$0x3FB6] =	sst s10  }
0x35: {  	s10 =	sld [smem:$0x3FB5];
	_ =	sdelay $0x3  }
0x36: {  	p1 =	seq.s32 s10, $0x1;
	s10 =	sld [smem:$0x3FB6];
	_ =	sdelay $0x3  }
0x37: {  	[smem:$0x3FB6] =	sst s10  }
0x38: {  	s10 =	sld [smem:$0x3FB7]  }
0x39: {  	_ = 	snop;
	(pc) =	sbr.ind lr, $3  }
0x3a: {  	_ = 	snop  }
0x3b: {  	_ = 	snop  }
0x3c: {  	p2 =	seq.s32 s10, $0x1;
	s10 =	sld [smem:$0x3FB6]  }
0x3d: {  	_ =	shalt  }
0x3e: {  	_ =	shalt  }
0x3f: {  	_ =	shalt  }
0x40: {  	_ =	shalt  }
0x41: {  	_ =	shalt  }
0x42: {  	_ =	shalt  }
0x43: {  	_ =	shalt  }
0x44: {  	_ =	shalt  }
0x45: {  	_ =	shalt  }
0x46: {  	_ =	shalt  }
0x47: {  	_ =	shalt  }
0x48: {  	_ =	shalt  }
0x49: {  	_ =	shalt  }
0x4a: {  	_ =	shalt  }
0x4b: {  	_ =	shalt  }
0x4c: {  	_ =	shalt  }
0x4d: {  	_ =	shalt  }
0x4e: {  	_ =	shalt  }
0x4f: {  	_ =	shalt  }
0x50: {  	_ =	shalt  }
0x51: {  	_ =	shalt  }
0x52: {  	_ =	shalt  }
0x53: {  	_ =	shalt  }
0x54: {  	_ =	shalt  }
0x55: {  	_ =	shalt  }
0x56: {  	_ =	shalt  }
0x57: {  	_ =	shalt  }
0x58: {  	_ =	shalt  }
0x59: {  	_ =	shalt  }
0x5a: {  	_ =	shalt  }
0x5b: {  	_ =	shalt  }
0x5c: {  	_ =	shalt  }
0x5d: {  	_ =	shalt  }
0x5e: {  	_ =	shalt  }
0x5f: {  	_ =	shalt  }
0x60: {  	_ =	shalt  }
0x61: {  	_ =	shalt  }
0x62: {  	_ =	shalt  }
0x63: {  	_ =	shalt  }
0x64: {  	_ =	shalt  }
0x65: {  	_ =	shalt  }
0x66: {  	_ =	shalt  }
0x67: {  	_ =	shalt  }
0x68: {  	_ =	shalt  }
0x69: {  	_ =	shalt  }
0x6a: {  	_ =	shalt  }
0x6b: {  	_ =	shalt  }
0x6c: {  	_ =	shalt  }
0x6d: {  	_ =	shalt  }
0x6e: {  	_ =	shalt  }
0x6f: {  	_ =	shalt  }
0x70: {  	_ =	shalt  }
0x71: {  	_ =	shalt  }
0x72: {  	_ =	shalt  }
0x73: {  	_ =	shalt  }
0x74: {  	_ =	shalt  }
0x75: {  	_ =	shalt  }
0x76: {  	_ =	shalt  }
0x77: {  	_ =	shalt  }
0x78: {  	_ =	shalt  }
0x79: {  	_ =	shalt  }
0x7a: {  	_ =	shalt  }
0x7b: {  	_ =	shalt  }
0x7c: {  	_ =	shalt  }
0x7d: {  	_ =	shalt  }
0x7e: {  	_ =	shalt  }
0x7f: {  	_ =	shalt  }
0x80: {  	_ =	shalt  }
0x81: {  	_ =	shalt  }
0x82: {  	_ =	shalt  }
0x83: {  	_ =	shalt  }
0x84: {  	_ =	shalt  }
0x85: {  	_ =	shalt  }
0x86: {  	_ =	shalt  }
0x87: {  	_ =	shalt  }
.Lfunc_end0:
.L_simem_size_0:
called_computation_lowered:
.L_overlay_start_0:
0x88: {  	s2 =	sld [smem:$0x3FD9]  }
0x89: {  	s3 =	sld [smem:$0x3FFE];
	_ =	sdelay $0x1  }
0x8a: {  	s1 =	srdreg.scid  }
0x8b: {  	s0 =	sand.u32 $0x1, s1  }
0x8c: {  	s17 =	sshll.u32 s0, $0xA;
	s2 =	sadd.s32 s3, s2  }
0x8d: {  	s2 =	sadd.s32 s2, s17  }
0x8e: {  	[smem:$0x3FC2] =	sst s2  }
0x8f: {  	_ = 	snop  }
0x90: {  	s2 =	sld [smem:$0x3FD0];
	(tm) =	ssettm $0x1  }
0x91: {  	s18 =	sld [smem:$0x3FFB];
	_ =	sdelay $0x3  }
0x92: {  	_ =	strace s18  }
0x93: {  	s3 =	sld [smem:$0x3FFC];
	_ =	sdelay $0x3  }
0x94: {  	_ =	strace s3  }
0x95: {  	s3 =	sld [smem:$0x3FFD];
	_ =	sdelay $0x3  }
0x96: {  	_ =	strace s3  }
0x97: {  	_ =	strace $0x8FFFFFFF  }
0x98: {  	s19 =	sld [smem:$0x3FDB];
	_ =	sdelay $0x1  }
0x99: {  	s4 =	simm.s32 $_scs_section_size  }
0x9a: {  	s5 =	simm.s32 $_size__tile_overlayer_lowered;
	s6 =	simm.s32 $_tile_overlayer_lowered  }
0x9b: {  	s22 =	simm.s32 $0x1BFF;
	s21 =	sshll.u32 s6, $0x1;
	s3 =	sadd.s32 s4, s19  }
0x9c: {  	s7 =	simm.s32 $0x0;
	s20 =	sshll.u32 s5, $0x1;
	s5 =	sadd.s32 s21, s3  }
0x9d: {  	[timem:s7], [sflag:s22] =	dma.local [hbm:s5], s20  }
0x9e: {  	_ =	swait.ge [sflag:s22], s20  }
0x9f: {  	s4 =	ssub.s32 $0x0, s20;
	[sflag:s22] =	ssyncset.done $0x0  }
0xa0: {  	[sflag:s22] =	ssyncadd.s32 s4;
	_ =	sdelay $0x1  }
0xa1: {  	s23 =	simm.s32 $0x1B8B  }
0xa2: {  	_ =	swait.ge [sflag:s23], $0x1  }
0xa3: {  	[sflag:s23] =	ssyncset.done $0x0  }
0xa4: {  	s25 =	simm.s32 $0x1B8E;
	s24 =	sld [smem:$0x3FFE];
	[sflag:s23] =	ssyncadd.s32 $0xFFFFFFFF  }
0xa5: {  	s26 =	simm.s32 $execute0_lowered;
	[smem:$0x3FD2] =	sst s25  }
0xa6: {  	s5 =	sshll.u32 s26, $0x1;
	_ =	strace $0x80000046;
	[dreg:$0x1] =	wrdreg $0xFFFFFFFF  }
0xa7: {  	s28 =	simm.s32 $_size_execute0_lowered;
	s3 =	sadd.s32 s3, s5;
	[dreg:$0x0] =	wrdreg $0x0  }
0xa8: {  	s5 =	sshll.u32 s28, $0x1;
	[dreg:$0x2] =	wrdreg s3  }
0xa9: {  	[dreg:$0x3] =	wrdreg s5  }
0xaa: {  	[dreg:$0x4] =	wrdreg $0xC0  }
0xab: {  	_ =	task [dreg:s7], $0x5FFFF  }
0xac: {  	[dreg:$0x1] =	wrdreg $0xFFFFFFFF  }
0xad: {  	[dreg:$0x0] =	wrdreg $0x60  }
0xae: {  	[dreg:$0x2] =	wrdreg s2  }
0xaf: {  	[dreg:$0x3] =	wrdreg s24  }
0xb0: {  	[dreg:$0x4] =	wrdreg $0x52000  }
0xb1: {  	[dreg:$0x5] =	wrdreg $0x54800  }
0xb2: {  	[dreg:$0x6] =	wrdreg $0x9  }
0xb3: {  	_ =	task.clear_ibuf [dreg:s7], $0x7FFFF;
	_ =	strace $0x90000046  }
0xb4: {  	s29 =	simm.s32 $0x9;
	_ =	strace $0x80000048  }
0xb5: {  	_ =	swait.ge [sflag:s29], $0x1  }
0xb6: {  	[sflag:s29] =	ssyncadd.s32 $0xFFFFFFFF  }
0xb7: {  	_ =	strace $0x90000048  }
0xb8: {  	_ =	sfence  }
0xb9: {  	s30 =	sld [smem:$0x0];
	_ =	sdelay $0x2  }
0xba: {  	s31 =	sshll.u32 s1, $0xD;
	s1 =	sshrl.u32 s1, $0x2  }
0xbb: {  	s3 =	sand.u32 $0x4000, s31;
	s1 =	sadd.s32 s1, s30  }
0xbc: {  	s0 =	sor.u32 s3, s0;
	s1 =	sshll.u32 s1, $0x11  }
0xbd: {  	s0 =	sor.u32 s1, s0  }
0xbe: {  	s0 =	sadd.s32 $0x8F2B, s0  }
0xbf: {  	[sflag:s0] =	ssyncadd.remote.s32 $0x1  }
0xc0: {  	_ =	sfence.sel $0xFFFF  }
0xc1: {  	[dreg:$0x0] =	wrdreg $0xFFFFFFFF;
	(pc) =	sbr.abs _section_cstart, $3  }
0xc2: {  	[dreg:$0x1] =	wrdreg $0xFFFFFFFF  }
0xc3: {  	_ =	task.clear_ibuf [dreg:s7], $0x2FFFF;
	_ =	strace $0x9FFFFFFF  }
0xc4: {  	(tm) =	ssettm $0x7FFFFFFF  }
0xc5: {  	_ =	shalt  }
tec
execute0_lowered:
.L_overlay_start_1:
0x0: {  	(tag) =	ssettag $0x1  }
0x1: {  	s7 =	rddreg [dreg:$0x0]  }
0x2: {  	s5 =	rddreg [dreg:$0x1]  }
0x3: {  	s1 =	srdreg.scid;
	s2 =	rddreg [dreg:$0x2]  }
0x4: {  	s0 =	stileid.u32;
	s3 =	rddreg [dreg:$0x3];
	s4 =	simm.s32 $0x0  }
0x5: {  	s13 =	simm.s32 $0x1;
	s14 =	simm.s32 $0x2780;
	s15 =	simm.s32 $0x80  }
0x6: {  	s16 =	simm.s32 $0x4F00;
	s6 =	sand.u32 $0x1, s1;
	s1 =	rddreg [dreg:$0x4]  }
0x7: {  	s20 =	simm.s32 $0x0;
	s8 =	smul.u32 $0x280, s0;
	[smem:$0x7FF] =	sst s4  }
0x8: {  	s17 =	sshll.u32 s0, $0x6;
	s9 =	sshll.u32 s6, $0x4;
	s10 =	smul.u32 $0x5000, s6  }
0x9: {  	_ =	strace $0x80000047;
	s6 =	ssub.s32 $0x2, s6;
	s9 =	sor.u32 s0, s9  }
0xa: {  	s17 =	sor.u32 $0x1C01, s17;
	s31 =	sshrl.u32 s6, $0x1;
	s9 =	smul.u32 $0x4F0, s9  }
0xb: {  	s10 =	sadd.s32 s8, s10;
	s12 =	ssub.s32 s6, s31;
	s6 =	sadd.s32 s8, s3  }
0xc: {  	s10 =	sshrl.u32 s10, $0x3;
	s19 =	sshrl.u32 s6, $0x3;
	s11 =	sadd.s32 s9, s5  }
0xd: {  	s10 =	sadd.s32 s10, s5;
	s5 =	sadd.s32 s8, s2;
	s7 =	sadd.s32 s7, s9  }
0xe: {  	s8 =	sadd.s32 $0x1C00, s11;
	s9 =	sadd.s32 $0xBA00, s10;
	s10 =	sadd.s32 $0xBF00, s10  }
0xf: {  	v0 =	vimm.f32 $0.0e+00;
	v1 =	vimm.f32 $1.000000000e+00;
	s11 =	smax.u32 s12, $0x1;
	s12 =	simm.s32 $0x4F80;
	s18 =	sshrl.u32 s5, $0x3  }
.LBB2_1:
0x10: {  	[tilespmem:$0x4F80] =	vst v0  }
0x11: {  	[tilespmem:$0x4F90] =	vst v0  }
0x12: {  	[tilespmem:$0x4FA0] =	vst v0  }
0x13: {  	[tilespmem:$0x4FB0] =	vst v0  }
0x14: {  	[tilespmem:$0x4FC0] =	vst v0  }
0x15: {  	[tilespmem:$0x4FD0] =	vst v0  }
0x16: {  	[tilespmem:$0x4FE0] =	vst v0  }
0x17: {  	[tilespmem:$0x4FF0] =	vst v0  }
0x18: {  	[tilespmem:$0x5000] =	vst v0  }
0x19: {  	[tilespmem:$0x5010] =	vst v0  }
0x1a: {  	[tilespmem:$0x5020] =	vst v0  }
0x1b: {  	[tilespmem:$0x5030] =	vst v0  }
0x1c: {  	[tilespmem:$0x5040] =	vst v0  }
0x1d: {  	[tilespmem:$0x5050] =	vst v0  }
0x1e: {  	[tilespmem:$0x5060] =	vst v0  }
0x1f: {  	[tilespmem:$0x5070] =	vst v0  }
0x20: {  	[tilespmem:$0x5080] =	vst v0  }
0x21: {  	[tilespmem:$0x5090] =	vst v0  }
0x22: {  	[tilespmem:$0x50A0] =	vst v0  }
0x23: {  	[tilespmem:$0x50B0] =	vst v0  }
0x24: {  	[tilespmem:$0x50C0] =	vst v0  }
0x25: {  	[tilespmem:$0x50D0] =	vst v0  }
0x26: {  	[tilespmem:$0x50E0] =	vst v0  }
0x27: {  	[tilespmem:$0x50F0] =	vst v0  }
0x28: {  	[tilespmem:$0x5100] =	vst v0  }
0x29: {  	[tilespmem:$0x5110] =	vst v0  }
0x2a: {  	[tilespmem:$0x5120] =	vst v0  }
0x2b: {  	[tilespmem:$0x5130] =	vst v0  }
0x2c: {  	[tilespmem:$0x5140] =	vst v0  }
0x2d: {  	[tilespmem:$0x5150] =	vst v0  }
0x2e: {  	[tilespmem:$0x5160] =	vst v0  }
0x2f: {  	[tilespmem:$0x5170] =	vst v0  }
0x30: {  	[tilespmem:$0x5180] =	vst v0  }
0x31: {  	[tilespmem:$0x5190] =	vst v0  }
0x32: {  	[tilespmem:$0x51A0] =	vst v0  }
0x33: {  	[tilespmem:$0x51B0] =	vst v0  }
0x34: {  	[tilespmem:$0x51C0] =	vst v0  }
0x35: {  	[tilespmem:$0x51D0] =	vst v0  }
0x36: {  	[tilespmem:$0x51E0] =	vst v0  }
0x37: {  	[tilespmem:$0x51F0] =	vst v0  }
0x38: {  	[tilespmem:$0x4F00] =	vst v1  }
0x39: {  	[tilespmem:$0x4F10] =	vst v1  }
0x3a: {  	[tilespmem:$0x4F20] =	vst v1  }
0x3b: {  	[tilespmem:$0x4F30] =	vst v1  }
0x3c: {  	[tilespmem:$0x4F40] =	vst v1  }
0x3d: {  	[tilespmem:$0x4F50] =	vst v1  }
0x3e: {  	[tilespmem:$0x4F60] =	vst v1  }
0x3f: {  	[tilespmem:$0x4F70] =	vst v1  }
0x40: {  	[spmem:s5] =	stream.linear.scatter [tilespmem:s12], [sflag:$0x1], $0x280, $0x38;
	[tilespmem:$0x5700] =	vst v63  }
0x41: {  	_ =	swait.ge [sflag:s13], $0x280  }
0x42: {  	[sflag:s13] =	ssyncset.done $0x0  }
0x43: {  	[sflag:s13] =	ssyncadd.s32 $0xFFFFFD80  }
0x44: {  	[spmem:s6] =	stream.linear.scatter [tilespmem:s12], [sflag:$0x1], $0x280, $0x38;
	[tilespmem:$0x5700] =	vst v63  }
0x45: {  	_ =	swait.ge [sflag:s13], $0x280  }
0x46: {  	[sflag:s13] =	ssyncset.done $0x0  }
0x47: {  	[sflag:s13] =	ssyncadd.s32 $0xFFFFFD80  }
0x48: {  	[tilespmem:s4], [sflag:$0x1] =	stream.linear.gather [hbm4b:s7+s4], $0x2780, $0x38;
	[tilespmem:$0x5700] =	vst v63  }
0x49: {  	_ =	swait.ge [sflag:s13], $0x2780  }
0x4a: {  	[sflag:s13] =	ssyncset.done $0x0  }
0x4b: {  	[sflag:s13] =	ssyncadd.s32 $0xFFFFD880  }
0x4c: {  	[tilespmem:s14], [sflag:$0x1] =	stream.linear.gather [hbm4b:s8+s4], $0x2780, $0x38;
	[tilespmem:$0x5700] =	vst v63  }
0x4d: {  	_ =	swait.ge [sflag:s13], $0x2780  }
0x4e: {  	[sflag:s13] =	ssyncset.done $0x0  }
0x4f: {  	[sflag:s13] =	ssyncadd.s32 $0xFFFFD880  }
0x50: {  	s21 =	simm.s32 $0x0;
	[bflag:$0x0] =	sbarrier.arrive $0xFFFF  }
0x51: {  	[spmem:s2] =	stream.indirect.scatter.add.f32 [tilespmem:s16], [sflag:$0x1], $0x1, s21, s15, $0xb8;
	[tilespmem:$0x5700] =	vst v63  }
0x52: {  	_ =	swait.ge [sflag:s13], $0x80  }
0x53: {  	[sflag:s13] =	ssyncset.done $0x0  }
0x54: {  	s31 =	simm.s32 $0x2780;
	[sflag:s13] =	ssyncadd.s32 $0xFFFFFF80  }
0x55: {  	[spmem:s3] =	stream.indirect.scatter.add.f32 [tilespmem:s16], [sflag:$0x1], $0x1, s31, s15, $0xb8;
	[tilespmem:$0x5700] =	vst v63  }
0x56: {  	_ =	swait.ge [sflag:s13], $0x80  }
0x57: {  	s22 =	simm.s32 $0x400;
	s21 =	simm.s32 $0x200;
	[sflag:s13] =	ssyncset.done $0x0  }
.LBB2_2:
0x58: {  	s23 =	sshra.s32 s21, $0x2  }
0x59: {  	[sflag:s13] =	ssyncadd.s32 $0xFFFFFF80;
	s21 =	smov.u32 s22;
	s24 =	sadd.s32 $0x200, s22  }
0x5a: {  	[spmem:s2] =	stream.indirect.scatter.add.f32 [tilespmem:s16], [sflag:$0x1], $0x1, s23, s15, $0xb8;
	[tilespmem:$0x5700] =	vst v63  }
0x5b: {  	p0 =	sne.s32 s22, $0x9C00;
	_ =	swait.ge [sflag:s13], $0x80  }
.Ltmp0:
0x5c: {  	[sflag:s13] =	ssyncset.done $0x0;
	(pc) =	sbr.rel @p0 .LBB2_2-.Ltmp0, $4  }
0x5d: {  	s22 =	sadd.s32 $0x2780, s23;
	[sflag:s13] =	ssyncadd.s32 $0xFFFFFF80  }
0x5e: {  	[spmem:s3] =	stream.indirect.scatter.add.f32 [tilespmem:s16], [sflag:$0x1], $0x1, s22, s15, $0xb8;
	[tilespmem:$0x5700] =	vst v63  }
0x5f: {  	_ =	swait.ge [sflag:s13], $0x80  }
0x60: {  	s22 =	smov.u32 s24;
	[sflag:s13] =	ssyncset.done $0x0  }
0x61: {  	s21 =	sshra.s32 s21, $0x2;
	[sflag:s13] =	ssyncadd.s32 $0xFFFFFF80  }
0x62: {  	[spmem:s2] =	stream.indirect.scatter.add.f32 [tilespmem:s16], [sflag:$0x1], $0x1, s21, s15, $0xb8;
	[tilespmem:$0x5700] =	vst v63  }
0x63: {  	_ =	swait.ge [sflag:s13], $0x80  }
0x64: {  	[sflag:s13] =	ssyncset.done $0x0  }
0x65: {  	s21 =	sadd.s32 $0x2780, s21;
	[sflag:s13] =	ssyncadd.s32 $0xFFFFFF80  }
0x66: {  	[spmem:s3] =	stream.indirect.scatter.add.f32 [tilespmem:s16], [sflag:$0x1], $0x1, s21, s15, $0xb8;
	[tilespmem:$0x5700] =	vst v63  }
0x67: {  	_ =	swait.ge [sflag:s13], $0x80  }
0x68: {  	[sflag:s13] =	ssyncset.done $0x0  }
0x69: {  	[sflag:s13] =	ssyncadd.s32 $0xFFFFFF80  }
0x6a: {  	[bflag:$0x0] =	sbarrier.arrive $0xFFFF  }
0x6b: {  	[hbm:s9], [sflag:s17] =	dma.local [spmem:s18], $0x50  }
0x6c: {  	s20 =	sadd.s32 $0x1, s20;
	_ =	swait.ge [sflag:s13], $0x50  }
0x6d: {  	p0 =	sne.s32 s20, s11;
	[sflag:s13] =	ssyncset.done $0x0  }
.Ltmp1:
0x6e: {  	[sflag:s13] =	ssyncadd.s32 $0xFFFFFFB0;
	(pc) =	sbr.rel @p0 .LBB2_1-.Ltmp1, $4  }
0x6f: {  	[hbm:s10], [sflag:s17] =	dma.local [spmem:s19], $0x50  }
0x70: {  	_ =	swait.ge [sflag:s13], $0x50  }
0x71: {  	[sflag:s13] =	ssyncset.done $0x0  }
0x72: {  	[sflag:s13] =	ssyncadd.s32 $0xFFFFFFB0  }
0x73: {  	_ =	sfence.sel $0x180000  }
0x74: {  	[bflag:$0x0] =	sbarrier.arrive $0xFFFF  }
0x75: {  	p0 =	sne.s32 s0, $0x0;
	_ =	strace $0x90000047  }
0x76: {  	s0 =	sadd.s32 @!p0 $0x100000, s1;
	[bflag:$0x2] =	sbarrier.arrive $0xFFFF  }
0x77: {  	[sflag:s0] =	ssyncadd.tile.s32 @!p0 $0x1;
	_ =	shalt  }
.Lfunc_end2:
_tile_overlayer_lowered:
.L_overlay_start_2:
0x78: {  	(tag) =	ssettag $0x2  }
0x79: {  	s0 =	rddreg [dreg:$0x0];
	s2 =	stileid.u32  }
0x7a: {  	s1 =	rddreg [dreg:$0x1];
	p0 =	sne.s32 s2, $0x0  }
0x7b: {  	s3 =	rddreg [dreg:$0x2];
	[bflag:$0x3] =	sbarrier.arrive $0xFFFF;
	s2 =	simm.s32 @!p0 $0x1C01  }
0x7c: {  	[timem:s3], [sflag:s2] =	dma.local @!p0 [hbm:s0], s1  }
0x7d: {  	s0 =	simm.s32 @!p0 $0x1  }
0x7e: {  	_ =	swait.ge @!p0 [sflag:s0], s1  }
0x7f: {  	s1 =	ssub.s32 @!p0 $0x0, s1;
	[sflag:s0] =	ssyncset.done @!p0 $0x0  }
0x80: {  	[sflag:s0] =	ssyncadd.s32 @!p0 s1  }
0x81: {  	[bflag:$0x3] =	sbarrier.arrive $0xFFFF  }
0x82: {  	_ =	shalt  }

</sc_bundles>
